<compile_context>
chip_gen: v7x
topology: tpu7x:2x2x1
jax: 0.10.2.dev20260603
libtpu: 0.0.44.dev20260713+nightly
codegen_flags: <defaults>
</compile_context>

<pallas_src>
import functools

import jax
import jax.numpy as jnp
from jax import lax
from jax.experimental import pallas as pl
from jax.experimental.pallas import tpu as pltpu
from jax.experimental.pallas import tpu_sc as plsc

N_NODES = 100000
FEAT = 128
N_GRAPHS = 512

NC = 2
NS = 16
NW = NC * NS

CHUNK = 200
NSUB = 2
SUB = CHUNK // NSUB
N_CHUNKS = N_NODES // CHUNK
T_FULL = N_CHUNKS // NW
N_TAIL = N_CHUNKS - T_FULL * NW
ROWS_PER_TILE = N_GRAPHS // NS
NBUF = 4


def _sc_body(x_hbm, b_hbm, out_hbm, xbuf, zbuf, idxbuf, acc, semx, semi, sems):
    c = lax.axis_index("c")
    s = lax.axis_index("s")
    wid = c * NS + s

    def fire_copy(t, b):
        j = wid + t * NW
        dx = pltpu.async_copy(x_hbm.at[pl.ds(j * CHUNK, CHUNK)], xbuf.at[b],
                              semx[b])
        di = pltpu.async_copy(b_hbm.at[j], idxbuf.at[b], semi[b])
        return dx, di

    def fire_scatter(b):
        return [
            pltpu.async_copy(xbuf.at[b, pl.ds(u * SUB, SUB)],
                             acc.at[idxbuf.at[b, u]], sems[b], add=True)
            for u in range(NSUB)
        ]

    cdescs = [None] * NBUF
    sdescs = [None] * NBUF
    for t in range(min(2, T_FULL)):
        cdescs[t % NBUF] = fire_copy(t, t % NBUF)

    def zero_row(i, carry):
        for l in range(FEAT // 16):
            zbuf[i, pl.ds(l * 16, 16)] = jnp.zeros((16,), jnp.float32)
        return carry

    lax.fori_loop(0, ROWS_PER_TILE, zero_row, 0)
    pltpu.sync_copy(zbuf, acc.at[pl.ds(s * ROWS_PER_TILE, ROWS_PER_TILE)])
    plsc.subcore_barrier()

    for t in range(T_FULL):
        b = t % NBUF
        dx, di = cdescs[b]
        dx.wait()
        di.wait()
        sdescs[b] = fire_scatter(b)
        tn = t + 2
        if tn < T_FULL:
            bn = tn % NBUF
            if sdescs[bn] is not None:
                for d in sdescs[bn]:
                    d.wait()
                sdescs[bn] = None
            cdescs[bn] = fire_copy(tn, bn)
    for b in range(NBUF):
        if sdescs[b] is not None:
            for d in sdescs[b]:
                d.wait()

    @pl.when(wid < N_TAIL)
    def _():
        j = wid + T_FULL * NW
        pltpu.sync_copy(x_hbm.at[pl.ds(j * CHUNK, CHUNK)], xbuf.at[0])
        pltpu.sync_copy(b_hbm.at[j], idxbuf.at[0])
        for u in range(NSUB):
            pltpu.sync_copy(xbuf.at[0, pl.ds(u * SUB, SUB)],
                            acc.at[idxbuf.at[0, u]], add=True)

    plsc.subcore_barrier()

    pltpu.sync_copy(acc.at[pl.ds(s * ROWS_PER_TILE, ROWS_PER_TILE)],
                    out_hbm.at[c, pl.ds(s * ROWS_PER_TILE, ROWS_PER_TILE)])


@functools.partial(
    pl.kernel,
    out_type=jax.ShapeDtypeStruct((NC, N_GRAPHS, FEAT), jnp.float32),
    mesh=plsc.VectorSubcoreMesh(core_axis_name="c", subcore_axis_name="s"),
    scratch_types=[
        pltpu.VMEM((NBUF, CHUNK, FEAT), jnp.float32),
        pltpu.VMEM((ROWS_PER_TILE, FEAT), jnp.float32),
        pltpu.VMEM((NBUF, NSUB, SUB), jnp.int32),
        pltpu.VMEM_SHARED((N_GRAPHS, FEAT), jnp.float32),
        [pltpu.SemaphoreType.DMA] * NBUF,
        [pltpu.SemaphoreType.DMA] * NBUF,
        [pltpu.SemaphoreType.DMA] * NBUF,
    ],
)
def _sc_segment_sum(x_hbm, b_hbm, out_hbm, xbuf, zbuf, idxbuf, acc,
                    semx, semi, sems):
    _sc_body(x_hbm, b_hbm, out_hbm, xbuf, zbuf, idxbuf, acc, semx, semi, sems)


def _add_body(p_ref, o_ref):
    o_ref[...] = p_ref[0] + p_ref[1]


_merge = pl.pallas_call(
    _add_body,
    out_shape=jax.ShapeDtypeStruct((N_GRAPHS, FEAT), jnp.float32),
)


@jax.jit
def kernel(x, batch):
    batch3 = batch.reshape(N_CHUNKS, NSUB, SUB)
    partials = _sc_segment_sum(x, batch3)
    return _merge(partials)

# --- scband reference (transcript-rebuilt; emitter-appended) ---
"""Pipeline reference for scband-graph-add-pooling-39539468927441 (READ-ONLY COPY).

The authoritative reference and input builder live on the scoring server;
editing this copy changes nothing except your own understanding.
"""

import jax, jax.numpy as jnp
import numpy as np

NUM_NODES = 100000
FEAT_DIM = 128
NUM_GRAPHS = 512

def setup_inputs(seed: int = 0) -> dict:
    key = jax.random.key(seed)
    k1, k2 = jax.random.split(key)
    x = jax.random.normal(k1, (NUM_NODES, FEAT_DIM), dtype=jnp.float32)
    batch = jnp.sort(jax.random.randint(k2, (NUM_NODES,), 0, NUM_GRAPHS, dtype=jnp.int32))
    return {"x": x, "batch": batch}

def reference(x, batch):
    # scatter-add of node features into per-graph buckets: out[b] = sum_{i: batch[i]==b} x[i]
    out = jax.ops.segment_sum(x, batch, num_segments=NUM_GRAPHS)
    return out

if __name__ == "__main__":
    import jax
    _d = setup_inputs()
    print(jax.jit(kernel)(*tuple(_d.values())))

</pallas_src>

<mosaic_0001>
#map = affine_map<(d0, d1) -> (0, 0)>
#map1 = affine_map<(d0, d1) -> (0, 0, 0)>
module attributes {stable_mosaic.version = 14 : i64} {
  func.func @_sc_segment_sum(%arg0: i32, %arg1: i32, %arg2: memref<100000x128xf32, #tpu.memory_space<hbm>>, %arg3: memref<500x2x100xi32, #tpu.memory_space<hbm>>, %arg4: memref<2x512x128xf32, #tpu.memory_space<hbm>>, %arg5: memref<4x200x128xf32, #tpu.memory_space<vmem>>, %arg6: memref<32x128xf32, #tpu.memory_space<vmem>>, %arg7: memref<4x2x100xi32, #tpu.memory_space<vmem>>, %arg8: memref<512x128xf32, #tpu.memory_space<vmem_shared>>, %arg9: memref<!tpu.dma_semaphore, #tpu.memory_space<semaphore_mem>>, %arg10: memref<!tpu.dma_semaphore, #tpu.memory_space<semaphore_mem>>, %arg11: memref<!tpu.dma_semaphore, #tpu.memory_space<semaphore_mem>>, %arg12: memref<!tpu.dma_semaphore, #tpu.memory_space<semaphore_mem>>, %arg13: memref<!tpu.dma_semaphore, #tpu.memory_space<semaphore_mem>>, %arg14: memref<!tpu.dma_semaphore, #tpu.memory_space<semaphore_mem>>, %arg15: memref<!tpu.dma_semaphore, #tpu.memory_space<semaphore_mem>>, %arg16: memref<!tpu.dma_semaphore, #tpu.memory_space<semaphore_mem>>, %arg17: memref<!tpu.dma_semaphore, #tpu.memory_space<semaphore_mem>>, %arg18: memref<!tpu.dma_semaphore, #tpu.memory_space<semaphore_mem>>, %arg19: memref<!tpu.dma_semaphore, #tpu.memory_space<semaphore_mem>>, %arg20: memref<!tpu.dma_semaphore, #tpu.memory_space<semaphore_mem>>) attributes {dimension_semantics = [#tpu.dimension_semantics<core_parallel>, #tpu.dimension_semantics<subcore_parallel>], iteration_bounds = array<i64: 2, 16>, scalar_prefetch = 0 : i64, scratch_operands = 16 : i64, tpu.core_type = #tpu.core_type<sc_vector_subcore>, window_params = [{transform_indices = #map}, {transform_indices = #map1}, {transform_indices = #map1}]} {
    %mul3A = arith.constant 16 : i32
    %mul3A_0 = arith.muli %arg0, %mul3A : i32
    %add3A = arith.addi %mul3A_0, %arg1 : i32
    %add3A_1 = arith.constant 0 : i32
    %add3A_2 = arith.addi %add3A, %add3A_1 : i32
    %mul3A_3 = arith.constant 200 : i32
    %mul3A_4 = arith.muli %add3A_2, %mul3A_3 : i32
    %dma_start3A = arith.constant 0 : i32
    %dma_start3A_5 = arith.constant 0 : i32
    %dma_start3A_6 = arith.constant 0 : i32
    %dma_start3A_7 = tpu.memref_slice %arg5[%dma_start3A, %dma_start3A_5, %dma_start3A_6] : memref<4x200x128xf32, #tpu.memory_space<vmem>> -> memref<1x200x128xf32, #tpu.memory_space<vmem>>
    %dma_start3A_8 = tpu.memref_squeeze %dma_start3A_7 : memref<1x200x128xf32, #tpu.memory_space<vmem>> -> memref<200x128xf32, #tpu.memory_space<vmem>>
    %dma_start3A_9 = arith.constant 0 : i32
    %dma_start3A_10 = tpu.memref_slice %arg2[%mul3A_4, %dma_start3A_9] : memref<100000x128xf32, #tpu.memory_space<hbm>> -> memref<200x128xf32, #tpu.memory_space<hbm>>
    %dma_start3A_11 = arith.constant 0 : i32
    %dma_start3A_12 = arith.constant 0 : i32
    %dma_start3A_13 = tpu.memref_slice %arg5[%dma_start3A, %dma_start3A_11, %dma_start3A_12] : memref<4x200x128xf32, #tpu.memory_space<vmem>> -> memref<1x200x128xf32, #tpu.memory_space<vmem>>
    %dma_start3A_14 = tpu.memref_squeeze %dma_start3A_13 : memref<1x200x128xf32, #tpu.memory_space<vmem>> -> memref<200x128xf32, #tpu.memory_space<vmem>>
    %dma_start3A_15 = arith.constant 0 : i32
    %dma_start3A_16 = tpu.memref_slice %arg2[%mul3A_4, %dma_start3A_15] : memref<100000x128xf32, #tpu.memory_space<hbm>> -> memref<200x128xf32, #tpu.memory_space<hbm>>
    tpu.enqueue_dma source(%dma_start3A_16 : memref<200x128xf32, #tpu.memory_space<hbm>>) target(%dma_start3A_14 : memref<200x128xf32, #tpu.memory_space<vmem>>) target_semaphore(%arg9 : memref<!tpu.dma_semaphore, #tpu.memory_space<semaphore_mem>>)
    %dma_start3A_17 = arith.constant 0 : i32
    %dma_start3A_18 = arith.constant 0 : i32
    %dma_start3A_19 = arith.constant 0 : i32
    %dma_start3A_20 = tpu.memref_slice %arg7[%dma_start3A_17, %dma_start3A_18, %dma_start3A_19] : memref<4x2x100xi32, #tpu.memory_space<vmem>> -> memref<1x2x100xi32, #tpu.memory_space<vmem>>
    %dma_start3A_21 = tpu.memref_squeeze %dma_start3A_20 : memref<1x2x100xi32, #tpu.memory_space<vmem>> -> memref<2x100xi32, #tpu.memory_space<vmem>>
    %dma_start3A_22 = arith.constant 0 : i32
    %dma_start3A_23 = arith.constant 0 : i32
    %dma_start3A_24 = tpu.memref_slice %arg3[%add3A_2, %dma_start3A_22, %dma_start3A_23] : memref<500x2x100xi32, #tpu.memory_space<hbm>> -> memref<1x2x100xi32, #tpu.memory_space<hbm>>
    %dma_start3A_25 = tpu.memref_squeeze %dma_start3A_24 : memref<1x2x100xi32, #tpu.memory_space<hbm>> -> memref<2x100xi32, #tpu.memory_space<hbm>>
    %dma_start3A_26 = arith.constant 0 : i32
    %dma_start3A_27 = arith.constant 0 : i32
    %dma_start3A_28 = tpu.memref_slice %arg7[%dma_start3A_17, %dma_start3A_26, %dma_start3A_27] : memref<4x2x100xi32, #tpu.memory_space<vmem>> -> memref<1x2x100xi32, #tpu.memory_space<vmem>>
    %dma_start3A_29 = tpu.memref_squeeze %dma_start3A_28 : memref<1x2x100xi32, #tpu.memory_space<vmem>> -> memref<2x100xi32, #tpu.memory_space<vmem>>
    %dma_start3A_30 = arith.constant 0 : i32
    %dma_start3A_31 = arith.constant 0 : i32
    %dma_start3A_32 = tpu.memref_slice %arg3[%add3A_2, %dma_start3A_30, %dma_start3A_31] : memref<500x2x100xi32, #tpu.memory_space<hbm>> -> memref<1x2x100xi32, #tpu.memory_space<hbm>>
    %dma_start3A_33 = tpu.memref_squeeze %dma_start3A_32 : memref<1x2x100xi32, #tpu.memory_space<hbm>> -> memref<2x100xi32, #tpu.memory_space<hbm>>
    tpu.enqueue_dma source(%dma_start3A_33 : memref<2x100xi32, #tpu.memory_space<hbm>>) target(%dma_start3A_29 : memref<2x100xi32, #tpu.memory_space<vmem>>) target_semaphore(%arg13 : memref<!tpu.dma_semaphore, #tpu.memory_space<semaphore_mem>>)
    %add3A_34 = arith.constant 32 : i32
    %add3A_35 = arith.addi %add3A, %add3A_34 : i32
    %mul3A_36 = arith.constant 200 : i32
    %mul3A_37 = arith.muli %add3A_35, %mul3A_36 : i32
    %dma_start3A_38 = arith.constant 1 : i32
    %dma_start3A_39 = arith.constant 0 : i32
    %dma_start3A_40 = arith.constant 0 : i32
    %dma_start3A_41 = tpu.memref_slice %arg5[%dma_start3A_38, %dma_start3A_39, %dma_start3A_40] : memref<4x200x128xf32, #tpu.memory_space<vmem>> -> memref<1x200x128xf32, #tpu.memory_space<vmem>>
    %dma_start3A_42 = tpu.memref_squeeze %dma_start3A_41 : memref<1x200x128xf32, #tpu.memory_space<vmem>> -> memref<200x128xf32, #tpu.memory_space<vmem>>
    %dma_start3A_43 = arith.constant 0 : i32
    %dma_start3A_44 = tpu.memref_slice %arg2[%mul3A_37, %dma_start3A_43] : memref<100000x128xf32, #tpu.memory_space<hbm>> -> memref<200x128xf32, #tpu.memory_space<hbm>>
    %dma_start3A_45 = arith.constant 0 : i32
    %dma_start3A_46 = arith.constant 0 : i32
    %dma_start3A_47 = tpu.memref_slice %arg5[%dma_start3A_38, %dma_start3A_45, %dma_start3A_46] : memref<4x200x128xf32, #tpu.memory_space<vmem>> -> memref<1x200x128xf32, #tpu.memory_space<vmem>>
    %dma_start3A_48 = tpu.memref_squeeze %dma_start3A_47 : memref<1x200x128xf32, #tpu.memory_space<vmem>> -> memref<200x128xf32, #tpu.memory_space<vmem>>
    %dma_start3A_49 = arith.constant 0 : i32
    %dma_start3A_50 = tpu.memref_slice %arg2[%mul3A_37, %dma_start3A_49] : memref<100000x128xf32, #tpu.memory_space<hbm>> -> memref<200x128xf32, #tpu.memory_space<hbm>>
    tpu.enqueue_dma source(%dma_start3A_50 : memref<200x128xf32, #tpu.memory_space<hbm>>) target(%dma_start3A_48 : memref<200x128xf32, #tpu.memory_space<vmem>>) target_semaphore(%arg10 : memref<!tpu.dma_semaphore, #tpu.memory_space<semaphore_mem>>)
    %dma_start3A_51 = arith.constant 1 : i32
    %dma_start3A_52 = arith.constant 0 : i32
    %dma_start3A_53 = arith.constant 0 : i32
    %dma_start3A_54 = tpu.memref_slice %arg7[%dma_start3A_51, %dma_start3A_52, %dma_start3A_53] : memref<4x2x100xi32, #tpu.memory_space<vmem>> -> memref<1x2x100xi32, #tpu.memory_space<vmem>>
    %dma_start3A_55 = tpu.memref_squeeze %dma_start3A_54 : memref<1x2x100xi32, #tpu.memory_space<vmem>> -> memref<2x100xi32, #tpu.memory_space<vmem>>
    %dma_start3A_56 = arith.constant 0 : i32
    %dma_start3A_57 = arith.constant 0 : i32
    %dma_start3A_58 = tpu.memref_slice %arg3[%add3A_35, %dma_start3A_56, %dma_start3A_57] : memref<500x2x100xi32, #tpu.memory_space<hbm>> -> memref<1x2x100xi32, #tpu.memory_space<hbm>>
    %dma_start3A_59 = tpu.memref_squeeze %dma_start3A_58 : memref<1x2x100xi32, #tpu.memory_space<hbm>> -> memref<2x100xi32, #tpu.memory_space<hbm>>
    %dma_start3A_60 = arith.constant 0 : i32
    %dma_start3A_61 = arith.constant 0 : i32
    %dma_start3A_62 = tpu.memref_slice %arg7[%dma_start3A_51, %dma_start3A_60, %dma_start3A_61] : memref<4x2x100xi32, #tpu.memory_space<vmem>> -> memref<1x2x100xi32, #tpu.memory_space<vmem>>
    %dma_start3A_63 = tpu.memref_squeeze %dma_start3A_62 : memref<1x2x100xi32, #tpu.memory_space<vmem>> -> memref<2x100xi32, #tpu.memory_space<vmem>>
    %dma_start3A_64 = arith.constant 0 : i32
    %dma_start3A_65 = arith.constant 0 : i32
    %dma_start3A_66 = tpu.memref_slice %arg3[%add3A_35, %dma_start3A_64, %dma_start3A_65] : memref<500x2x100xi32, #tpu.memory_space<hbm>> -> memref<1x2x100xi32, #tpu.memory_space<hbm>>
    %dma_start3A_67 = tpu.memref_squeeze %dma_start3A_66 : memref<1x2x100xi32, #tpu.memory_space<hbm>> -> memref<2x100xi32, #tpu.memory_space<hbm>>
    tpu.enqueue_dma source(%dma_start3A_67 : memref<2x100xi32, #tpu.memory_space<hbm>>) target(%dma_start3A_63 : memref<2x100xi32, #tpu.memory_space<vmem>>) target_semaphore(%arg14 : memref<!tpu.dma_semaphore, #tpu.memory_space<semaphore_mem>>)
    %scan3A = arith.constant 0 : i32
    %scan3A_68 = arith.constant 0 : i32
    %scan3A_69 = arith.constant 32 : i32
    %scan3A_70 = arith.addi %scan3A_68, %scan3A_69 : i32
    %scan3A_71 = arith.constant 1 : i32
    scf.for %scan3A_1753 = %scan3A_68 to %scan3A_70 step %scan3A_71  : i32 {
      %broadcast_in_dim3A = arith.constant 0.000000e+00 : f32
      %broadcast_in_dim3A_1754 = vector.broadcast %broadcast_in_dim3A : f32 to vector<16xf32>
      %swap3A = arith.index_cast %scan3A_1753 : i32 to index
      %swap3A_1755 = arith.constant 0 : index
      %swap3A_1756 = tpu.vector_load %arg6[%swap3A, %swap3A_1755] {strides = array<i32>} : memref<32x128xf32, #tpu.memory_space<vmem>>, vector<1x16xf32>,
      %swap3A_1757 = vector.shape_cast %swap3A_1756 : vector<1x16xf32> to vector<16xf32>
      %swap3A_1758 = vector.shape_cast %broadcast_in_dim3A_1754 : vector<16xf32> to vector<1x16xf32>
      tpu.vector_store %arg6[%swap3A, %swap3A_1755], %swap3A_1758 {strides = array<i32>} : memref<32x128xf32, #tpu.memory_space<vmem>>, vector<1x16xf32>,
      %broadcast_in_dim3A_1759 = arith.constant 0.000000e+00 : f32
      %broadcast_in_dim3A_1760 = vector.broadcast %broadcast_in_dim3A_1759 : f32 to vector<16xf32>
      %swap3A_1761 = arith.index_cast %scan3A_1753 : i32 to index
      %swap3A_1762 = arith.constant 16 : index
      %swap3A_1763 = tpu.vector_load %arg6[%swap3A_1761, %swap3A_1762] {strides = array<i32>} : memref<32x128xf32, #tpu.memory_space<vmem>>, vector<1x16xf32>,
      %swap3A_1764 = vector.shape_cast %swap3A_1763 : vector<1x16xf32> to vector<16xf32>
      %swap3A_1765 = vector.shape_cast %broadcast_in_dim3A_1760 : vector<16xf32> to vector<1x16xf32>
      tpu.vector_store %arg6[%swap3A_1761, %swap3A_1762], %swap3A_1765 {strides = array<i32>} : memref<32x128xf32, #tpu.memory_space<vmem>>, vector<1x16xf32>,
      %broadcast_in_dim3A_1766 = arith.constant 0.000000e+00 : f32
      %broadcast_in_dim3A_1767 = vector.broadcast %broadcast_in_dim3A_1766 : f32 to vector<16xf32>
      %swap3A_1768 = arith.index_cast %scan3A_1753 : i32 to index
      %swap3A_1769 = arith.constant 32 : index
      %swap3A_1770 = tpu.vector_load %arg6[%swap3A_1768, %swap3A_1769] {strides = array<i32>} : memref<32x128xf32, #tpu.memory_space<vmem>>, vector<1x16xf32>,
      %swap3A_1771 = vector.shape_cast %swap3A_1770 : vector<1x16xf32> to vector<16xf32>
      %swap3A_1772 = vector.shape_cast %broadcast_in_dim3A_1767 : vector<16xf32> to vector<1x16xf32>
      tpu.vector_store %arg6[%swap3A_1768, %swap3A_1769], %swap3A_1772 {strides = array<i32>} : memref<32x128xf32, #tpu.memory_space<vmem>>, vector<1x16xf32>,
      %broadcast_in_dim3A_1773 = arith.constant 0.000000e+00 : f32
      %broadcast_in_dim3A_1774 = vector.broadcast %broadcast_in_dim3A_1773 : f32 to vector<16xf32>
      %swap3A_1775 = arith.index_cast %scan3A_1753 : i32 to index
      %swap3A_1776 = arith.constant 48 : index
      %swap3A_1777 = tpu.vector_load %arg6[%swap3A_1775, %swap3A_1776] {strides = array<i32>} : memref<32x128xf32, #tpu.memory_space<vmem>>, vector<1x16xf32>,
      %swap3A_1778 = vector.shape_cast %swap3A_1777 : vector<1x16xf32> to vector<16xf32>
      %swap3A_1779 = vector.shape_cast %broadcast_in_dim3A_1774 : vector<16xf32> to vector<1x16xf32>
      tpu.vector_store %arg6[%swap3A_1775, %swap3A_1776], %swap3A_1779 {strides = array<i32>} : memref<32x128xf32, #tpu.memory_space<vmem>>, vector<1x16xf32>,
      %broadcast_in_dim3A_1780 = arith.constant 0.000000e+00 : f32
      %broadcast_in_dim3A_1781 = vector.broadcast %broadcast_in_dim3A_1780 : f32 to vector<16xf32>
      %swap3A_1782 = arith.index_cast %scan3A_1753 : i32 to index
      %swap3A_1783 = arith.constant 64 : index
      %swap3A_1784 = tpu.vector_load %arg6[%swap3A_1782, %swap3A_1783] {strides = array<i32>} : memref<32x128xf32, #tpu.memory_space<vmem>>, vector<1x16xf32>,
      %swap3A_1785 = vector.shape_cast %swap3A_1784 : vector<1x16xf32> to vector<16xf32>
      %swap3A_1786 = vector.shape_cast %broadcast_in_dim3A_1781 : vector<16xf32> to vector<1x16xf32>
      tpu.vector_store %arg6[%swap3A_1782, %swap3A_1783], %swap3A_1786 {strides = array<i32>} : memref<32x128xf32, #tpu.memory_space<vmem>>, vector<1x16xf32>,
      %broadcast_in_dim3A_1787 = arith.constant 0.000000e+00 : f32
      %broadcast_in_dim3A_1788 = vector.broadcast %broadcast_in_dim3A_1787 : f32 to vector<16xf32>
      %swap3A_1789 = arith.index_cast %scan3A_1753 : i32 to index
      %swap3A_1790 = arith.constant 80 : index
      %swap3A_1791 = tpu.vector_load %arg6[%swap3A_1789, %swap3A_1790] {strides = array<i32>} : memref<32x128xf32, #tpu.memory_space<vmem>>, vector<1x16xf32>,
      %swap3A_1792 = vector.shape_cast %swap3A_1791 : vector<1x16xf32> to vector<16xf32>
      %swap3A_1793 = vector.shape_cast %broadcast_in_dim3A_1788 : vector<16xf32> to vector<1x16xf32>
      tpu.vector_store %arg6[%swap3A_1789, %swap3A_1790], %swap3A_1793 {strides = array<i32>} : memref<32x128xf32, #tpu.memory_space<vmem>>, vector<1x16xf32>,
      %broadcast_in_dim3A_1794 = arith.constant 0.000000e+00 : f32
      %broadcast_in_dim3A_1795 = vector.broadcast %broadcast_in_dim3A_1794 : f32 to vector<16xf32>
      %swap3A_1796 = arith.index_cast %scan3A_1753 : i32 to index
      %swap3A_1797 = arith.constant 96 : index
      %swap3A_1798 = tpu.vector_load %arg6[%swap3A_1796, %swap3A_1797] {strides = array<i32>} : memref<32x128xf32, #tpu.memory_space<vmem>>, vector<1x16xf32>,
      %swap3A_1799 = vector.shape_cast %swap3A_1798 : vector<1x16xf32> to vector<16xf32>
      %swap3A_1800 = vector.shape_cast %broadcast_in_dim3A_1795 : vector<16xf32> to vector<1x16xf32>
      tpu.vector_store %arg6[%swap3A_1796, %swap3A_1797], %swap3A_1800 {strides = array<i32>} : memref<32x128xf32, #tpu.memory_space<vmem>>, vector<1x16xf32>,
      %broadcast_in_dim3A_1801 = arith.constant 0.000000e+00 : f32
      %broadcast_in_dim3A_1802 = vector.broadcast %broadcast_in_dim3A_1801 : f32 to vector<16xf32>
      %swap3A_1803 = arith.index_cast %scan3A_1753 : i32 to index
      %swap3A_1804 = arith.constant 112 : index
      %swap3A_1805 = tpu.vector_load %arg6[%swap3A_1803, %swap3A_1804] {strides = array<i32>} : memref<32x128xf32, #tpu.memory_space<vmem>>, vector<1x16xf32>,
      %swap3A_1806 = vector.shape_cast %swap3A_1805 : vector<1x16xf32> to vector<16xf32>
      %swap3A_1807 = vector.shape_cast %broadcast_in_dim3A_1802 : vector<16xf32> to vector<1x16xf32>
      tpu.vector_store %arg6[%swap3A_1803, %swap3A_1804], %swap3A_1807 {strides = array<i32>} : memref<32x128xf32, #tpu.memory_space<vmem>>, vector<1x16xf32>,
    }
    %scan3A_72 = arith.constant 32 : i32
    %mul3A_73 = arith.constant 32 : i32
    %mul3A_74 = arith.muli %arg1, %mul3A_73 : i32
    "tpu.region"() ({
      %run_scoped3A = tpu.sem_alloc : memref<!tpu.dma_semaphore, #tpu.memory_space<semaphore_mem>>
      %dma_start3A_1753 = arith.constant 0 : i32
      %dma_start3A_1754 = tpu.memref_slice %arg8[%mul3A_74, %dma_start3A_1753] : memref<512x128xf32, #tpu.memory_space<vmem_shared>> -> memref<32x128xf32, #tpu.memory_space<vmem_shared>>
      %dma_start3A_1755 = arith.constant 0 : i32
      %dma_start3A_1756 = tpu.memref_slice %arg8[%mul3A_74, %dma_start3A_1755] : memref<512x128xf32, #tpu.memory_space<vmem_shared>> -> memref<32x128xf32, #tpu.memory_space<vmem_shared>>
      tpu.enqueue_dma source(%arg6 : memref<32x128xf32, #tpu.memory_space<vmem>>) target(%dma_start3A_1756 : memref<32x128xf32, #tpu.memory_space<vmem_shared>>) target_semaphore(%run_scoped3A : memref<!tpu.dma_semaphore, #tpu.memory_space<semaphore_mem>>)
      %dma_wait3A_1757 = arith.constant 0 : i32
      %dma_wait3A_1758 = tpu.memref_slice %arg8[%mul3A_74, %dma_wait3A_1757] : memref<512x128xf32, #tpu.memory_space<vmem_shared>> -> memref<32x128xf32, #tpu.memory_space<vmem_shared>>
      %dma_wait3A_1759 = arith.constant 0 : i32
      %dma_wait3A_1760 = tpu.memref_slice %arg8[%mul3A_74, %dma_wait3A_1759] : memref<512x128xf32, #tpu.memory_space<vmem_shared>> -> memref<32x128xf32, #tpu.memory_space<vmem_shared>>
      tpu.wait_dma2 semaphore(%run_scoped3A : memref<!tpu.dma_semaphore, #tpu.memory_space<semaphore_mem>>) src(%arg6 : memref<32x128xf32, #tpu.memory_space<vmem>>) dst(%dma_wait3A_1760 : memref<32x128xf32, #tpu.memory_space<vmem_shared>>)
      tpu.yield
    }) : () -> ()
    %barrier3A = arith.constant 0 : index
    tpu.barrier barrier_id(%barrier3A)
    %dma_wait3A = arith.constant 0 : i32
    %dma_wait3A_75 = arith.constant 0 : i32
    %dma_wait3A_76 = arith.constant 0 : i32
    %dma_wait3A_77 = tpu.memref_slice %arg5[%dma_wait3A, %dma_wait3A_75, %dma_wait3A_76] : memref<4x200x128xf32, #tpu.memory_space<vmem>> -> memref<1x200x128xf32, #tpu.memory_space<vmem>>
    %dma_wait3A_78 = tpu.memref_squeeze %dma_wait3A_77 : memref<1x200x128xf32, #tpu.memory_space<vmem>> -> memref<200x128xf32, #tpu.memory_space<vmem>>
    %dma_wait3A_79 = arith.constant 0 : i32
    %dma_wait3A_80 = tpu.memref_slice %arg2[%mul3A_4, %dma_wait3A_79] : memref<100000x128xf32, #tpu.memory_space<hbm>> -> memref<200x128xf32, #tpu.memory_space<hbm>>
    %dma_wait3A_81 = arith.constant 0 : i32
    %dma_wait3A_82 = arith.constant 0 : i32
    %dma_wait3A_83 = tpu.memref_slice %arg5[%dma_wait3A, %dma_wait3A_81, %dma_wait3A_82] : memref<4x200x128xf32, #tpu.memory_space<vmem>> -> memref<1x200x128xf32, #tpu.memory_space<vmem>>
    %dma_wait3A_84 = tpu.memref_squeeze %dma_wait3A_83 : memref<1x200x128xf32, #tpu.memory_space<vmem>> -> memref<200x128xf32, #tpu.memory_space<vmem>>
    %dma_wait3A_85 = arith.constant 0 : i32
    %dma_wait3A_86 = tpu.memref_slice %arg2[%mul3A_4, %dma_wait3A_85] : memref<100000x128xf32, #tpu.memory_space<hbm>> -> memref<200x128xf32, #tpu.memory_space<hbm>>
    tpu.wait_dma2 semaphore(%arg9 : memref<!tpu.dma_semaphore, #tpu.memory_space<semaphore_mem>>) src(%dma_wait3A_86 : memref<200x128xf32, #tpu.memory_space<hbm>>) dst(%dma_wait3A_84 : memref<200x128xf32, #tpu.memory_space<vmem>>)
    %dma_wait3A_87 = arith.constant 0 : i32
    %dma_wait3A_88 = arith.constant 0 : i32
    %dma_wait3A_89 = arith.constant 0 : i32
    %dma_wait3A_90 = tpu.memref_slice %arg7[%dma_wait3A_87, %dma_wait3A_88, %dma_wait3A_89] : memref<4x2x100xi32, #tpu.memory_space<vmem>> -> memref<1x2x100xi32, #tpu.memory_space<vmem>>
    %dma_wait3A_91 = tpu.memref_squeeze %dma_wait3A_90 : memref<1x2x100xi32, #tpu.memory_space<vmem>> -> memref<2x100xi32, #tpu.memory_space<vmem>>
    %dma_wait3A_92 = arith.constant 0 : i32
    %dma_wait3A_93 = arith.constant 0 : i32
    %dma_wait3A_94 = tpu.memref_slice %arg3[%add3A_2, %dma_wait3A_92, %dma_wait3A_93] : memref<500x2x100xi32, #tpu.memory_space<hbm>> -> memref<1x2x100xi32, #tpu.memory_space<hbm>>
    %dma_wait3A_95 = tpu.memref_squeeze %dma_wait3A_94 : memref<1x2x100xi32, #tpu.memory_space<hbm>> -> memref<2x100xi32, #tpu.memory_space<hbm>>
    %dma_wait3A_96 = arith.constant 0 : i32
    %dma_wait3A_97 = arith.constant 0 : i32
    %dma_wait3A_98 = tpu.memref_slice %arg7[%dma_wait3A_87, %dma_wait3A_96, %dma_wait3A_97] : memref<4x2x100xi32, #tpu.memory_space<vmem>> -> memref<1x2x100xi32, #tpu.memory_space<vmem>>
    %dma_wait3A_99 = tpu.memref_squeeze %dma_wait3A_98 : memref<1x2x100xi32, #tpu.memory_space<vmem>> -> memref<2x100xi32, #tpu.memory_space<vmem>>
    %dma_wait3A_100 = arith.constant 0 : i32
    %dma_wait3A_101 = arith.constant 0 : i32
    %dma_wait3A_102 = tpu.memref_slice %arg3[%add3A_2, %dma_wait3A_100, %dma_wait3A_101] : memref<500x2x100xi32, #tpu.memory_space<hbm>> -> memref<1x2x100xi32, #tpu.memory_space<hbm>>
    %dma_wait3A_103 = tpu.memref_squeeze %dma_wait3A_102 : memref<1x2x100xi32, #tpu.memory_space<hbm>> -> memref<2x100xi32, #tpu.memory_space<hbm>>
    tpu.wait_dma2 semaphore(%arg13 : memref<!tpu.dma_semaphore, #tpu.memory_space<semaphore_mem>>) src(%dma_wait3A_103 : memref<2x100xi32, #tpu.memory_space<hbm>>) dst(%dma_wait3A_99 : memref<2x100xi32, #tpu.memory_space<vmem>>)
    %dma_start3A_104 = arith.constant 0 : i32
    %dma_start3A_105 = arith.constant 0 : i32
    %dma_start3A_106 = arith.constant 0 : i32
    %dma_start3A_107 = arith.constant 0 : i32
    %dma_start3A_108 = arith.constant 0 : i32
    %dma_start3A_109 = tpu.memref_slice %arg5[%dma_start3A_104, %dma_start3A_107, %dma_start3A_108] : memref<4x200x128xf32, #tpu.memory_space<vmem>> -> memref<1x100x128xf32, #tpu.memory_space<vmem>>
    %dma_start3A_110 = tpu.memref_squeeze %dma_start3A_109 : memref<1x100x128xf32, #tpu.memory_space<vmem>> -> memref<100x128xf32, #tpu.memory_space<vmem>>
    %dma_start3A_111 = arith.constant 0 : i32
    %dma_start3A_112 = tpu.memref_slice %arg7[%dma_start3A_105, %dma_start3A_106, %dma_start3A_111] : memref<4x2x100xi32, #tpu.memory_space<vmem>> -> memref<1x1x100xi32, #tpu.memory_space<vmem>>
    %dma_start3A_113 = tpu.memref_squeeze %dma_start3A_112 : memref<1x1x100xi32, #tpu.memory_space<vmem>> -> memref<100xi32, #tpu.memory_space<vmem>>
    %dma_start3A_114 = arith.constant 0 : i32
    %dma_start3A_115 = arith.constant 0 : i32
    %dma_start3A_116 = tpu.memref_slice %arg8[%dma_start3A_114, %dma_start3A_115] : memref<512x128xf32, #tpu.memory_space<vmem_shared>> -> memref<512x128xf32, #tpu.memory_space<vmem_shared>>
    tpu.enqueue_indirect_dma source(%dma_start3A_110 : memref<100x128xf32, #tpu.memory_space<vmem>>) target(%dma_start3A_116 : memref<512x128xf32, #tpu.memory_space<vmem_shared>>) offsets(%dma_start3A_113 : memref<100xi32, #tpu.memory_space<vmem>>) semaphore(%arg17 : memref<!tpu.dma_semaphore, #tpu.memory_space<semaphore_mem>>) {add = true}
    %dma_start3A_117 = arith.constant 0 : i32
    %dma_start3A_118 = arith.constant 0 : i32
    %dma_start3A_119 = arith.constant 1 : i32
    %dma_start3A_120 = arith.constant 100 : i32
    %dma_start3A_121 = arith.constant 0 : i32
    %dma_start3A_122 = tpu.memref_slice %arg5[%dma_start3A_117, %dma_start3A_120, %dma_start3A_121] : memref<4x200x128xf32, #tpu.memory_space<vmem>> -> memref<1x100x128xf32, #tpu.memory_space<vmem>>
    %dma_start3A_123 = tpu.memref_squeeze %dma_start3A_122 : memref<1x100x128xf32, #tpu.memory_space<vmem>> -> memref<100x128xf32, #tpu.memory_space<vmem>>
    %dma_start3A_124 = arith.constant 0 : i32
    %dma_start3A_125 = tpu.memref_slice %arg7[%dma_start3A_118, %dma_start3A_119, %dma_start3A_124] : memref<4x2x100xi32, #tpu.memory_space<vmem>> -> memref<1x1x100xi32, #tpu.memory_space<vmem>>
    %dma_start3A_126 = tpu.memref_squeeze %dma_start3A_125 : memref<1x1x100xi32, #tpu.memory_space<vmem>> -> memref<100xi32, #tpu.memory_space<vmem>>
    %dma_start3A_127 = arith.constant 0 : i32
    %dma_start3A_128 = arith.constant 0 : i32
    %dma_start3A_129 = tpu.memref_slice %arg8[%dma_start3A_127, %dma_start3A_128] : memref<512x128xf32, #tpu.memory_space<vmem_shared>> -> memref<512x128xf32, #tpu.memory_space<vmem_shared>>
    tpu.enqueue_indirect_dma source(%dma_start3A_123 : memref<100x128xf32, #tpu.memory_space<vmem>>) target(%dma_start3A_129 : memref<512x128xf32, #tpu.memory_space<vmem_shared>>) offsets(%dma_start3A_126 : memref<100xi32, #tpu.memory_space<vmem>>) semaphore(%arg17 : memref<!tpu.dma_semaphore, #tpu.memory_space<semaphore_mem>>) {add = true}
    %add3A_130 = arith.constant 64 : i32
    %add3A_131 = arith.addi %add3A, %add3A_130 : i32
    %mul3A_132 = arith.constant 200 : i32
    %mul3A_133 = arith.muli %add3A_131, %mul3A_132 : i32
    %dma_start3A_134 = arith.constant 2 : i32
    %dma_start3A_135 = arith.constant 0 : i32
    %dma_start3A_136 = arith.constant 0 : i32
    %dma_start3A_137 = tpu.memref_slice %arg5[%dma_start3A_134, %dma_start3A_135, %dma_start3A_136] : memref<4x200x128xf32, #tpu.memory_space<vmem>> -> memref<1x200x128xf32, #tpu.memory_space<vmem>>
    %dma_start3A_138 = tpu.memref_squeeze %dma_start3A_137 : memref<1x200x128xf32, #tpu.memory_space<vmem>> -> memref<200x128xf32, #tpu.memory_space<vmem>>
    %dma_start3A_139 = arith.constant 0 : i32
    %dma_start3A_140 = tpu.memref_slice %arg2[%mul3A_133, %dma_start3A_139] : memref<100000x128xf32, #tpu.memory_space<hbm>> -> memref<200x128xf32, #tpu.memory_space<hbm>>
    %dma_start3A_141 = arith.constant 0 : i32
    %dma_start3A_142 = arith.constant 0 : i32
    %dma_start3A_143 = tpu.memref_slice %arg5[%dma_start3A_134, %dma_start3A_141, %dma_start3A_142] : memref<4x200x128xf32, #tpu.memory_space<vmem>> -> memref<1x200x128xf32, #tpu.memory_space<vmem>>
    %dma_start3A_144 = tpu.memref_squeeze %dma_start3A_143 : memref<1x200x128xf32, #tpu.memory_space<vmem>> -> memref<200x128xf32, #tpu.memory_space<vmem>>
    %dma_start3A_145 = arith.constant 0 : i32
    %dma_start3A_146 = tpu.memref_slice %arg2[%mul3A_133, %dma_start3A_145] : memref<100000x128xf32, #tpu.memory_space<hbm>> -> memref<200x128xf32, #tpu.memory_space<hbm>>
    tpu.enqueue_dma source(%dma_start3A_146 : memref<200x128xf32, #tpu.memory_space<hbm>>) target(%dma_start3A_144 : memref<200x128xf32, #tpu.memory_space<vmem>>) target_semaphore(%arg11 : memref<!tpu.dma_semaphore, #tpu.memory_space<semaphore_mem>>)
    %dma_start3A_147 = arith.constant 2 : i32
    %dma_start3A_148 = arith.constant 0 : i32
    %dma_start3A_149 = arith.constant 0 : i32
    %dma_start3A_150 = tpu.memref_slice %arg7[%dma_start3A_147, %dma_start3A_148, %dma_start3A_149] : memref<4x2x100xi32, #tpu.memory_space<vmem>> -> memref<1x2x100xi32, #tpu.memory_space<vmem>>
    %dma_start3A_151 = tpu.memref_squeeze %dma_start3A_150 : memref<1x2x100xi32, #tpu.memory_space<vmem>> -> memref<2x100xi32, #tpu.memory_space<vmem>>
    %dma_start3A_152 = arith.constant 0 : i32
    %dma_start3A_153 = arith.constant 0 : i32
    %dma_start3A_154 = tpu.memref_slice %arg3[%add3A_131, %dma_start3A_152, %dma_start3A_153] : memref<500x2x100xi32, #tpu.memory_space<hbm>> -> memref<1x2x100xi32, #tpu.memory_space<hbm>>
    %dma_start3A_155 = tpu.memref_squeeze %dma_start3A_154 : memref<1x2x100xi32, #tpu.memory_space<hbm>> -> memref<2x100xi32, #tpu.memory_space<hbm>>
    %dma_start3A_156 = arith.constant 0 : i32
    %dma_start3A_157 = arith.constant 0 : i32
    %dma_start3A_158 = tpu.memref_slice %arg7[%dma_start3A_147, %dma_start3A_156, %dma_start3A_157] : memref<4x2x100xi32, #tpu.memory_space<vmem>> -> memref<1x2x100xi32, #tpu.memory_space<vmem>>
    %dma_start3A_159 = tpu.memref_squeeze %dma_start3A_158 : memref<1x2x100xi32, #tpu.memory_space<vmem>> -> memref<2x100xi32, #tpu.memory_space<vmem>>
    %dma_start3A_160 = arith.constant 0 : i32
    %dma_start3A_161 = arith.constant 0 : i32
    %dma_start3A_162 = tpu.memref_slice %arg3[%add3A_131, %dma_start3A_160, %dma_start3A_161] : memref<500x2x100xi32, #tpu.memory_space<hbm>> -> memref<1x2x100xi32, #tpu.memory_space<hbm>>
    %dma_start3A_163 = tpu.memref_squeeze %dma_start3A_162 : memref<1x2x100xi32, #tpu.memory_space<hbm>> -> memref<2x100xi32, #tpu.memory_space<hbm>>
    tpu.enqueue_dma source(%dma_start3A_163 : memref<2x100xi32, #tpu.memory_space<hbm>>) target(%dma_start3A_159 : memref<2x100xi32, #tpu.memory_space<vmem>>) target_semaphore(%arg15 : memref<!tpu.dma_semaphore, #tpu.memory_space<semaphore_mem>>)
    %dma_wait3A_164 = arith.constant 1 : i32
    %dma_wait3A_165 = arith.constant 0 : i32
    %dma_wait3A_166 = arith.constant 0 : i32
    %dma_wait3A_167 = tpu.memref_slice %arg5[%dma_wait3A_164, %dma_wait3A_165, %dma_wait3A_166] : memref<4x200x128xf32, #tpu.memory_space<vmem>> -> memref<1x200x128xf32, #tpu.memory_space<vmem>>
    %dma_wait3A_168 = tpu.memref_squeeze %dma_wait3A_167 : memref<1x200x128xf32, #tpu.memory_space<vmem>> -> memref<200x128xf32, #tpu.memory_space<vmem>>
    %dma_wait3A_169 = arith.constant 0 : i32
    %dma_wait3A_170 = tpu.memref_slice %arg2[%mul3A_37, %dma_wait3A_169] : memref<100000x128xf32, #tpu.memory_space<hbm>> -> memref<200x128xf32, #tpu.memory_space<hbm>>
    %dma_wait3A_171 = arith.constant 0 : i32
    %dma_wait3A_172 = arith.constant 0 : i32
    %dma_wait3A_173 = tpu.memref_slice %arg5[%dma_wait3A_164, %dma_wait3A_171, %dma_wait3A_172] : memref<4x200x128xf32, #tpu.memory_space<vmem>> -> memref<1x200x128xf32, #tpu.memory_space<vmem>>
    %dma_wait3A_174 = tpu.memref_squeeze %dma_wait3A_173 : memref<1x200x128xf32, #tpu.memory_space<vmem>> -> memref<200x128xf32, #tpu.memory_space<vmem>>
    %dma_wait3A_175 = arith.constant 0 : i32
    %dma_wait3A_176 = tpu.memref_slice %arg2[%mul3A_37, %dma_wait3A_175] : memref<100000x128xf32, #tpu.memory_space<hbm>> -> memref<200x128xf32, #tpu.memory_space<hbm>>
    tpu.wait_dma2 semaphore(%arg10 : memref<!tpu.dma_semaphore, #tpu.memory_space<semaphore_mem>>) src(%dma_wait3A_176 : memref<200x128xf32, #tpu.memory_space<hbm>>) dst(%dma_wait3A_174 : memref<200x128xf32, #tpu.memory_space<vmem>>)
    %dma_wait3A_177 = arith.constant 1 : i32
    %dma_wait3A_178 = arith.constant 0 : i32
    %dma_wait3A_179 = arith.constant 0 : i32
    %dma_wait3A_180 = tpu.memref_slice %arg7[%dma_wait3A_177, %dma_wait3A_178, %dma_wait3A_179] : memref<4x2x100xi32, #tpu.memory_space<vmem>> -> memref<1x2x100xi32, #tpu.memory_space<vmem>>
    %dma_wait3A_181 = tpu.memref_squeeze %dma_wait3A_180 : memref<1x2x100xi32, #tpu.memory_space<vmem>> -> memref<2x100xi32, #tpu.memory_space<vmem>>
    %dma_wait3A_182 = arith.constant 0 : i32
    %dma_wait3A_183 = arith.constant 0 : i32
    %dma_wait3A_184 = tpu.memref_slice %arg3[%add3A_35, %dma_wait3A_182, %dma_wait3A_183] : memref<500x2x100xi32, #tpu.memory_space<hbm>> -> memref<1x2x100xi32, #tpu.memory_space<hbm>>
    %dma_wait3A_185 = tpu.memref_squeeze %dma_wait3A_184 : memref<1x2x100xi32, #tpu.memory_space<hbm>> -> memref<2x100xi32, #tpu.memory_space<hbm>>
    %dma_wait3A_186 = arith.constant 0 : i32
    %dma_wait3A_187 = arith.constant 0 : i32
    %dma_wait3A_188 = tpu.memref_slice %arg7[%dma_wait3A_177, %dma_wait3A_186, %dma_wait3A_187] : memref<4x2x100xi32, #tpu.memory_space<vmem>> -> memref<1x2x100xi32, #tpu.memory_space<vmem>>
    %dma_wait3A_189 = tpu.memref_squeeze %dma_wait3A_188 : memref<1x2x100xi32, #tpu.memory_space<vmem>> -> memref<2x100xi32, #tpu.memory_space<vmem>>
    %dma_wait3A_190 = arith.constant 0 : i32
    %dma_wait3A_191 = arith.constant 0 : i32
    %dma_wait3A_192 = tpu.memref_slice %arg3[%add3A_35, %dma_wait3A_190, %dma_wait3A_191] : memref<500x2x100xi32, #tpu.memory_space<hbm>> -> memref<1x2x100xi32, #tpu.memory_space<hbm>>
    %dma_wait3A_193 = tpu.memref_squeeze %dma_wait3A_192 : memref<1x2x100xi32, #tpu.memory_space<hbm>> -> memref<2x100xi32, #tpu.memory_space<hbm>>
    tpu.wait_dma2 semaphore(%arg14 : memref<!tpu.dma_semaphore, #tpu.memory_space<semaphore_mem>>) src(%dma_wait3A_193 : memref<2x100xi32, #tpu.memory_space<hbm>>) dst(%dma_wait3A_189 : memref<2x100xi32, #tpu.memory_space<vmem>>)
    %dma_start3A_194 = arith.constant 1 : i32
    %dma_start3A_195 = arith.constant 1 : i32
    %dma_start3A_196 = arith.constant 0 : i32
    %dma_start3A_197 = arith.constant 0 : i32
    %dma_start3A_198 = arith.constant 0 : i32
    %dma_start3A_199 = tpu.memref_slice %arg5[%dma_start3A_194, %dma_start3A_197, %dma_start3A_198] : memref<4x200x128xf32, #tpu.memory_space<vmem>> -> memref<1x100x128xf32, #tpu.memory_space<vmem>>
    %dma_start3A_200 = tpu.memref_squeeze %dma_start3A_199 : memref<1x100x128xf32, #tpu.memory_space<vmem>> -> memref<100x128xf32, #tpu.memory_space<vmem>>
    %dma_start3A_201 = arith.constant 0 : i32
    %dma_start3A_202 = tpu.memref_slice %arg7[%dma_start3A_195, %dma_start3A_196, %dma_start3A_201] : memref<4x2x100xi32, #tpu.memory_space<vmem>> -> memref<1x1x100xi32, #tpu.memory_space<vmem>>
    %dma_start3A_203 = tpu.memref_squeeze %dma_start3A_202 : memref<1x1x100xi32, #tpu.memory_space<vmem>> -> memref<100xi32, #tpu.memory_space<vmem>>
    %dma_start3A_204 = arith.constant 0 : i32
    %dma_start3A_205 = arith.constant 0 : i32
    %dma_start3A_206 = tpu.memref_slice %arg8[%dma_start3A_204, %dma_start3A_205] : memref<512x128xf32, #tpu.memory_space<vmem_shared>> -> memref<512x128xf32, #tpu.memory_space<vmem_shared>>
    tpu.enqueue_indirect_dma source(%dma_start3A_200 : memref<100x128xf32, #tpu.memory_space<vmem>>) target(%dma_start3A_206 : memref<512x128xf32, #tpu.memory_space<vmem_shared>>) offsets(%dma_start3A_203 : memref<100xi32, #tpu.memory_space<vmem>>) semaphore(%arg18 : memref<!tpu.dma_semaphore, #tpu.memory_space<semaphore_mem>>) {add = true}
    %dma_start3A_207 = arith.constant 1 : i32
    %dma_start3A_208 = arith.constant 1 : i32
    %dma_start3A_209 = arith.constant 1 : i32
    %dma_start3A_210 = arith.constant 100 : i32
    %dma_start3A_211 = arith.constant 0 : i32
    %dma_start3A_212 = tpu.memref_slice %arg5[%dma_start3A_207, %dma_start3A_210, %dma_start3A_211] : memref<4x200x128xf32, #tpu.memory_space<vmem>> -> memref<1x100x128xf32, #tpu.memory_space<vmem>>
    %dma_start3A_213 = tpu.memref_squeeze %dma_start3A_212 : memref<1x100x128xf32, #tpu.memory_space<vmem>> -> memref<100x128xf32, #tpu.memory_space<vmem>>
    %dma_start3A_214 = arith.constant 0 : i32
    %dma_start3A_215 = tpu.memref_slice %arg7[%dma_start3A_208, %dma_start3A_209, %dma_start3A_214] : memref<4x2x100xi32, #tpu.memory_space<vmem>> -> memref<1x1x100xi32, #tpu.memory_space<vmem>>
    %dma_start3A_216 = tpu.memref_squeeze %dma_start3A_215 : memref<1x1x100xi32, #tpu.memory_space<vmem>> -> memref<100xi32, #tpu.memory_space<vmem>>
    %dma_start3A_217 = arith.constant 0 : i32
    %dma_start3A_218 = arith.constant 0 : i32
    %dma_start3A_219 = tpu.memref_slice %arg8[%dma_start3A_217, %dma_start3A_218] : memref<512x128xf32, #tpu.memory_space<vmem_shared>> -> memref<512x128xf32, #tpu.memory_space<vmem_shared>>
    tpu.enqueue_indirect_dma source(%dma_start3A_213 : memref<100x128xf32, #tpu.memory_space<vmem>>) target(%dma_start3A_219 : memref<512x128xf32, #tpu.memory_space<vmem_shared>>) offsets(%dma_start3A_216 : memref<100xi32, #tpu.memory_space<vmem>>) semaphore(%arg18 : memref<!tpu.dma_semaphore, #tpu.memory_space<semaphore_mem>>) {add = true}
    %add3A_220 = arith.constant 96 : i32
    %add3A_221 = arith.addi %add3A, %add3A_220 : i32
    %mul3A_222 = arith.constant 200 : i32
    %mul3A_223 = arith.muli %add3A_221, %mul3A_222 : i32
    %dma_start3A_224 = arith.constant 3 : i32
    %dma_start3A_225 = arith.constant 0 : i32
    %dma_start3A_226 = arith.constant 0 : i32
    %dma_start3A_227 = tpu.memref_slice %arg5[%dma_start3A_224, %dma_start3A_225, %dma_start3A_226] : memref<4x200x128xf32, #tpu.memory_space<vmem>> -> memref<1x200x128xf32, #tpu.memory_space<vmem>>
    %dma_start3A_228 = tpu.memref_squeeze %dma_start3A_227 : memref<1x200x128xf32, #tpu.memory_space<vmem>> -> memref<200x128xf32, #tpu.memory_space<vmem>>
    %dma_start3A_229 = arith.constant 0 : i32
    %dma_start3A_230 = tpu.memref_slice %arg2[%mul3A_223, %dma_start3A_229] : memref<100000x128xf32, #tpu.memory_space<hbm>> -> memref<200x128xf32, #tpu.memory_space<hbm>>
    %dma_start3A_231 = arith.constant 0 : i32
    %dma_start3A_232 = arith.constant 0 : i32
    %dma_start3A_233 = tpu.memref_slice %arg5[%dma_start3A_224, %dma_start3A_231, %dma_start3A_232] : memref<4x200x128xf32, #tpu.memory_space<vmem>> -> memref<1x200x128xf32, #tpu.memory_space<vmem>>
    %dma_start3A_234 = tpu.memref_squeeze %dma_start3A_233 : memref<1x200x128xf32, #tpu.memory_space<vmem>> -> memref<200x128xf32, #tpu.memory_space<vmem>>
    %dma_start3A_235 = arith.constant 0 : i32
    %dma_start3A_236 = tpu.memref_slice %arg2[%mul3A_223, %dma_start3A_235] : memref<100000x128xf32, #tpu.memory_space<hbm>> -> memref<200x128xf32, #tpu.memory_space<hbm>>
    tpu.enqueue_dma source(%dma_start3A_236 : memref<200x128xf32, #tpu.memory_space<hbm>>) target(%dma_start3A_234 : memref<200x128xf32, #tpu.memory_space<vmem>>) target_semaphore(%arg12 : memref<!tpu.dma_semaphore, #tpu.memory_space<semaphore_mem>>)
    %dma_start3A_237 = arith.constant 3 : i32
    %dma_start3A_238 = arith.constant 0 : i32
    %dma_start3A_239 = arith.constant 0 : i32
    %dma_start3A_240 = tpu.memref_slice %arg7[%dma_start3A_237, %dma_start3A_238, %dma_start3A_239] : memref<4x2x100xi32, #tpu.memory_space<vmem>> -> memref<1x2x100xi32, #tpu.memory_space<vmem>>
    %dma_start3A_241 = tpu.memref_squeeze %dma_start3A_240 : memref<1x2x100xi32, #tpu.memory_space<vmem>> -> memref<2x100xi32, #tpu.memory_space<vmem>>
    %dma_start3A_242 = arith.constant 0 : i32
    %dma_start3A_243 = arith.constant 0 : i32
    %dma_start3A_244 = tpu.memref_slice %arg3[%add3A_221, %dma_start3A_242, %dma_start3A_243] : memref<500x2x100xi32, #tpu.memory_space<hbm>> -> memref<1x2x100xi32, #tpu.memory_space<hbm>>
    %dma_start3A_245 = tpu.memref_squeeze %dma_start3A_244 : memref<1x2x100xi32, #tpu.memory_space<hbm>> -> memref<2x100xi32, #tpu.memory_space<hbm>>
    %dma_start3A_246 = arith.constant 0 : i32
    %dma_start3A_247 = arith.constant 0 : i32
    %dma_start3A_248 = tpu.memref_slice %arg7[%dma_start3A_237, %dma_start3A_246, %dma_start3A_247] : memref<4x2x100xi32, #tpu.memory_space<vmem>> -> memref<1x2x100xi32, #tpu.memory_space<vmem>>
    %dma_start3A_249 = tpu.memref_squeeze %dma_start3A_248 : memref<1x2x100xi32, #tpu.memory_space<vmem>> -> memref<2x100xi32, #tpu.memory_space<vmem>>
    %dma_start3A_250 = arith.constant 0 : i32
    %dma_start3A_251 = arith.constant 0 : i32
    %dma_start3A_252 = tpu.memref_slice %arg3[%add3A_221, %dma_start3A_250, %dma_start3A_251] : memref<500x2x100xi32, #tpu.memory_space<hbm>> -> memref<1x2x100xi32, #tpu.memory_space<hbm>>
    %dma_start3A_253 = tpu.memref_squeeze %dma_start3A_252 : memref<1x2x100xi32, #tpu.memory_space<hbm>> -> memref<2x100xi32, #tpu.memory_space<hbm>>
    tpu.enqueue_dma source(%dma_start3A_253 : memref<2x100xi32, #tpu.memory_space<hbm>>) target(%dma_start3A_249 : memref<2x100xi32, #tpu.memory_space<vmem>>) target_semaphore(%arg16 : memref<!tpu.dma_semaphore, #tpu.memory_space<semaphore_mem>>)
    %dma_wait3A_254 = arith.constant 2 : i32
    %dma_wait3A_255 = arith.constant 0 : i32
    %dma_wait3A_256 = arith.constant 0 : i32
    %dma_wait3A_257 = tpu.memref_slice %arg5[%dma_wait3A_254, %dma_wait3A_255, %dma_wait3A_256] : memref<4x200x128xf32, #tpu.memory_space<vmem>> -> memref<1x200x128xf32, #tpu.memory_space<vmem>>
    %dma_wait3A_258 = tpu.memref_squeeze %dma_wait3A_257 : memref<1x200x128xf32, #tpu.memory_space<vmem>> -> memref<200x128xf32, #tpu.memory_space<vmem>>
    %dma_wait3A_259 = arith.constant 0 : i32
    %dma_wait3A_260 = tpu.memref_slice %arg2[%mul3A_133, %dma_wait3A_259] : memref<100000x128xf32, #tpu.memory_space<hbm>> -> memref<200x128xf32, #tpu.memory_space<hbm>>
    %dma_wait3A_261 = arith.constant 0 : i32
    %dma_wait3A_262 = arith.constant 0 : i32
    %dma_wait3A_263 = tpu.memref_slice %arg5[%dma_wait3A_254, %dma_wait3A_261, %dma_wait3A_262] : memref<4x200x128xf32, #tpu.memory_space<vmem>> -> memref<1x200x128xf32, #tpu.memory_space<vmem>>
    %dma_wait3A_264 = tpu.memref_squeeze %dma_wait3A_263 : memref<1x200x128xf32, #tpu.memory_space<vmem>> -> memref<200x128xf32, #tpu.memory_space<vmem>>
    %dma_wait3A_265 = arith.constant 0 : i32
    %dma_wait3A_266 = tpu.memref_slice %arg2[%mul3A_133, %dma_wait3A_265] : memref<100000x128xf32, #tpu.memory_space<hbm>> -> memref<200x128xf32, #tpu.memory_space<hbm>>
    tpu.wait_dma2 semaphore(%arg11 : memref<!tpu.dma_semaphore, #tpu.memory_space<semaphore_mem>>) src(%dma_wait3A_266 : memref<200x128xf32, #tpu.memory_space<hbm>>) dst(%dma_wait3A_264 : memref<200x128xf32, #tpu.memory_space<vmem>>)
    %dma_wait3A_267 = arith.constant 2 : i32
    %dma_wait3A_268 = arith.constant 0 : i32
    %dma_wait3A_269 = arith.constant 0 : i32
    %dma_wait3A_270 = tpu.memref_slice %arg7[%dma_wait3A_267, %dma_wait3A_268, %dma_wait3A_269] : memref<4x2x100xi32, #tpu.memory_space<vmem>> -> memref<1x2x100xi32, #tpu.memory_space<vmem>>
    %dma_wait3A_271 = tpu.memref_squeeze %dma_wait3A_270 : memref<1x2x100xi32, #tpu.memory_space<vmem>> -> memref<2x100xi32, #tpu.memory_space<vmem>>
    %dma_wait3A_272 = arith.constant 0 : i32
    %dma_wait3A_273 = arith.constant 0 : i32
    %dma_wait3A_274 = tpu.memref_slice %arg3[%add3A_131, %dma_wait3A_272, %dma_wait3A_273] : memref<500x2x100xi32, #tpu.memory_space<hbm>> -> memref<1x2x100xi32, #tpu.memory_space<hbm>>
    %dma_wait3A_275 = tpu.memref_squeeze %dma_wait3A_274 : memref<1x2x100xi32, #tpu.memory_space<hbm>> -> memref<2x100xi32, #tpu.memory_space<hbm>>
    %dma_wait3A_276 = arith.constant 0 : i32
    %dma_wait3A_277 = arith.constant 0 : i32
    %dma_wait3A_278 = tpu.memref_slice %arg7[%dma_wait3A_267, %dma_wait3A_276, %dma_wait3A_277] : memref<4x2x100xi32, #tpu.memory_space<vmem>> -> memref<1x2x100xi32, #tpu.memory_space<vmem>>
    %dma_wait3A_279 = tpu.memref_squeeze %dma_wait3A_278 : memref<1x2x100xi32, #tpu.memory_space<vmem>> -> memref<2x100xi32, #tpu.memory_space<vmem>>
    %dma_wait3A_280 = arith.constant 0 : i32
    %dma_wait3A_281 = arith.constant 0 : i32
    %dma_wait3A_282 = tpu.memref_slice %arg3[%add3A_131, %dma_wait3A_280, %dma_wait3A_281] : memref<500x2x100xi32, #tpu.memory_space<hbm>> -> memref<1x2x100xi32, #tpu.memory_space<hbm>>
    %dma_wait3A_283 = tpu.memref_squeeze %dma_wait3A_282 : memref<1x2x100xi32, #tpu.memory_space<hbm>> -> memref<2x100xi32, #tpu.memory_space<hbm>>
    tpu.wait_dma2 semaphore(%arg15 : memref<!tpu.dma_semaphore, #tpu.memory_space<semaphore_mem>>) src(%dma_wait3A_283 : memref<2x100xi32, #tpu.memory_space<hbm>>) dst(%dma_wait3A_279 : memref<2x100xi32, #tpu.memory_space<vmem>>)
    %dma_start3A_284 = arith.constant 2 : i32
    %dma_start3A_285 = arith.constant 2 : i32
    %dma_start3A_286 = arith.constant 0 : i32
    %dma_start3A_287 = arith.constant 0 : i32
    %dma_start3A_288 = arith.constant 0 : i32
    %dma_start3A_289 = tpu.memref_slice %arg5[%dma_start3A_284, %dma_start3A_287, %dma_start3A_288] : memref<4x200x128xf32, #tpu.memory_space<vmem>> -> memref<1x100x128xf32, #tpu.memory_space<vmem>>
    %dma_start3A_290 = tpu.memref_squeeze %dma_start3A_289 : memref<1x100x128xf32, #tpu.memory_space<vmem>> -> memref<100x128xf32, #tpu.memory_space<vmem>>
    %dma_start3A_291 = arith.constant 0 : i32
    %dma_start3A_292 = tpu.memref_slice %arg7[%dma_start3A_285, %dma_start3A_286, %dma_start3A_291] : memref<4x2x100xi32, #tpu.memory_space<vmem>> -> memref<1x1x100xi32, #tpu.memory_space<vmem>>
    %dma_start3A_293 = tpu.memref_squeeze %dma_start3A_292 : memref<1x1x100xi32, #tpu.memory_space<vmem>> -> memref<100xi32, #tpu.memory_space<vmem>>
    %dma_start3A_294 = arith.constant 0 : i32
    %dma_start3A_295 = arith.constant 0 : i32
    %dma_start3A_296 = tpu.memref_slice %arg8[%dma_start3A_294, %dma_start3A_295] : memref<512x128xf32, #tpu.memory_space<vmem_shared>> -> memref<512x128xf32, #tpu.memory_space<vmem_shared>>
    tpu.enqueue_indirect_dma source(%dma_start3A_290 : memref<100x128xf32, #tpu.memory_space<vmem>>) target(%dma_start3A_296 : memref<512x128xf32, #tpu.memory_space<vmem_shared>>) offsets(%dma_start3A_293 : memref<100xi32, #tpu.memory_space<vmem>>) semaphore(%arg19 : memref<!tpu.dma_semaphore, #tpu.memory_space<semaphore_mem>>) {add = true}
    %dma_start3A_297 = arith.constant 2 : i32
    %dma_start3A_298 = arith.constant 2 : i32
    %dma_start3A_299 = arith.constant 1 : i32
    %dma_start3A_300 = arith.constant 100 : i32
    %dma_start3A_301 = arith.constant 0 : i32
    %dma_start3A_302 = tpu.memref_slice %arg5[%dma_start3A_297, %dma_start3A_300, %dma_start3A_301] : memref<4x200x128xf32, #tpu.memory_space<vmem>> -> memref<1x100x128xf32, #tpu.memory_space<vmem>>
    %dma_start3A_303 = tpu.memref_squeeze %dma_start3A_302 : memref<1x100x128xf32, #tpu.memory_space<vmem>> -> memref<100x128xf32, #tpu.memory_space<vmem>>
    %dma_start3A_304 = arith.constant 0 : i32
    %dma_start3A_305 = tpu.memref_slice %arg7[%dma_start3A_298, %dma_start3A_299, %dma_start3A_304] : memref<4x2x100xi32, #tpu.memory_space<vmem>> -> memref<1x1x100xi32, #tpu.memory_space<vmem>>
    %dma_start3A_306 = tpu.memref_squeeze %dma_start3A_305 : memref<1x1x100xi32, #tpu.memory_space<vmem>> -> memref<100xi32, #tpu.memory_space<vmem>>
    %dma_start3A_307 = arith.constant 0 : i32
    %dma_start3A_308 = arith.constant 0 : i32
    %dma_start3A_309 = tpu.memref_slice %arg8[%dma_start3A_307, %dma_start3A_308] : memref<512x128xf32, #tpu.memory_space<vmem_shared>> -> memref<512x128xf32, #tpu.memory_space<vmem_shared>>
    tpu.enqueue_indirect_dma source(%dma_start3A_303 : memref<100x128xf32, #tpu.memory_space<vmem>>) target(%dma_start3A_309 : memref<512x128xf32, #tpu.memory_space<vmem_shared>>) offsets(%dma_start3A_306 : memref<100xi32, #tpu.memory_space<vmem>>) semaphore(%arg19 : memref<!tpu.dma_semaphore, #tpu.memory_space<semaphore_mem>>) {add = true}
    %dma_wait3A_310 = arith.constant 0 : i32
    %dma_wait3A_311 = arith.constant 0 : i32
    %dma_wait3A_312 = arith.constant 0 : i32
    %dma_wait3A_313 = arith.constant 0 : i32
    %dma_wait3A_314 = arith.constant 0 : i32
    %dma_wait3A_315 = tpu.memref_slice %arg5[%dma_wait3A_310, %dma_wait3A_313, %dma_wait3A_314] : memref<4x200x128xf32, #tpu.memory_space<vmem>> -> memref<1x100x128xf32, #tpu.memory_space<vmem>>
    %dma_wait3A_316 = tpu.memref_squeeze %dma_wait3A_315 : memref<1x100x128xf32, #tpu.memory_space<vmem>> -> memref<100x128xf32, #tpu.memory_space<vmem>>
    %dma_wait3A_317 = arith.constant 0 : i32
    %dma_wait3A_318 = tpu.memref_slice %arg7[%dma_wait3A_311, %dma_wait3A_312, %dma_wait3A_317] : memref<4x2x100xi32, #tpu.memory_space<vmem>> -> memref<1x1x100xi32, #tpu.memory_space<vmem>>
    %dma_wait3A_319 = tpu.memref_squeeze %dma_wait3A_318 : memref<1x1x100xi32, #tpu.memory_space<vmem>> -> memref<100xi32, #tpu.memory_space<vmem>>
    %dma_wait3A_320 = arith.constant 0 : i32
    %dma_wait3A_321 = arith.constant 0 : i32
    %dma_wait3A_322 = tpu.memref_slice %arg8[%dma_wait3A_320, %dma_wait3A_321] : memref<512x128xf32, #tpu.memory_space<vmem_shared>> -> memref<512x128xf32, #tpu.memory_space<vmem_shared>>
    tpu.wait_indirect_dma semaphore(%arg17 : memref<!tpu.dma_semaphore, #tpu.memory_space<semaphore_mem>>) src(%dma_wait3A_316 : memref<100x128xf32, #tpu.memory_space<vmem>>) dst(%dma_wait3A_322 : memref<512x128xf32, #tpu.memory_space<vmem_shared>>)
    %dma_wait3A_323 = arith.constant 0 : i32
    %dma_wait3A_324 = arith.constant 0 : i32
    %dma_wait3A_325 = arith.constant 1 : i32
    %dma_wait3A_326 = arith.constant 100 : i32
    %dma_wait3A_327 = arith.constant 0 : i32
    %dma_wait3A_328 = tpu.memref_slice %arg5[%dma_wait3A_323, %dma_wait3A_326, %dma_wait3A_327] : memref<4x200x128xf32, #tpu.memory_space<vmem>> -> memref<1x100x128xf32, #tpu.memory_space<vmem>>
    %dma_wait3A_329 = tpu.memref_squeeze %dma_wait3A_328 : memref<1x100x128xf32, #tpu.memory_space<vmem>> -> memref<100x128xf32, #tpu.memory_space<vmem>>
    %dma_wait3A_330 = arith.constant 0 : i32
    %dma_wait3A_331 = tpu.memref_slice %arg7[%dma_wait3A_324, %dma_wait3A_325, %dma_wait3A_330] : memref<4x2x100xi32, #tpu.memory_space<vmem>> -> memref<1x1x100xi32, #tpu.memory_space<vmem>>
    %dma_wait3A_332 = tpu.memref_squeeze %dma_wait3A_331 : memref<1x1x100xi32, #tpu.memory_space<vmem>> -> memref<100xi32, #tpu.memory_space<vmem>>
    %dma_wait3A_333 = arith.constant 0 : i32
    %dma_wait3A_334 = arith.constant 0 : i32
    %dma_wait3A_335 = tpu.memref_slice %arg8[%dma_wait3A_333, %dma_wait3A_334] : memref<512x128xf32, #tpu.memory_space<vmem_shared>> -> memref<512x128xf32, #tpu.memory_space<vmem_shared>>
    tpu.wait_indirect_dma semaphore(%arg17 : memref<!tpu.dma_semaphore, #tpu.memory_space<semaphore_mem>>) src(%dma_wait3A_329 : memref<100x128xf32, #tpu.memory_space<vmem>>) dst(%dma_wait3A_335 : memref<512x128xf32, #tpu.memory_space<vmem_shared>>)
    %add3A_336 = arith.constant 128 : i32
    %add3A_337 = arith.addi %add3A, %add3A_336 : i32
    %mul3A_338 = arith.constant 200 : i32
    %mul3A_339 = arith.muli %add3A_337, %mul3A_338 : i32
    %dma_start3A_340 = arith.constant 0 : i32
    %dma_start3A_341 = arith.constant 0 : i32
    %dma_start3A_342 = arith.constant 0 : i32
    %dma_start3A_343 = tpu.memref_slice %arg5[%dma_start3A_340, %dma_start3A_341, %dma_start3A_342] : memref<4x200x128xf32, #tpu.memory_space<vmem>> -> memref<1x200x128xf32, #tpu.memory_space<vmem>>
    %dma_start3A_344 = tpu.memref_squeeze %dma_start3A_343 : memref<1x200x128xf32, #tpu.memory_space<vmem>> -> memref<200x128xf32, #tpu.memory_space<vmem>>
    %dma_start3A_345 = arith.constant 0 : i32
    %dma_start3A_346 = tpu.memref_slice %arg2[%mul3A_339, %dma_start3A_345] : memref<100000x128xf32, #tpu.memory_space<hbm>> -> memref<200x128xf32, #tpu.memory_space<hbm>>
    %dma_start3A_347 = arith.constant 0 : i32
    %dma_start3A_348 = arith.constant 0 : i32
    %dma_start3A_349 = tpu.memref_slice %arg5[%dma_start3A_340, %dma_start3A_347, %dma_start3A_348] : memref<4x200x128xf32, #tpu.memory_space<vmem>> -> memref<1x200x128xf32, #tpu.memory_space<vmem>>
    %dma_start3A_350 = tpu.memref_squeeze %dma_start3A_349 : memref<1x200x128xf32, #tpu.memory_space<vmem>> -> memref<200x128xf32, #tpu.memory_space<vmem>>
    %dma_start3A_351 = arith.constant 0 : i32
    %dma_start3A_352 = tpu.memref_slice %arg2[%mul3A_339, %dma_start3A_351] : memref<100000x128xf32, #tpu.memory_space<hbm>> -> memref<200x128xf32, #tpu.memory_space<hbm>>
    tpu.enqueue_dma source(%dma_start3A_352 : memref<200x128xf32, #tpu.memory_space<hbm>>) target(%dma_start3A_350 : memref<200x128xf32, #tpu.memory_space<vmem>>) target_semaphore(%arg9 : memref<!tpu.dma_semaphore, #tpu.memory_space<semaphore_mem>>)
    %dma_start3A_353 = arith.constant 0 : i32
    %dma_start3A_354 = arith.constant 0 : i32
    %dma_start3A_355 = arith.constant 0 : i32
    %dma_start3A_356 = tpu.memref_slice %arg7[%dma_start3A_353, %dma_start3A_354, %dma_start3A_355] : memref<4x2x100xi32, #tpu.memory_space<vmem>> -> memref<1x2x100xi32, #tpu.memory_space<vmem>>
    %dma_start3A_357 = tpu.memref_squeeze %dma_start3A_356 : memref<1x2x100xi32, #tpu.memory_space<vmem>> -> memref<2x100xi32, #tpu.memory_space<vmem>>
    %dma_start3A_358 = arith.constant 0 : i32
    %dma_start3A_359 = arith.constant 0 : i32
    %dma_start3A_360 = tpu.memref_slice %arg3[%add3A_337, %dma_start3A_358, %dma_start3A_359] : memref<500x2x100xi32, #tpu.memory_space<hbm>> -> memref<1x2x100xi32, #tpu.memory_space<hbm>>
    %dma_start3A_361 = tpu.memref_squeeze %dma_start3A_360 : memref<1x2x100xi32, #tpu.memory_space<hbm>> -> memref<2x100xi32, #tpu.memory_space<hbm>>
    %dma_start3A_362 = arith.constant 0 : i32
    %dma_start3A_363 = arith.constant 0 : i32
    %dma_start3A_364 = tpu.memref_slice %arg7[%dma_start3A_353, %dma_start3A_362, %dma_start3A_363] : memref<4x2x100xi32, #tpu.memory_space<vmem>> -> memref<1x2x100xi32, #tpu.memory_space<vmem>>
    %dma_start3A_365 = tpu.memref_squeeze %dma_start3A_364 : memref<1x2x100xi32, #tpu.memory_space<vmem>> -> memref<2x100xi32, #tpu.memory_space<vmem>>
    %dma_start3A_366 = arith.constant 0 : i32
    %dma_start3A_367 = arith.constant 0 : i32
    %dma_start3A_368 = tpu.memref_slice %arg3[%add3A_337, %dma_start3A_366, %dma_start3A_367] : memref<500x2x100xi32, #tpu.memory_space<hbm>> -> memref<1x2x100xi32, #tpu.memory_space<hbm>>
    %dma_start3A_369 = tpu.memref_squeeze %dma_start3A_368 : memref<1x2x100xi32, #tpu.memory_space<hbm>> -> memref<2x100xi32, #tpu.memory_space<hbm>>
    tpu.enqueue_dma source(%dma_start3A_369 : memref<2x100xi32, #tpu.memory_space<hbm>>) target(%dma_start3A_365 : memref<2x100xi32, #tpu.memory_space<vmem>>) target_semaphore(%arg13 : memref<!tpu.dma_semaphore, #tpu.memory_space<semaphore_mem>>)
    %dma_wait3A_370 = arith.constant 3 : i32
    %dma_wait3A_371 = arith.constant 0 : i32
    %dma_wait3A_372 = arith.constant 0 : i32
    %dma_wait3A_373 = tpu.memref_slice %arg5[%dma_wait3A_370, %dma_wait3A_371, %dma_wait3A_372] : memref<4x200x128xf32, #tpu.memory_space<vmem>> -> memref<1x200x128xf32, #tpu.memory_space<vmem>>
    %dma_wait3A_374 = tpu.memref_squeeze %dma_wait3A_373 : memref<1x200x128xf32, #tpu.memory_space<vmem>> -> memref<200x128xf32, #tpu.memory_space<vmem>>
    %dma_wait3A_375 = arith.constant 0 : i32
    %dma_wait3A_376 = tpu.memref_slice %arg2[%mul3A_223, %dma_wait3A_375] : memref<100000x128xf32, #tpu.memory_space<hbm>> -> memref<200x128xf32, #tpu.memory_space<hbm>>
    %dma_wait3A_377 = arith.constant 0 : i32
    %dma_wait3A_378 = arith.constant 0 : i32
    %dma_wait3A_379 = tpu.memref_slice %arg5[%dma_wait3A_370, %dma_wait3A_377, %dma_wait3A_378] : memref<4x200x128xf32, #tpu.memory_space<vmem>> -> memref<1x200x128xf32, #tpu.memory_space<vmem>>
    %dma_wait3A_380 = tpu.memref_squeeze %dma_wait3A_379 : memref<1x200x128xf32, #tpu.memory_space<vmem>> -> memref<200x128xf32, #tpu.memory_space<vmem>>
    %dma_wait3A_381 = arith.constant 0 : i32
    %dma_wait3A_382 = tpu.memref_slice %arg2[%mul3A_223, %dma_wait3A_381] : memref<100000x128xf32, #tpu.memory_space<hbm>> -> memref<200x128xf32, #tpu.memory_space<hbm>>
    tpu.wait_dma2 semaphore(%arg12 : memref<!tpu.dma_semaphore, #tpu.memory_space<semaphore_mem>>) src(%dma_wait3A_382 : memref<200x128xf32, #tpu.memory_space<hbm>>) dst(%dma_wait3A_380 : memref<200x128xf32, #tpu.memory_space<vmem>>)
    %dma_wait3A_383 = arith.constant 3 : i32
    %dma_wait3A_384 = arith.constant 0 : i32
    %dma_wait3A_385 = arith.constant 0 : i32
    %dma_wait3A_386 = tpu.memref_slice %arg7[%dma_wait3A_383, %dma_wait3A_384, %dma_wait3A_385] : memref<4x2x100xi32, #tpu.memory_space<vmem>> -> memref<1x2x100xi32, #tpu.memory_space<vmem>>
    %dma_wait3A_387 = tpu.memref_squeeze %dma_wait3A_386 : memref<1x2x100xi32, #tpu.memory_space<vmem>> -> memref<2x100xi32, #tpu.memory_space<vmem>>
    %dma_wait3A_388 = arith.constant 0 : i32
    %dma_wait3A_389 = arith.constant 0 : i32
    %dma_wait3A_390 = tpu.memref_slice %arg3[%add3A_221, %dma_wait3A_388, %dma_wait3A_389] : memref<500x2x100xi32, #tpu.memory_space<hbm>> -> memref<1x2x100xi32, #tpu.memory_space<hbm>>
    %dma_wait3A_391 = tpu.memref_squeeze %dma_wait3A_390 : memref<1x2x100xi32, #tpu.memory_space<hbm>> -> memref<2x100xi32, #tpu.memory_space<hbm>>
    %dma_wait3A_392 = arith.constant 0 : i32
    %dma_wait3A_393 = arith.constant 0 : i32
    %dma_wait3A_394 = tpu.memref_slice %arg7[%dma_wait3A_383, %dma_wait3A_392, %dma_wait3A_393] : memref<4x2x100xi32, #tpu.memory_space<vmem>> -> memref<1x2x100xi32, #tpu.memory_space<vmem>>
    %dma_wait3A_395 = tpu.memref_squeeze %dma_wait3A_394 : memref<1x2x100xi32, #tpu.memory_space<vmem>> -> memref<2x100xi32, #tpu.memory_space<vmem>>
    %dma_wait3A_396 = arith.constant 0 : i32
    %dma_wait3A_397 = arith.constant 0 : i32
    %dma_wait3A_398 = tpu.memref_slice %arg3[%add3A_221, %dma_wait3A_396, %dma_wait3A_397] : memref<500x2x100xi32, #tpu.memory_space<hbm>> -> memref<1x2x100xi32, #tpu.memory_space<hbm>>
    %dma_wait3A_399 = tpu.memref_squeeze %dma_wait3A_398 : memref<1x2x100xi32, #tpu.memory_space<hbm>> -> memref<2x100xi32, #tpu.memory_space<hbm>>
    tpu.wait_dma2 semaphore(%arg16 : memref<!tpu.dma_semaphore, #tpu.memory_space<semaphore_mem>>) src(%dma_wait3A_399 : memref<2x100xi32, #tpu.memory_space<hbm>>) dst(%dma_wait3A_395 : memref<2x100xi32, #tpu.memory_space<vmem>>)
    %dma_start3A_400 = arith.constant 3 : i32
    %dma_start3A_401 = arith.constant 3 : i32
    %dma_start3A_402 = arith.constant 0 : i32
    %dma_start3A_403 = arith.constant 0 : i32
    %dma_start3A_404 = arith.constant 0 : i32
    %dma_start3A_405 = tpu.memref_slice %arg5[%dma_start3A_400, %dma_start3A_403, %dma_start3A_404] : memref<4x200x128xf32, #tpu.memory_space<vmem>> -> memref<1x100x128xf32, #tpu.memory_space<vmem>>
    %dma_start3A_406 = tpu.memref_squeeze %dma_start3A_405 : memref<1x100x128xf32, #tpu.memory_space<vmem>> -> memref<100x128xf32, #tpu.memory_space<vmem>>
    %dma_start3A_407 = arith.constant 0 : i32
    %dma_start3A_408 = tpu.memref_slice %arg7[%dma_start3A_401, %dma_start3A_402, %dma_start3A_407] : memref<4x2x100xi32, #tpu.memory_space<vmem>> -> memref<1x1x100xi32, #tpu.memory_space<vmem>>
    %dma_start3A_409 = tpu.memref_squeeze %dma_start3A_408 : memref<1x1x100xi32, #tpu.memory_space<vmem>> -> memref<100xi32, #tpu.memory_space<vmem>>
    %dma_start3A_410 = arith.constant 0 : i32
    %dma_start3A_411 = arith.constant 0 : i32
    %dma_start3A_412 = tpu.memref_slice %arg8[%dma_start3A_410, %dma_start3A_411] : memref<512x128xf32, #tpu.memory_space<vmem_shared>> -> memref<512x128xf32, #tpu.memory_space<vmem_shared>>
    tpu.enqueue_indirect_dma source(%dma_start3A_406 : memref<100x128xf32, #tpu.memory_space<vmem>>) target(%dma_start3A_412 : memref<512x128xf32, #tpu.memory_space<vmem_shared>>) offsets(%dma_start3A_409 : memref<100xi32, #tpu.memory_space<vmem>>) semaphore(%arg20 : memref<!tpu.dma_semaphore, #tpu.memory_space<semaphore_mem>>) {add = true}
    %dma_start3A_413 = arith.constant 3 : i32
    %dma_start3A_414 = arith.constant 3 : i32
    %dma_start3A_415 = arith.constant 1 : i32
    %dma_start3A_416 = arith.constant 100 : i32
    %dma_start3A_417 = arith.constant 0 : i32
    %dma_start3A_418 = tpu.memref_slice %arg5[%dma_start3A_413, %dma_start3A_416, %dma_start3A_417] : memref<4x200x128xf32, #tpu.memory_space<vmem>> -> memref<1x100x128xf32, #tpu.memory_space<vmem>>
    %dma_start3A_419 = tpu.memref_squeeze %dma_start3A_418 : memref<1x100x128xf32, #tpu.memory_space<vmem>> -> memref<100x128xf32, #tpu.memory_space<vmem>>
    %dma_start3A_420 = arith.constant 0 : i32
    %dma_start3A_421 = tpu.memref_slice %arg7[%dma_start3A_414, %dma_start3A_415, %dma_start3A_420] : memref<4x2x100xi32, #tpu.memory_space<vmem>> -> memref<1x1x100xi32, #tpu.memory_space<vmem>>
    %dma_start3A_422 = tpu.memref_squeeze %dma_start3A_421 : memref<1x1x100xi32, #tpu.memory_space<vmem>> -> memref<100xi32, #tpu.memory_space<vmem>>
    %dma_start3A_423 = arith.constant 0 : i32
    %dma_start3A_424 = arith.constant 0 : i32
    %dma_start3A_425 = tpu.memref_slice %arg8[%dma_start3A_423, %dma_start3A_424] : memref<512x128xf32, #tpu.memory_space<vmem_shared>> -> memref<512x128xf32, #tpu.memory_space<vmem_shared>>
    tpu.enqueue_indirect_dma source(%dma_start3A_419 : memref<100x128xf32, #tpu.memory_space<vmem>>) target(%dma_start3A_425 : memref<512x128xf32, #tpu.memory_space<vmem_shared>>) offsets(%dma_start3A_422 : memref<100xi32, #tpu.memory_space<vmem>>) semaphore(%arg20 : memref<!tpu.dma_semaphore, #tpu.memory_space<semaphore_mem>>) {add = true}
    %dma_wait3A_426 = arith.constant 1 : i32
    %dma_wait3A_427 = arith.constant 1 : i32
    %dma_wait3A_428 = arith.constant 0 : i32
    %dma_wait3A_429 = arith.constant 0 : i32
    %dma_wait3A_430 = arith.constant 0 : i32
    %dma_wait3A_431 = tpu.memref_slice %arg5[%dma_wait3A_426, %dma_wait3A_429, %dma_wait3A_430] : memref<4x200x128xf32, #tpu.memory_space<vmem>> -> memref<1x100x128xf32, #tpu.memory_space<vmem>>
    %dma_wait3A_432 = tpu.memref_squeeze %dma_wait3A_431 : memref<1x100x128xf32, #tpu.memory_space<vmem>> -> memref<100x128xf32, #tpu.memory_space<vmem>>
    %dma_wait3A_433 = arith.constant 0 : i32
    %dma_wait3A_434 = tpu.memref_slice %arg7[%dma_wait3A_427, %dma_wait3A_428, %dma_wait3A_433] : memref<4x2x100xi32, #tpu.memory_space<vmem>> -> memref<1x1x100xi32, #tpu.memory_space<vmem>>
    %dma_wait3A_435 = tpu.memref_squeeze %dma_wait3A_434 : memref<1x1x100xi32, #tpu.memory_space<vmem>> -> memref<100xi32, #tpu.memory_space<vmem>>
    %dma_wait3A_436 = arith.constant 0 : i32
    %dma_wait3A_437 = arith.constant 0 : i32
    %dma_wait3A_438 = tpu.memref_slice %arg8[%dma_wait3A_436, %dma_wait3A_437] : memref<512x128xf32, #tpu.memory_space<vmem_shared>> -> memref<512x128xf32, #tpu.memory_space<vmem_shared>>
    tpu.wait_indirect_dma semaphore(%arg18 : memref<!tpu.dma_semaphore, #tpu.memory_space<semaphore_mem>>) src(%dma_wait3A_432 : memref<100x128xf32, #tpu.memory_space<vmem>>) dst(%dma_wait3A_438 : memref<512x128xf32, #tpu.memory_space<vmem_shared>>)
    %dma_wait3A_439 = arith.constant 1 : i32
    %dma_wait3A_440 = arith.constant 1 : i32
    %dma_wait3A_441 = arith.constant 1 : i32
    %dma_wait3A_442 = arith.constant 100 : i32
    %dma_wait3A_443 = arith.constant 0 : i32
    %dma_wait3A_444 = tpu.memref_slice %arg5[%dma_wait3A_439, %dma_wait3A_442, %dma_wait3A_443] : memref<4x200x128xf32, #tpu.memory_space<vmem>> -> memref<1x100x128xf32, #tpu.memory_space<vmem>>
    %dma_wait3A_445 = tpu.memref_squeeze %dma_wait3A_444 : memref<1x100x128xf32, #tpu.memory_space<vmem>> -> memref<100x128xf32, #tpu.memory_space<vmem>>
    %dma_wait3A_446 = arith.constant 0 : i32
    %dma_wait3A_447 = tpu.memref_slice %arg7[%dma_wait3A_440, %dma_wait3A_441, %dma_wait3A_446] : memref<4x2x100xi32, #tpu.memory_space<vmem>> -> memref<1x1x100xi32, #tpu.memory_space<vmem>>
    %dma_wait3A_448 = tpu.memref_squeeze %dma_wait3A_447 : memref<1x1x100xi32, #tpu.memory_space<vmem>> -> memref<100xi32, #tpu.memory_space<vmem>>
    %dma_wait3A_449 = arith.constant 0 : i32
    %dma_wait3A_450 = arith.constant 0 : i32
    %dma_wait3A_451 = tpu.memref_slice %arg8[%dma_wait3A_449, %dma_wait3A_450] : memref<512x128xf32, #tpu.memory_space<vmem_shared>> -> memref<512x128xf32, #tpu.memory_space<vmem_shared>>
    tpu.wait_indirect_dma semaphore(%arg18 : memref<!tpu.dma_semaphore, #tpu.memory_space<semaphore_mem>>) src(%dma_wait3A_445 : memref<100x128xf32, #tpu.memory_space<vmem>>) dst(%dma_wait3A_451 : memref<512x128xf32, #tpu.memory_space<vmem_shared>>)
    %add3A_452 = arith.constant 160 : i32
    %add3A_453 = arith.addi %add3A, %add3A_452 : i32
    %mul3A_454 = arith.constant 200 : i32
    %mul3A_455 = arith.muli %add3A_453, %mul3A_454 : i32
    %dma_start3A_456 = arith.constant 1 : i32
    %dma_start3A_457 = arith.constant 0 : i32
    %dma_start3A_458 = arith.constant 0 : i32
    %dma_start3A_459 = tpu.memref_slice %arg5[%dma_start3A_456, %dma_start3A_457, %dma_start3A_458] : memref<4x200x128xf32, #tpu.memory_space<vmem>> -> memref<1x200x128xf32, #tpu.memory_space<vmem>>
    %dma_start3A_460 = tpu.memref_squeeze %dma_start3A_459 : memref<1x200x128xf32, #tpu.memory_space<vmem>> -> memref<200x128xf32, #tpu.memory_space<vmem>>
    %dma_start3A_461 = arith.constant 0 : i32
    %dma_start3A_462 = tpu.memref_slice %arg2[%mul3A_455, %dma_start3A_461] : memref<100000x128xf32, #tpu.memory_space<hbm>> -> memref<200x128xf32, #tpu.memory_space<hbm>>
    %dma_start3A_463 = arith.constant 0 : i32
    %dma_start3A_464 = arith.constant 0 : i32
    %dma_start3A_465 = tpu.memref_slice %arg5[%dma_start3A_456, %dma_start3A_463, %dma_start3A_464] : memref<4x200x128xf32, #tpu.memory_space<vmem>> -> memref<1x200x128xf32, #tpu.memory_space<vmem>>
    %dma_start3A_466 = tpu.memref_squeeze %dma_start3A_465 : memref<1x200x128xf32, #tpu.memory_space<vmem>> -> memref<200x128xf32, #tpu.memory_space<vmem>>
    %dma_start3A_467 = arith.constant 0 : i32
    %dma_start3A_468 = tpu.memref_slice %arg2[%mul3A_455, %dma_start3A_467] : memref<100000x128xf32, #tpu.memory_space<hbm>> -> memref<200x128xf32, #tpu.memory_space<hbm>>
    tpu.enqueue_dma source(%dma_start3A_468 : memref<200x128xf32, #tpu.memory_space<hbm>>) target(%dma_start3A_466 : memref<200x128xf32, #tpu.memory_space<vmem>>) target_semaphore(%arg10 : memref<!tpu.dma_semaphore, #tpu.memory_space<semaphore_mem>>)
    %dma_start3A_469 = arith.constant 1 : i32
    %dma_start3A_470 = arith.constant 0 : i32
    %dma_start3A_471 = arith.constant 0 : i32
    %dma_start3A_472 = tpu.memref_slice %arg7[%dma_start3A_469, %dma_start3A_470, %dma_start3A_471] : memref<4x2x100xi32, #tpu.memory_space<vmem>> -> memref<1x2x100xi32, #tpu.memory_space<vmem>>
    %dma_start3A_473 = tpu.memref_squeeze %dma_start3A_472 : memref<1x2x100xi32, #tpu.memory_space<vmem>> -> memref<2x100xi32, #tpu.memory_space<vmem>>
    %dma_start3A_474 = arith.constant 0 : i32
    %dma_start3A_475 = arith.constant 0 : i32
    %dma_start3A_476 = tpu.memref_slice %arg3[%add3A_453, %dma_start3A_474, %dma_start3A_475] : memref<500x2x100xi32, #tpu.memory_space<hbm>> -> memref<1x2x100xi32, #tpu.memory_space<hbm>>
    %dma_start3A_477 = tpu.memref_squeeze %dma_start3A_476 : memref<1x2x100xi32, #tpu.memory_space<hbm>> -> memref<2x100xi32, #tpu.memory_space<hbm>>
    %dma_start3A_478 = arith.constant 0 : i32
    %dma_start3A_479 = arith.constant 0 : i32
    %dma_start3A_480 = tpu.memref_slice %arg7[%dma_start3A_469, %dma_start3A_478, %dma_start3A_479] : memref<4x2x100xi32, #tpu.memory_space<vmem>> -> memref<1x2x100xi32, #tpu.memory_space<vmem>>
    %dma_start3A_481 = tpu.memref_squeeze %dma_start3A_480 : memref<1x2x100xi32, #tpu.memory_space<vmem>> -> memref<2x100xi32, #tpu.memory_space<vmem>>
    %dma_start3A_482 = arith.constant 0 : i32
    %dma_start3A_483 = arith.constant 0 : i32
    %dma_start3A_484 = tpu.memref_slice %arg3[%add3A_453, %dma_start3A_482, %dma_start3A_483] : memref<500x2x100xi32, #tpu.memory_space<hbm>> -> memref<1x2x100xi32, #tpu.memory_space<hbm>>
    %dma_start3A_485 = tpu.memref_squeeze %dma_start3A_484 : memref<1x2x100xi32, #tpu.memory_space<hbm>> -> memref<2x100xi32, #tpu.memory_space<hbm>>
    tpu.enqueue_dma source(%dma_start3A_485 : memref<2x100xi32, #tpu.memory_space<hbm>>) target(%dma_start3A_481 : memref<2x100xi32, #tpu.memory_space<vmem>>) target_semaphore(%arg14 : memref<!tpu.dma_semaphore, #tpu.memory_space<semaphore_mem>>)
    %dma_wait3A_486 = arith.constant 0 : i32
    %dma_wait3A_487 = arith.constant 0 : i32
    %dma_wait3A_488 = arith.constant 0 : i32
    %dma_wait3A_489 = tpu.memref_slice %arg5[%dma_wait3A_486, %dma_wait3A_487, %dma_wait3A_488] : memref<4x200x128xf32, #tpu.memory_space<vmem>> -> memref<1x200x128xf32, #tpu.memory_space<vmem>>
    %dma_wait3A_490 = tpu.memref_squeeze %dma_wait3A_489 : memref<1x200x128xf32, #tpu.memory_space<vmem>> -> memref<200x128xf32, #tpu.memory_space<vmem>>
    %dma_wait3A_491 = arith.constant 0 : i32
    %dma_wait3A_492 = tpu.memref_slice %arg2[%mul3A_339, %dma_wait3A_491] : memref<100000x128xf32, #tpu.memory_space<hbm>> -> memref<200x128xf32, #tpu.memory_space<hbm>>
    %dma_wait3A_493 = arith.constant 0 : i32
    %dma_wait3A_494 = arith.constant 0 : i32
    %dma_wait3A_495 = tpu.memref_slice %arg5[%dma_wait3A_486, %dma_wait3A_493, %dma_wait3A_494] : memref<4x200x128xf32, #tpu.memory_space<vmem>> -> memref<1x200x128xf32, #tpu.memory_space<vmem>>
    %dma_wait3A_496 = tpu.memref_squeeze %dma_wait3A_495 : memref<1x200x128xf32, #tpu.memory_space<vmem>> -> memref<200x128xf32, #tpu.memory_space<vmem>>
    %dma_wait3A_497 = arith.constant 0 : i32
    %dma_wait3A_498 = tpu.memref_slice %arg2[%mul3A_339, %dma_wait3A_497] : memref<100000x128xf32, #tpu.memory_space<hbm>> -> memref<200x128xf32, #tpu.memory_space<hbm>>
    tpu.wait_dma2 semaphore(%arg9 : memref<!tpu.dma_semaphore, #tpu.memory_space<semaphore_mem>>) src(%dma_wait3A_498 : memref<200x128xf32, #tpu.memory_space<hbm>>) dst(%dma_wait3A_496 : memref<200x128xf32, #tpu.memory_space<vmem>>)
    %dma_wait3A_499 = arith.constant 0 : i32
    %dma_wait3A_500 = arith.constant 0 : i32
    %dma_wait3A_501 = arith.constant 0 : i32
    %dma_wait3A_502 = tpu.memref_slice %arg7[%dma_wait3A_499, %dma_wait3A_500, %dma_wait3A_501] : memref<4x2x100xi32, #tpu.memory_space<vmem>> -> memref<1x2x100xi32, #tpu.memory_space<vmem>>
    %dma_wait3A_503 = tpu.memref_squeeze %dma_wait3A_502 : memref<1x2x100xi32, #tpu.memory_space<vmem>> -> memref<2x100xi32, #tpu.memory_space<vmem>>
    %dma_wait3A_504 = arith.constant 0 : i32
    %dma_wait3A_505 = arith.constant 0 : i32
    %dma_wait3A_506 = tpu.memref_slice %arg3[%add3A_337, %dma_wait3A_504, %dma_wait3A_505] : memref<500x2x100xi32, #tpu.memory_space<hbm>> -> memref<1x2x100xi32, #tpu.memory_space<hbm>>
    %dma_wait3A_507 = tpu.memref_squeeze %dma_wait3A_506 : memref<1x2x100xi32, #tpu.memory_space<hbm>> -> memref<2x100xi32, #tpu.memory_space<hbm>>
    %dma_wait3A_508 = arith.constant 0 : i32
    %dma_wait3A_509 = arith.constant 0 : i32
    %dma_wait3A_510 = tpu.memref_slice %arg7[%dma_wait3A_499, %dma_wait3A_508, %dma_wait3A_509] : memref<4x2x100xi32, #tpu.memory_space<vmem>> -> memref<1x2x100xi32, #tpu.memory_space<vmem>>
    %dma_wait3A_511 = tpu.memref_squeeze %dma_wait3A_510 : memref<1x2x100xi32, #tpu.memory_space<vmem>> -> memref<2x100xi32, #tpu.memory_space<vmem>>
    %dma_wait3A_512 = arith.constant 0 : i32
    %dma_wait3A_513 = arith.constant 0 : i32
    %dma_wait3A_514 = tpu.memref_slice %arg3[%add3A_337, %dma_wait3A_512, %dma_wait3A_513] : memref<500x2x100xi32, #tpu.memory_space<hbm>> -> memref<1x2x100xi32, #tpu.memory_space<hbm>>
    %dma_wait3A_515 = tpu.memref_squeeze %dma_wait3A_514 : memref<1x2x100xi32, #tpu.memory_space<hbm>> -> memref<2x100xi32, #tpu.memory_space<hbm>>
    tpu.wait_dma2 semaphore(%arg13 : memref<!tpu.dma_semaphore, #tpu.memory_space<semaphore_mem>>) src(%dma_wait3A_515 : memref<2x100xi32, #tpu.memory_space<hbm>>) dst(%dma_wait3A_511 : memref<2x100xi32, #tpu.memory_space<vmem>>)
    %dma_start3A_516 = arith.constant 0 : i32
    %dma_start3A_517 = arith.constant 0 : i32
    %dma_start3A_518 = arith.constant 0 : i32
    %dma_start3A_519 = arith.constant 0 : i32
    %dma_start3A_520 = arith.constant 0 : i32
    %dma_start3A_521 = tpu.memref_slice %arg5[%dma_start3A_516, %dma_start3A_519, %dma_start3A_520] : memref<4x200x128xf32, #tpu.memory_space<vmem>> -> memref<1x100x128xf32, #tpu.memory_space<vmem>>
    %dma_start3A_522 = tpu.memref_squeeze %dma_start3A_521 : memref<1x100x128xf32, #tpu.memory_space<vmem>> -> memref<100x128xf32, #tpu.memory_space<vmem>>
    %dma_start3A_523 = arith.constant 0 : i32
    %dma_start3A_524 = tpu.memref_slice %arg7[%dma_start3A_517, %dma_start3A_518, %dma_start3A_523] : memref<4x2x100xi32, #tpu.memory_space<vmem>> -> memref<1x1x100xi32, #tpu.memory_space<vmem>>
    %dma_start3A_525 = tpu.memref_squeeze %dma_start3A_524 : memref<1x1x100xi32, #tpu.memory_space<vmem>> -> memref<100xi32, #tpu.memory_space<vmem>>
    %dma_start3A_526 = arith.constant 0 : i32
    %dma_start3A_527 = arith.constant 0 : i32
    %dma_start3A_528 = tpu.memref_slice %arg8[%dma_start3A_526, %dma_start3A_527] : memref<512x128xf32, #tpu.memory_space<vmem_shared>> -> memref<512x128xf32, #tpu.memory_space<vmem_shared>>
    tpu.enqueue_indirect_dma source(%dma_start3A_522 : memref<100x128xf32, #tpu.memory_space<vmem>>) target(%dma_start3A_528 : memref<512x128xf32, #tpu.memory_space<vmem_shared>>) offsets(%dma_start3A_525 : memref<100xi32, #tpu.memory_space<vmem>>) semaphore(%arg17 : memref<!tpu.dma_semaphore, #tpu.memory_space<semaphore_mem>>) {add = true}
    %dma_start3A_529 = arith.constant 0 : i32
    %dma_start3A_530 = arith.constant 0 : i32
    %dma_start3A_531 = arith.constant 1 : i32
    %dma_start3A_532 = arith.constant 100 : i32
    %dma_start3A_533 = arith.constant 0 : i32
    %dma_start3A_534 = tpu.memref_slice %arg5[%dma_start3A_529, %dma_start3A_532, %dma_start3A_533] : memref<4x200x128xf32, #tpu.memory_space<vmem>> -> memref<1x100x128xf32, #tpu.memory_space<vmem>>
    %dma_start3A_535 = tpu.memref_squeeze %dma_start3A_534 : memref<1x100x128xf32, #tpu.memory_space<vmem>> -> memref<100x128xf32, #tpu.memory_space<vmem>>
    %dma_start3A_536 = arith.constant 0 : i32
    %dma_start3A_537 = tpu.memref_slice %arg7[%dma_start3A_530, %dma_start3A_531, %dma_start3A_536] : memref<4x2x100xi32, #tpu.memory_space<vmem>> -> memref<1x1x100xi32, #tpu.memory_space<vmem>>
    %dma_start3A_538 = tpu.memref_squeeze %dma_start3A_537 : memref<1x1x100xi32, #tpu.memory_space<vmem>> -> memref<100xi32, #tpu.memory_space<vmem>>
    %dma_start3A_539 = arith.constant 0 : i32
    %dma_start3A_540 = arith.constant 0 : i32
    %dma_start3A_541 = tpu.memref_slice %arg8[%dma_start3A_539, %dma_start3A_540] : memref<512x128xf32, #tpu.memory_space<vmem_shared>> -> memref<512x128xf32, #tpu.memory_space<vmem_shared>>
    tpu.enqueue_indirect_dma source(%dma_start3A_535 : memref<100x128xf32, #tpu.memory_space<vmem>>) target(%dma_start3A_541 : memref<512x128xf32, #tpu.memory_space<vmem_shared>>) offsets(%dma_start3A_538 : memref<100xi32, #tpu.memory_space<vmem>>) semaphore(%arg17 : memref<!tpu.dma_semaphore, #tpu.memory_space<semaphore_mem>>) {add = true}
    %dma_wait3A_542 = arith.constant 2 : i32
    %dma_wait3A_543 = arith.constant 2 : i32
    %dma_wait3A_544 = arith.constant 0 : i32
    %dma_wait3A_545 = arith.constant 0 : i32
    %dma_wait3A_546 = arith.constant 0 : i32
    %dma_wait3A_547 = tpu.memref_slice %arg5[%dma_wait3A_542, %dma_wait3A_545, %dma_wait3A_546] : memref<4x200x128xf32, #tpu.memory_space<vmem>> -> memref<1x100x128xf32, #tpu.memory_space<vmem>>
    %dma_wait3A_548 = tpu.memref_squeeze %dma_wait3A_547 : memref<1x100x128xf32, #tpu.memory_space<vmem>> -> memref<100x128xf32, #tpu.memory_space<vmem>>
    %dma_wait3A_549 = arith.constant 0 : i32
    %dma_wait3A_550 = tpu.memref_slice %arg7[%dma_wait3A_543, %dma_wait3A_544, %dma_wait3A_549] : memref<4x2x100xi32, #tpu.memory_space<vmem>> -> memref<1x1x100xi32, #tpu.memory_space<vmem>>
    %dma_wait3A_551 = tpu.memref_squeeze %dma_wait3A_550 : memref<1x1x100xi32, #tpu.memory_space<vmem>> -> memref<100xi32, #tpu.memory_space<vmem>>
    %dma_wait3A_552 = arith.constant 0 : i32
    %dma_wait3A_553 = arith.constant 0 : i32
    %dma_wait3A_554 = tpu.memref_slice %arg8[%dma_wait3A_552, %dma_wait3A_553] : memref<512x128xf32, #tpu.memory_space<vmem_shared>> -> memref<512x128xf32, #tpu.memory_space<vmem_shared>>
    tpu.wait_indirect_dma semaphore(%arg19 : memref<!tpu.dma_semaphore, #tpu.memory_space<semaphore_mem>>) src(%dma_wait3A_548 : memref<100x128xf32, #tpu.memory_space<vmem>>) dst(%dma_wait3A_554 : memref<512x128xf32, #tpu.memory_space<vmem_shared>>)
    %dma_wait3A_555 = arith.constant 2 : i32
    %dma_wait3A_556 = arith.constant 2 : i32
    %dma_wait3A_557 = arith.constant 1 : i32
    %dma_wait3A_558 = arith.constant 100 : i32
    %dma_wait3A_559 = arith.constant 0 : i32
    %dma_wait3A_560 = tpu.memref_slice %arg5[%dma_wait3A_555, %dma_wait3A_558, %dma_wait3A_559] : memref<4x200x128xf32, #tpu.memory_space<vmem>> -> memref<1x100x128xf32, #tpu.memory_space<vmem>>
    %dma_wait3A_561 = tpu.memref_squeeze %dma_wait3A_560 : memref<1x100x128xf32, #tpu.memory_space<vmem>> -> memref<100x128xf32, #tpu.memory_space<vmem>>
    %dma_wait3A_562 = arith.constant 0 : i32
    %dma_wait3A_563 = tpu.memref_slice %arg7[%dma_wait3A_556, %dma_wait3A_557, %dma_wait3A_562] : memref<4x2x100xi32, #tpu.memory_space<vmem>> -> memref<1x1x100xi32, #tpu.memory_space<vmem>>
    %dma_wait3A_564 = tpu.memref_squeeze %dma_wait3A_563 : memref<1x1x100xi32, #tpu.memory_space<vmem>> -> memref<100xi32, #tpu.memory_space<vmem>>
    %dma_wait3A_565 = arith.constant 0 : i32
    %dma_wait3A_566 = arith.constant 0 : i32
    %dma_wait3A_567 = tpu.memref_slice %arg8[%dma_wait3A_565, %dma_wait3A_566] : memref<512x128xf32, #tpu.memory_space<vmem_shared>> -> memref<512x128xf32, #tpu.memory_space<vmem_shared>>
    tpu.wait_indirect_dma semaphore(%arg19 : memref<!tpu.dma_semaphore, #tpu.memory_space<semaphore_mem>>) src(%dma_wait3A_561 : memref<100x128xf32, #tpu.memory_space<vmem>>) dst(%dma_wait3A_567 : memref<512x128xf32, #tpu.memory_space<vmem_shared>>)
    %add3A_568 = arith.constant 192 : i32
    %add3A_569 = arith.addi %add3A, %add3A_568 : i32
    %mul3A_570 = arith.constant 200 : i32
    %mul3A_571 = arith.muli %add3A_569, %mul3A_570 : i32
    %dma_start3A_572 = arith.constant 2 : i32
    %dma_start3A_573 = arith.constant 0 : i32
    %dma_start3A_574 = arith.constant 0 : i32
    %dma_start3A_575 = tpu.memref_slice %arg5[%dma_start3A_572, %dma_start3A_573, %dma_start3A_574] : memref<4x200x128xf32, #tpu.memory_space<vmem>> -> memref<1x200x128xf32, #tpu.memory_space<vmem>>
    %dma_start3A_576 = tpu.memref_squeeze %dma_start3A_575 : memref<1x200x128xf32, #tpu.memory_space<vmem>> -> memref<200x128xf32, #tpu.memory_space<vmem>>
    %dma_start3A_577 = arith.constant 0 : i32
    %dma_start3A_578 = tpu.memref_slice %arg2[%mul3A_571, %dma_start3A_577] : memref<100000x128xf32, #tpu.memory_space<hbm>> -> memref<200x128xf32, #tpu.memory_space<hbm>>
    %dma_start3A_579 = arith.constant 0 : i32
    %dma_start3A_580 = arith.constant 0 : i32
    %dma_start3A_581 = tpu.memref_slice %arg5[%dma_start3A_572, %dma_start3A_579, %dma_start3A_580] : memref<4x200x128xf32, #tpu.memory_space<vmem>> -> memref<1x200x128xf32, #tpu.memory_space<vmem>>
    %dma_start3A_582 = tpu.memref_squeeze %dma_start3A_581 : memref<1x200x128xf32, #tpu.memory_space<vmem>> -> memref<200x128xf32, #tpu.memory_space<vmem>>
    %dma_start3A_583 = arith.constant 0 : i32
    %dma_start3A_584 = tpu.memref_slice %arg2[%mul3A_571, %dma_start3A_583] : memref<100000x128xf32, #tpu.memory_space<hbm>> -> memref<200x128xf32, #tpu.memory_space<hbm>>
    tpu.enqueue_dma source(%dma_start3A_584 : memref<200x128xf32, #tpu.memory_space<hbm>>) target(%dma_start3A_582 : memref<200x128xf32, #tpu.memory_space<vmem>>) target_semaphore(%arg11 : memref<!tpu.dma_semaphore, #tpu.memory_space<semaphore_mem>>)
    %dma_start3A_585 = arith.constant 2 : i32
    %dma_start3A_586 = arith.constant 0 : i32
    %dma_start3A_587 = arith.constant 0 : i32
    %dma_start3A_588 = tpu.memref_slice %arg7[%dma_start3A_585, %dma_start3A_586, %dma_start3A_587] : memref<4x2x100xi32, #tpu.memory_space<vmem>> -> memref<1x2x100xi32, #tpu.memory_space<vmem>>
    %dma_start3A_589 = tpu.memref_squeeze %dma_start3A_588 : memref<1x2x100xi32, #tpu.memory_space<vmem>> -> memref<2x100xi32, #tpu.memory_space<vmem>>
    %dma_start3A_590 = arith.constant 0 : i32
    %dma_start3A_591 = arith.constant 0 : i32
    %dma_start3A_592 = tpu.memref_slice %arg3[%add3A_569, %dma_start3A_590, %dma_start3A_591] : memref<500x2x100xi32, #tpu.memory_space<hbm>> -> memref<1x2x100xi32, #tpu.memory_space<hbm>>
    %dma_start3A_593 = tpu.memref_squeeze %dma_start3A_592 : memref<1x2x100xi32, #tpu.memory_space<hbm>> -> memref<2x100xi32, #tpu.memory_space<hbm>>
    %dma_start3A_594 = arith.constant 0 : i32
    %dma_start3A_595 = arith.constant 0 : i32
    %dma_start3A_596 = tpu.memref_slice %arg7[%dma_start3A_585, %dma_start3A_594, %dma_start3A_595] : memref<4x2x100xi32, #tpu.memory_space<vmem>> -> memref<1x2x100xi32, #tpu.memory_space<vmem>>
    %dma_start3A_597 = tpu.memref_squeeze %dma_start3A_596 : memref<1x2x100xi32, #tpu.memory_space<vmem>> -> memref<2x100xi32, #tpu.memory_space<vmem>>
    %dma_start3A_598 = arith.constant 0 : i32
    %dma_start3A_599 = arith.constant 0 : i32
    %dma_start3A_600 = tpu.memref_slice %arg3[%add3A_569, %dma_start3A_598, %dma_start3A_599] : memref<500x2x100xi32, #tpu.memory_space<hbm>> -> memref<1x2x100xi32, #tpu.memory_space<hbm>>
    %dma_start3A_601 = tpu.memref_squeeze %dma_start3A_600 : memref<1x2x100xi32, #tpu.memory_space<hbm>> -> memref<2x100xi32, #tpu.memory_space<hbm>>
    tpu.enqueue_dma source(%dma_start3A_601 : memref<2x100xi32, #tpu.memory_space<hbm>>) target(%dma_start3A_597 : memref<2x100xi32, #tpu.memory_space<vmem>>) target_semaphore(%arg15 : memref<!tpu.dma_semaphore, #tpu.memory_space<semaphore_mem>>)
    %dma_wait3A_602 = arith.constant 1 : i32
    %dma_wait3A_603 = arith.constant 0 : i32
    %dma_wait3A_604 = arith.constant 0 : i32
    %dma_wait3A_605 = tpu.memref_slice %arg5[%dma_wait3A_602, %dma_wait3A_603, %dma_wait3A_604] : memref<4x200x128xf32, #tpu.memory_space<vmem>> -> memref<1x200x128xf32, #tpu.memory_space<vmem>>
    %dma_wait3A_606 = tpu.memref_squeeze %dma_wait3A_605 : memref<1x200x128xf32, #tpu.memory_space<vmem>> -> memref<200x128xf32, #tpu.memory_space<vmem>>
    %dma_wait3A_607 = arith.constant 0 : i32
    %dma_wait3A_608 = tpu.memref_slice %arg2[%mul3A_455, %dma_wait3A_607] : memref<100000x128xf32, #tpu.memory_space<hbm>> -> memref<200x128xf32, #tpu.memory_space<hbm>>
    %dma_wait3A_609 = arith.constant 0 : i32
    %dma_wait3A_610 = arith.constant 0 : i32
    %dma_wait3A_611 = tpu.memref_slice %arg5[%dma_wait3A_602, %dma_wait3A_609, %dma_wait3A_610] : memref<4x200x128xf32, #tpu.memory_space<vmem>> -> memref<1x200x128xf32, #tpu.memory_space<vmem>>
    %dma_wait3A_612 = tpu.memref_squeeze %dma_wait3A_611 : memref<1x200x128xf32, #tpu.memory_space<vmem>> -> memref<200x128xf32, #tpu.memory_space<vmem>>
    %dma_wait3A_613 = arith.constant 0 : i32
    %dma_wait3A_614 = tpu.memref_slice %arg2[%mul3A_455, %dma_wait3A_613] : memref<100000x128xf32, #tpu.memory_space<hbm>> -> memref<200x128xf32, #tpu.memory_space<hbm>>
    tpu.wait_dma2 semaphore(%arg10 : memref<!tpu.dma_semaphore, #tpu.memory_space<semaphore_mem>>) src(%dma_wait3A_614 : memref<200x128xf32, #tpu.memory_space<hbm>>) dst(%dma_wait3A_612 : memref<200x128xf32, #tpu.memory_space<vmem>>)
    %dma_wait3A_615 = arith.constant 1 : i32
    %dma_wait3A_616 = arith.constant 0 : i32
    %dma_wait3A_617 = arith.constant 0 : i32
    %dma_wait3A_618 = tpu.memref_slice %arg7[%dma_wait3A_615, %dma_wait3A_616, %dma_wait3A_617] : memref<4x2x100xi32, #tpu.memory_space<vmem>> -> memref<1x2x100xi32, #tpu.memory_space<vmem>>
    %dma_wait3A_619 = tpu.memref_squeeze %dma_wait3A_618 : memref<1x2x100xi32, #tpu.memory_space<vmem>> -> memref<2x100xi32, #tpu.memory_space<vmem>>
    %dma_wait3A_620 = arith.constant 0 : i32
    %dma_wait3A_621 = arith.constant 0 : i32
    %dma_wait3A_622 = tpu.memref_slice %arg3[%add3A_453, %dma_wait3A_620, %dma_wait3A_621] : memref<500x2x100xi32, #tpu.memory_space<hbm>> -> memref<1x2x100xi32, #tpu.memory_space<hbm>>
    %dma_wait3A_623 = tpu.memref_squeeze %dma_wait3A_622 : memref<1x2x100xi32, #tpu.memory_space<hbm>> -> memref<2x100xi32, #tpu.memory_space<hbm>>
    %dma_wait3A_624 = arith.constant 0 : i32
    %dma_wait3A_625 = arith.constant 0 : i32
    %dma_wait3A_626 = tpu.memref_slice %arg7[%dma_wait3A_615, %dma_wait3A_624, %dma_wait3A_625] : memref<4x2x100xi32, #tpu.memory_space<vmem>> -> memref<1x2x100xi32, #tpu.memory_space<vmem>>
    %dma_wait3A_627 = tpu.memref_squeeze %dma_wait3A_626 : memref<1x2x100xi32, #tpu.memory_space<vmem>> -> memref<2x100xi32, #tpu.memory_space<vmem>>
    %dma_wait3A_628 = arith.constant 0 : i32
    %dma_wait3A_629 = arith.constant 0 : i32
    %dma_wait3A_630 = tpu.memref_slice %arg3[%add3A_453, %dma_wait3A_628, %dma_wait3A_629] : memref<500x2x100xi32, #tpu.memory_space<hbm>> -> memref<1x2x100xi32, #tpu.memory_space<hbm>>
    %dma_wait3A_631 = tpu.memref_squeeze %dma_wait3A_630 : memref<1x2x100xi32, #tpu.memory_space<hbm>> -> memref<2x100xi32, #tpu.memory_space<hbm>>
    tpu.wait_dma2 semaphore(%arg14 : memref<!tpu.dma_semaphore, #tpu.memory_space<semaphore_mem>>) src(%dma_wait3A_631 : memref<2x100xi32, #tpu.memory_space<hbm>>) dst(%dma_wait3A_627 : memref<2x100xi32, #tpu.memory_space<vmem>>)
    %dma_start3A_632 = arith.constant 1 : i32
    %dma_start3A_633 = arith.constant 1 : i32
    %dma_start3A_634 = arith.constant 0 : i32
    %dma_start3A_635 = arith.constant 0 : i32
    %dma_start3A_636 = arith.constant 0 : i32
    %dma_start3A_637 = tpu.memref_slice %arg5[%dma_start3A_632, %dma_start3A_635, %dma_start3A_636] : memref<4x200x128xf32, #tpu.memory_space<vmem>> -> memref<1x100x128xf32, #tpu.memory_space<vmem>>
    %dma_start3A_638 = tpu.memref_squeeze %dma_start3A_637 : memref<1x100x128xf32, #tpu.memory_space<vmem>> -> memref<100x128xf32, #tpu.memory_space<vmem>>
    %dma_start3A_639 = arith.constant 0 : i32
    %dma_start3A_640 = tpu.memref_slice %arg7[%dma_start3A_633, %dma_start3A_634, %dma_start3A_639] : memref<4x2x100xi32, #tpu.memory_space<vmem>> -> memref<1x1x100xi32, #tpu.memory_space<vmem>>
    %dma_start3A_641 = tpu.memref_squeeze %dma_start3A_640 : memref<1x1x100xi32, #tpu.memory_space<vmem>> -> memref<100xi32, #tpu.memory_space<vmem>>
    %dma_start3A_642 = arith.constant 0 : i32
    %dma_start3A_643 = arith.constant 0 : i32
    %dma_start3A_644 = tpu.memref_slice %arg8[%dma_start3A_642, %dma_start3A_643] : memref<512x128xf32, #tpu.memory_space<vmem_shared>> -> memref<512x128xf32, #tpu.memory_space<vmem_shared>>
    tpu.enqueue_indirect_dma source(%dma_start3A_638 : memref<100x128xf32, #tpu.memory_space<vmem>>) target(%dma_start3A_644 : memref<512x128xf32, #tpu.memory_space<vmem_shared>>) offsets(%dma_start3A_641 : memref<100xi32, #tpu.memory_space<vmem>>) semaphore(%arg18 : memref<!tpu.dma_semaphore, #tpu.memory_space<semaphore_mem>>) {add = true}
    %dma_start3A_645 = arith.constant 1 : i32
    %dma_start3A_646 = arith.constant 1 : i32
    %dma_start3A_647 = arith.constant 1 : i32
    %dma_start3A_648 = arith.constant 100 : i32
    %dma_start3A_649 = arith.constant 0 : i32
    %dma_start3A_650 = tpu.memref_slice %arg5[%dma_start3A_645, %dma_start3A_648, %dma_start3A_649] : memref<4x200x128xf32, #tpu.memory_space<vmem>> -> memref<1x100x128xf32, #tpu.memory_space<vmem>>
    %dma_start3A_651 = tpu.memref_squeeze %dma_start3A_650 : memref<1x100x128xf32, #tpu.memory_space<vmem>> -> memref<100x128xf32, #tpu.memory_space<vmem>>
    %dma_start3A_652 = arith.constant 0 : i32
    %dma_start3A_653 = tpu.memref_slice %arg7[%dma_start3A_646, %dma_start3A_647, %dma_start3A_652] : memref<4x2x100xi32, #tpu.memory_space<vmem>> -> memref<1x1x100xi32, #tpu.memory_space<vmem>>
    %dma_start3A_654 = tpu.memref_squeeze %dma_start3A_653 : memref<1x1x100xi32, #tpu.memory_space<vmem>> -> memref<100xi32, #tpu.memory_space<vmem>>
    %dma_start3A_655 = arith.constant 0 : i32
    %dma_start3A_656 = arith.constant 0 : i32
    %dma_start3A_657 = tpu.memref_slice %arg8[%dma_start3A_655, %dma_start3A_656] : memref<512x128xf32, #tpu.memory_space<vmem_shared>> -> memref<512x128xf32, #tpu.memory_space<vmem_shared>>
    tpu.enqueue_indirect_dma source(%dma_start3A_651 : memref<100x128xf32, #tpu.memory_space<vmem>>) target(%dma_start3A_657 : memref<512x128xf32, #tpu.memory_space<vmem_shared>>) offsets(%dma_start3A_654 : memref<100xi32, #tpu.memory_space<vmem>>) semaphore(%arg18 : memref<!tpu.dma_semaphore, #tpu.memory_space<semaphore_mem>>) {add = true}
    %dma_wait3A_658 = arith.constant 3 : i32
    %dma_wait3A_659 = arith.constant 3 : i32
    %dma_wait3A_660 = arith.constant 0 : i32
    %dma_wait3A_661 = arith.constant 0 : i32
    %dma_wait3A_662 = arith.constant 0 : i32
    %dma_wait3A_663 = tpu.memref_slice %arg5[%dma_wait3A_658, %dma_wait3A_661, %dma_wait3A_662] : memref<4x200x128xf32, #tpu.memory_space<vmem>> -> memref<1x100x128xf32, #tpu.memory_space<vmem>>
    %dma_wait3A_664 = tpu.memref_squeeze %dma_wait3A_663 : memref<1x100x128xf32, #tpu.memory_space<vmem>> -> memref<100x128xf32, #tpu.memory_space<vmem>>
    %dma_wait3A_665 = arith.constant 0 : i32
    %dma_wait3A_666 = tpu.memref_slice %arg7[%dma_wait3A_659, %dma_wait3A_660, %dma_wait3A_665] : memref<4x2x100xi32, #tpu.memory_space<vmem>> -> memref<1x1x100xi32, #tpu.memory_space<vmem>>
    %dma_wait3A_667 = tpu.memref_squeeze %dma_wait3A_666 : memref<1x1x100xi32, #tpu.memory_space<vmem>> -> memref<100xi32, #tpu.memory_space<vmem>>
    %dma_wait3A_668 = arith.constant 0 : i32
    %dma_wait3A_669 = arith.constant 0 : i32
    %dma_wait3A_670 = tpu.memref_slice %arg8[%dma_wait3A_668, %dma_wait3A_669] : memref<512x128xf32, #tpu.memory_space<vmem_shared>> -> memref<512x128xf32, #tpu.memory_space<vmem_shared>>
    tpu.wait_indirect_dma semaphore(%arg20 : memref<!tpu.dma_semaphore, #tpu.memory_space<semaphore_mem>>) src(%dma_wait3A_664 : memref<100x128xf32, #tpu.memory_space<vmem>>) dst(%dma_wait3A_670 : memref<512x128xf32, #tpu.memory_space<vmem_shared>>)
    %dma_wait3A_671 = arith.constant 3 : i32
    %dma_wait3A_672 = arith.constant 3 : i32
    %dma_wait3A_673 = arith.constant 1 : i32
    %dma_wait3A_674 = arith.constant 100 : i32
    %dma_wait3A_675 = arith.constant 0 : i32
    %dma_wait3A_676 = tpu.memref_slice %arg5[%dma_wait3A_671, %dma_wait3A_674, %dma_wait3A_675] : memref<4x200x128xf32, #tpu.memory_space<vmem>> -> memref<1x100x128xf32, #tpu.memory_space<vmem>>
    %dma_wait3A_677 = tpu.memref_squeeze %dma_wait3A_676 : memref<1x100x128xf32, #tpu.memory_space<vmem>> -> memref<100x128xf32, #tpu.memory_space<vmem>>
    %dma_wait3A_678 = arith.constant 0 : i32
    %dma_wait3A_679 = tpu.memref_slice %arg7[%dma_wait3A_672, %dma_wait3A_673, %dma_wait3A_678] : memref<4x2x100xi32, #tpu.memory_space<vmem>> -> memref<1x1x100xi32, #tpu.memory_space<vmem>>
    %dma_wait3A_680 = tpu.memref_squeeze %dma_wait3A_679 : memref<1x1x100xi32, #tpu.memory_space<vmem>> -> memref<100xi32, #tpu.memory_space<vmem>>
    %dma_wait3A_681 = arith.constant 0 : i32
    %dma_wait3A_682 = arith.constant 0 : i32
    %dma_wait3A_683 = tpu.memref_slice %arg8[%dma_wait3A_681, %dma_wait3A_682] : memref<512x128xf32, #tpu.memory_space<vmem_shared>> -> memref<512x128xf32, #tpu.memory_space<vmem_shared>>
    tpu.wait_indirect_dma semaphore(%arg20 : memref<!tpu.dma_semaphore, #tpu.memory_space<semaphore_mem>>) src(%dma_wait3A_677 : memref<100x128xf32, #tpu.memory_space<vmem>>) dst(%dma_wait3A_683 : memref<512x128xf32, #tpu.memory_space<vmem_shared>>)
    %add3A_684 = arith.constant 224 : i32
    %add3A_685 = arith.addi %add3A, %add3A_684 : i32
    %mul3A_686 = arith.constant 200 : i32
    %mul3A_687 = arith.muli %add3A_685, %mul3A_686 : i32
    %dma_start3A_688 = arith.constant 3 : i32
    %dma_start3A_689 = arith.constant 0 : i32
    %dma_start3A_690 = arith.constant 0 : i32
    %dma_start3A_691 = tpu.memref_slice %arg5[%dma_start3A_688, %dma_start3A_689, %dma_start3A_690] : memref<4x200x128xf32, #tpu.memory_space<vmem>> -> memref<1x200x128xf32, #tpu.memory_space<vmem>>
    %dma_start3A_692 = tpu.memref_squeeze %dma_start3A_691 : memref<1x200x128xf32, #tpu.memory_space<vmem>> -> memref<200x128xf32, #tpu.memory_space<vmem>>
    %dma_start3A_693 = arith.constant 0 : i32
    %dma_start3A_694 = tpu.memref_slice %arg2[%mul3A_687, %dma_start3A_693] : memref<100000x128xf32, #tpu.memory_space<hbm>> -> memref<200x128xf32, #tpu.memory_space<hbm>>
    %dma_start3A_695 = arith.constant 0 : i32
    %dma_start3A_696 = arith.constant 0 : i32
    %dma_start3A_697 = tpu.memref_slice %arg5[%dma_start3A_688, %dma_start3A_695, %dma_start3A_696] : memref<4x200x128xf32, #tpu.memory_space<vmem>> -> memref<1x200x128xf32, #tpu.memory_space<vmem>>
    %dma_start3A_698 = tpu.memref_squeeze %dma_start3A_697 : memref<1x200x128xf32, #tpu.memory_space<vmem>> -> memref<200x128xf32, #tpu.memory_space<vmem>>
    %dma_start3A_699 = arith.constant 0 : i32
    %dma_start3A_700 = tpu.memref_slice %arg2[%mul3A_687, %dma_start3A_699] : memref<100000x128xf32, #tpu.memory_space<hbm>> -> memref<200x128xf32, #tpu.memory_space<hbm>>
    tpu.enqueue_dma source(%dma_start3A_700 : memref<200x128xf32, #tpu.memory_space<hbm>>) target(%dma_start3A_698 : memref<200x128xf32, #tpu.memory_space<vmem>>) target_semaphore(%arg12 : memref<!tpu.dma_semaphore, #tpu.memory_space<semaphore_mem>>)
    %dma_start3A_701 = arith.constant 3 : i32
    %dma_start3A_702 = arith.constant 0 : i32
    %dma_start3A_703 = arith.constant 0 : i32
    %dma_start3A_704 = tpu.memref_slice %arg7[%dma_start3A_701, %dma_start3A_702, %dma_start3A_703] : memref<4x2x100xi32, #tpu.memory_space<vmem>> -> memref<1x2x100xi32, #tpu.memory_space<vmem>>
    %dma_start3A_705 = tpu.memref_squeeze %dma_start3A_704 : memref<1x2x100xi32, #tpu.memory_space<vmem>> -> memref<2x100xi32, #tpu.memory_space<vmem>>
    %dma_start3A_706 = arith.constant 0 : i32
    %dma_start3A_707 = arith.constant 0 : i32
    %dma_start3A_708 = tpu.memref_slice %arg3[%add3A_685, %dma_start3A_706, %dma_start3A_707] : memref<500x2x100xi32, #tpu.memory_space<hbm>> -> memref<1x2x100xi32, #tpu.memory_space<hbm>>
    %dma_start3A_709 = tpu.memref_squeeze %dma_start3A_708 : memref<1x2x100xi32, #tpu.memory_space<hbm>> -> memref<2x100xi32, #tpu.memory_space<hbm>>
    %dma_start3A_710 = arith.constant 0 : i32
    %dma_start3A_711 = arith.constant 0 : i32
    %dma_start3A_712 = tpu.memref_slice %arg7[%dma_start3A_701, %dma_start3A_710, %dma_start3A_711] : memref<4x2x100xi32, #tpu.memory_space<vmem>> -> memref<1x2x100xi32, #tpu.memory_space<vmem>>
    %dma_start3A_713 = tpu.memref_squeeze %dma_start3A_712 : memref<1x2x100xi32, #tpu.memory_space<vmem>> -> memref<2x100xi32, #tpu.memory_space<vmem>>
    %dma_start3A_714 = arith.constant 0 : i32
    %dma_start3A_715 = arith.constant 0 : i32
    %dma_start3A_716 = tpu.memref_slice %arg3[%add3A_685, %dma_start3A_714, %dma_start3A_715] : memref<500x2x100xi32, #tpu.memory_space<hbm>> -> memref<1x2x100xi32, #tpu.memory_space<hbm>>
    %dma_start3A_717 = tpu.memref_squeeze %dma_start3A_716 : memref<1x2x100xi32, #tpu.memory_space<hbm>> -> memref<2x100xi32, #tpu.memory_space<hbm>>
    tpu.enqueue_dma source(%dma_start3A_717 : memref<2x100xi32, #tpu.memory_space<hbm>>) target(%dma_start3A_713 : memref<2x100xi32, #tpu.memory_space<vmem>>) target_semaphore(%arg16 : memref<!tpu.dma_semaphore, #tpu.memory_space<semaphore_mem>>)
    %dma_wait3A_718 = arith.constant 2 : i32
    %dma_wait3A_719 = arith.constant 0 : i32
    %dma_wait3A_720 = arith.constant 0 : i32
    %dma_wait3A_721 = tpu.memref_slice %arg5[%dma_wait3A_718, %dma_wait3A_719, %dma_wait3A_720] : memref<4x200x128xf32, #tpu.memory_space<vmem>> -> memref<1x200x128xf32, #tpu.memory_space<vmem>>
    %dma_wait3A_722 = tpu.memref_squeeze %dma_wait3A_721 : memref<1x200x128xf32, #tpu.memory_space<vmem>> -> memref<200x128xf32, #tpu.memory_space<vmem>>
    %dma_wait3A_723 = arith.constant 0 : i32
    %dma_wait3A_724 = tpu.memref_slice %arg2[%mul3A_571, %dma_wait3A_723] : memref<100000x128xf32, #tpu.memory_space<hbm>> -> memref<200x128xf32, #tpu.memory_space<hbm>>
    %dma_wait3A_725 = arith.constant 0 : i32
    %dma_wait3A_726 = arith.constant 0 : i32
    %dma_wait3A_727 = tpu.memref_slice %arg5[%dma_wait3A_718, %dma_wait3A_725, %dma_wait3A_726] : memref<4x200x128xf32, #tpu.memory_space<vmem>> -> memref<1x200x128xf32, #tpu.memory_space<vmem>>
    %dma_wait3A_728 = tpu.memref_squeeze %dma_wait3A_727 : memref<1x200x128xf32, #tpu.memory_space<vmem>> -> memref<200x128xf32, #tpu.memory_space<vmem>>
    %dma_wait3A_729 = arith.constant 0 : i32
    %dma_wait3A_730 = tpu.memref_slice %arg2[%mul3A_571, %dma_wait3A_729] : memref<100000x128xf32, #tpu.memory_space<hbm>> -> memref<200x128xf32, #tpu.memory_space<hbm>>
    tpu.wait_dma2 semaphore(%arg11 : memref<!tpu.dma_semaphore, #tpu.memory_space<semaphore_mem>>) src(%dma_wait3A_730 : memref<200x128xf32, #tpu.memory_space<hbm>>) dst(%dma_wait3A_728 : memref<200x128xf32, #tpu.memory_space<vmem>>)
    %dma_wait3A_731 = arith.constant 2 : i32
    %dma_wait3A_732 = arith.constant 0 : i32
    %dma_wait3A_733 = arith.constant 0 : i32
    %dma_wait3A_734 = tpu.memref_slice %arg7[%dma_wait3A_731, %dma_wait3A_732, %dma_wait3A_733] : memref<4x2x100xi32, #tpu.memory_space<vmem>> -> memref<1x2x100xi32, #tpu.memory_space<vmem>>
    %dma_wait3A_735 = tpu.memref_squeeze %dma_wait3A_734 : memref<1x2x100xi32, #tpu.memory_space<vmem>> -> memref<2x100xi32, #tpu.memory_space<vmem>>
    %dma_wait3A_736 = arith.constant 0 : i32
    %dma_wait3A_737 = arith.constant 0 : i32
    %dma_wait3A_738 = tpu.memref_slice %arg3[%add3A_569, %dma_wait3A_736, %dma_wait3A_737] : memref<500x2x100xi32, #tpu.memory_space<hbm>> -> memref<1x2x100xi32, #tpu.memory_space<hbm>>
    %dma_wait3A_739 = tpu.memref_squeeze %dma_wait3A_738 : memref<1x2x100xi32, #tpu.memory_space<hbm>> -> memref<2x100xi32, #tpu.memory_space<hbm>>
    %dma_wait3A_740 = arith.constant 0 : i32
    %dma_wait3A_741 = arith.constant 0 : i32
    %dma_wait3A_742 = tpu.memref_slice %arg7[%dma_wait3A_731, %dma_wait3A_740, %dma_wait3A_741] : memref<4x2x100xi32, #tpu.memory_space<vmem>> -> memref<1x2x100xi32, #tpu.memory_space<vmem>>
    %dma_wait3A_743 = tpu.memref_squeeze %dma_wait3A_742 : memref<1x2x100xi32, #tpu.memory_space<vmem>> -> memref<2x100xi32, #tpu.memory_space<vmem>>
    %dma_wait3A_744 = arith.constant 0 : i32
    %dma_wait3A_745 = arith.constant 0 : i32
    %dma_wait3A_746 = tpu.memref_slice %arg3[%add3A_569, %dma_wait3A_744, %dma_wait3A_745] : memref<500x2x100xi32, #tpu.memory_space<hbm>> -> memref<1x2x100xi32, #tpu.memory_space<hbm>>
    %dma_wait3A_747 = tpu.memref_squeeze %dma_wait3A_746 : memref<1x2x100xi32, #tpu.memory_space<hbm>> -> memref<2x100xi32, #tpu.memory_space<hbm>>
    tpu.wait_dma2 semaphore(%arg15 : memref<!tpu.dma_semaphore, #tpu.memory_space<semaphore_mem>>) src(%dma_wait3A_747 : memref<2x100xi32, #tpu.memory_space<hbm>>) dst(%dma_wait3A_743 : memref<2x100xi32, #tpu.memory_space<vmem>>)
    %dma_start3A_748 = arith.constant 2 : i32
    %dma_start3A_749 = arith.constant 2 : i32
    %dma_start3A_750 = arith.constant 0 : i32
    %dma_start3A_751 = arith.constant 0 : i32
    %dma_start3A_752 = arith.constant 0 : i32
    %dma_start3A_753 = tpu.memref_slice %arg5[%dma_start3A_748, %dma_start3A_751, %dma_start3A_752] : memref<4x200x128xf32, #tpu.memory_space<vmem>> -> memref<1x100x128xf32, #tpu.memory_space<vmem>>
    %dma_start3A_754 = tpu.memref_squeeze %dma_start3A_753 : memref<1x100x128xf32, #tpu.memory_space<vmem>> -> memref<100x128xf32, #tpu.memory_space<vmem>>
    %dma_start3A_755 = arith.constant 0 : i32
    %dma_start3A_756 = tpu.memref_slice %arg7[%dma_start3A_749, %dma_start3A_750, %dma_start3A_755] : memref<4x2x100xi32, #tpu.memory_space<vmem>> -> memref<1x1x100xi32, #tpu.memory_space<vmem>>
    %dma_start3A_757 = tpu.memref_squeeze %dma_start3A_756 : memref<1x1x100xi32, #tpu.memory_space<vmem>> -> memref<100xi32, #tpu.memory_space<vmem>>
    %dma_start3A_758 = arith.constant 0 : i32
    %dma_start3A_759 = arith.constant 0 : i32
    %dma_start3A_760 = tpu.memref_slice %arg8[%dma_start3A_758, %dma_start3A_759] : memref<512x128xf32, #tpu.memory_space<vmem_shared>> -> memref<512x128xf32, #tpu.memory_space<vmem_shared>>
    tpu.enqueue_indirect_dma source(%dma_start3A_754 : memref<100x128xf32, #tpu.memory_space<vmem>>) target(%dma_start3A_760 : memref<512x128xf32, #tpu.memory_space<vmem_shared>>) offsets(%dma_start3A_757 : memref<100xi32, #tpu.memory_space<vmem>>) semaphore(%arg19 : memref<!tpu.dma_semaphore, #tpu.memory_space<semaphore_mem>>) {add = true}
    %dma_start3A_761 = arith.constant 2 : i32
    %dma_start3A_762 = arith.constant 2 : i32
    %dma_start3A_763 = arith.constant 1 : i32
    %dma_start3A_764 = arith.constant 100 : i32
    %dma_start3A_765 = arith.constant 0 : i32
    %dma_start3A_766 = tpu.memref_slice %arg5[%dma_start3A_761, %dma_start3A_764, %dma_start3A_765] : memref<4x200x128xf32, #tpu.memory_space<vmem>> -> memref<1x100x128xf32, #tpu.memory_space<vmem>>
    %dma_start3A_767 = tpu.memref_squeeze %dma_start3A_766 : memref<1x100x128xf32, #tpu.memory_space<vmem>> -> memref<100x128xf32, #tpu.memory_space<vmem>>
    %dma_start3A_768 = arith.constant 0 : i32
    %dma_start3A_769 = tpu.memref_slice %arg7[%dma_start3A_762, %dma_start3A_763, %dma_start3A_768] : memref<4x2x100xi32, #tpu.memory_space<vmem>> -> memref<1x1x100xi32, #tpu.memory_space<vmem>>
    %dma_start3A_770 = tpu.memref_squeeze %dma_start3A_769 : memref<1x1x100xi32, #tpu.memory_space<vmem>> -> memref<100xi32, #tpu.memory_space<vmem>>
    %dma_start3A_771 = arith.constant 0 : i32
    %dma_start3A_772 = arith.constant 0 : i32
    %dma_start3A_773 = tpu.memref_slice %arg8[%dma_start3A_771, %dma_start3A_772] : memref<512x128xf32, #tpu.memory_space<vmem_shared>> -> memref<512x128xf32, #tpu.memory_space<vmem_shared>>
    tpu.enqueue_indirect_dma source(%dma_start3A_767 : memref<100x128xf32, #tpu.memory_space<vmem>>) target(%dma_start3A_773 : memref<512x128xf32, #tpu.memory_space<vmem_shared>>) offsets(%dma_start3A_770 : memref<100xi32, #tpu.memory_space<vmem>>) semaphore(%arg19 : memref<!tpu.dma_semaphore, #tpu.memory_space<semaphore_mem>>) {add = true}
    %dma_wait3A_774 = arith.constant 0 : i32
    %dma_wait3A_775 = arith.constant 0 : i32
    %dma_wait3A_776 = arith.constant 0 : i32
    %dma_wait3A_777 = arith.constant 0 : i32
    %dma_wait3A_778 = arith.constant 0 : i32
    %dma_wait3A_779 = tpu.memref_slice %arg5[%dma_wait3A_774, %dma_wait3A_777, %dma_wait3A_778] : memref<4x200x128xf32, #tpu.memory_space<vmem>> -> memref<1x100x128xf32, #tpu.memory_space<vmem>>
    %dma_wait3A_780 = tpu.memref_squeeze %dma_wait3A_779 : memref<1x100x128xf32, #tpu.memory_space<vmem>> -> memref<100x128xf32, #tpu.memory_space<vmem>>
    %dma_wait3A_781 = arith.constant 0 : i32
    %dma_wait3A_782 = tpu.memref_slice %arg7[%dma_wait3A_775, %dma_wait3A_776, %dma_wait3A_781] : memref<4x2x100xi32, #tpu.memory_space<vmem>> -> memref<1x1x100xi32, #tpu.memory_space<vmem>>
    %dma_wait3A_783 = tpu.memref_squeeze %dma_wait3A_782 : memref<1x1x100xi32, #tpu.memory_space<vmem>> -> memref<100xi32, #tpu.memory_space<vmem>>
    %dma_wait3A_784 = arith.constant 0 : i32
    %dma_wait3A_785 = arith.constant 0 : i32
    %dma_wait3A_786 = tpu.memref_slice %arg8[%dma_wait3A_784, %dma_wait3A_785] : memref<512x128xf32, #tpu.memory_space<vmem_shared>> -> memref<512x128xf32, #tpu.memory_space<vmem_shared>>
    tpu.wait_indirect_dma semaphore(%arg17 : memref<!tpu.dma_semaphore, #tpu.memory_space<semaphore_mem>>) src(%dma_wait3A_780 : memref<100x128xf32, #tpu.memory_space<vmem>>) dst(%dma_wait3A_786 : memref<512x128xf32, #tpu.memory_space<vmem_shared>>)
    %dma_wait3A_787 = arith.constant 0 : i32
    %dma_wait3A_788 = arith.constant 0 : i32
    %dma_wait3A_789 = arith.constant 1 : i32
    %dma_wait3A_790 = arith.constant 100 : i32
    %dma_wait3A_791 = arith.constant 0 : i32
    %dma_wait3A_792 = tpu.memref_slice %arg5[%dma_wait3A_787, %dma_wait3A_790, %dma_wait3A_791] : memref<4x200x128xf32, #tpu.memory_space<vmem>> -> memref<1x100x128xf32, #tpu.memory_space<vmem>>
    %dma_wait3A_793 = tpu.memref_squeeze %dma_wait3A_792 : memref<1x100x128xf32, #tpu.memory_space<vmem>> -> memref<100x128xf32, #tpu.memory_space<vmem>>
    %dma_wait3A_794 = arith.constant 0 : i32
    %dma_wait3A_795 = tpu.memref_slice %arg7[%dma_wait3A_788, %dma_wait3A_789, %dma_wait3A_794] : memref<4x2x100xi32, #tpu.memory_space<vmem>> -> memref<1x1x100xi32, #tpu.memory_space<vmem>>
    %dma_wait3A_796 = tpu.memref_squeeze %dma_wait3A_795 : memref<1x1x100xi32, #tpu.memory_space<vmem>> -> memref<100xi32, #tpu.memory_space<vmem>>
    %dma_wait3A_797 = arith.constant 0 : i32
    %dma_wait3A_798 = arith.constant 0 : i32
    %dma_wait3A_799 = tpu.memref_slice %arg8[%dma_wait3A_797, %dma_wait3A_798] : memref<512x128xf32, #tpu.memory_space<vmem_shared>> -> memref<512x128xf32, #tpu.memory_space<vmem_shared>>
    tpu.wait_indirect_dma semaphore(%arg17 : memref<!tpu.dma_semaphore, #tpu.memory_space<semaphore_mem>>) src(%dma_wait3A_793 : memref<100x128xf32, #tpu.memory_space<vmem>>) dst(%dma_wait3A_799 : memref<512x128xf32, #tpu.memory_space<vmem_shared>>)
    %add3A_800 = arith.constant 256 : i32
    %add3A_801 = arith.addi %add3A, %add3A_800 : i32
    %mul3A_802 = arith.constant 200 : i32
    %mul3A_803 = arith.muli %add3A_801, %mul3A_802 : i32
    %dma_start3A_804 = arith.constant 0 : i32
    %dma_start3A_805 = arith.constant 0 : i32
    %dma_start3A_806 = arith.constant 0 : i32
    %dma_start3A_807 = tpu.memref_slice %arg5[%dma_start3A_804, %dma_start3A_805, %dma_start3A_806] : memref<4x200x128xf32, #tpu.memory_space<vmem>> -> memref<1x200x128xf32, #tpu.memory_space<vmem>>
    %dma_start3A_808 = tpu.memref_squeeze %dma_start3A_807 : memref<1x200x128xf32, #tpu.memory_space<vmem>> -> memref<200x128xf32, #tpu.memory_space<vmem>>
    %dma_start3A_809 = arith.constant 0 : i32
    %dma_start3A_810 = tpu.memref_slice %arg2[%mul3A_803, %dma_start3A_809] : memref<100000x128xf32, #tpu.memory_space<hbm>> -> memref<200x128xf32, #tpu.memory_space<hbm>>
    %dma_start3A_811 = arith.constant 0 : i32
    %dma_start3A_812 = arith.constant 0 : i32
    %dma_start3A_813 = tpu.memref_slice %arg5[%dma_start3A_804, %dma_start3A_811, %dma_start3A_812] : memref<4x200x128xf32, #tpu.memory_space<vmem>> -> memref<1x200x128xf32, #tpu.memory_space<vmem>>
    %dma_start3A_814 = tpu.memref_squeeze %dma_start3A_813 : memref<1x200x128xf32, #tpu.memory_space<vmem>> -> memref<200x128xf32, #tpu.memory_space<vmem>>
    %dma_start3A_815 = arith.constant 0 : i32
    %dma_start3A_816 = tpu.memref_slice %arg2[%mul3A_803, %dma_start3A_815] : memref<100000x128xf32, #tpu.memory_space<hbm>> -> memref<200x128xf32, #tpu.memory_space<hbm>>
    tpu.enqueue_dma source(%dma_start3A_816 : memref<200x128xf32, #tpu.memory_space<hbm>>) target(%dma_start3A_814 : memref<200x128xf32, #tpu.memory_space<vmem>>) target_semaphore(%arg9 : memref<!tpu.dma_semaphore, #tpu.memory_space<semaphore_mem>>)
    %dma_start3A_817 = arith.constant 0 : i32
    %dma_start3A_818 = arith.constant 0 : i32
    %dma_start3A_819 = arith.constant 0 : i32
    %dma_start3A_820 = tpu.memref_slice %arg7[%dma_start3A_817, %dma_start3A_818, %dma_start3A_819] : memref<4x2x100xi32, #tpu.memory_space<vmem>> -> memref<1x2x100xi32, #tpu.memory_space<vmem>>
    %dma_start3A_821 = tpu.memref_squeeze %dma_start3A_820 : memref<1x2x100xi32, #tpu.memory_space<vmem>> -> memref<2x100xi32, #tpu.memory_space<vmem>>
    %dma_start3A_822 = arith.constant 0 : i32
    %dma_start3A_823 = arith.constant 0 : i32
    %dma_start3A_824 = tpu.memref_slice %arg3[%add3A_801, %dma_start3A_822, %dma_start3A_823] : memref<500x2x100xi32, #tpu.memory_space<hbm>> -> memref<1x2x100xi32, #tpu.memory_space<hbm>>
    %dma_start3A_825 = tpu.memref_squeeze %dma_start3A_824 : memref<1x2x100xi32, #tpu.memory_space<hbm>> -> memref<2x100xi32, #tpu.memory_space<hbm>>
    %dma_start3A_826 = arith.constant 0 : i32
    %dma_start3A_827 = arith.constant 0 : i32
    %dma_start3A_828 = tpu.memref_slice %arg7[%dma_start3A_817, %dma_start3A_826, %dma_start3A_827] : memref<4x2x100xi32, #tpu.memory_space<vmem>> -> memref<1x2x100xi32, #tpu.memory_space<vmem>>
    %dma_start3A_829 = tpu.memref_squeeze %dma_start3A_828 : memref<1x2x100xi32, #tpu.memory_space<vmem>> -> memref<2x100xi32, #tpu.memory_space<vmem>>
    %dma_start3A_830 = arith.constant 0 : i32
    %dma_start3A_831 = arith.constant 0 : i32
    %dma_start3A_832 = tpu.memref_slice %arg3[%add3A_801, %dma_start3A_830, %dma_start3A_831] : memref<500x2x100xi32, #tpu.memory_space<hbm>> -> memref<1x2x100xi32, #tpu.memory_space<hbm>>
    %dma_start3A_833 = tpu.memref_squeeze %dma_start3A_832 : memref<1x2x100xi32, #tpu.memory_space<hbm>> -> memref<2x100xi32, #tpu.memory_space<hbm>>
    tpu.enqueue_dma source(%dma_start3A_833 : memref<2x100xi32, #tpu.memory_space<hbm>>) target(%dma_start3A_829 : memref<2x100xi32, #tpu.memory_space<vmem>>) target_semaphore(%arg13 : memref<!tpu.dma_semaphore, #tpu.memory_space<semaphore_mem>>)
    %dma_wait3A_834 = arith.constant 3 : i32
    %dma_wait3A_835 = arith.constant 0 : i32
    %dma_wait3A_836 = arith.constant 0 : i32
    %dma_wait3A_837 = tpu.memref_slice %arg5[%dma_wait3A_834, %dma_wait3A_835, %dma_wait3A_836] : memref<4x200x128xf32, #tpu.memory_space<vmem>> -> memref<1x200x128xf32, #tpu.memory_space<vmem>>
    %dma_wait3A_838 = tpu.memref_squeeze %dma_wait3A_837 : memref<1x200x128xf32, #tpu.memory_space<vmem>> -> memref<200x128xf32, #tpu.memory_space<vmem>>
    %dma_wait3A_839 = arith.constant 0 : i32
    %dma_wait3A_840 = tpu.memref_slice %arg2[%mul3A_687, %dma_wait3A_839] : memref<100000x128xf32, #tpu.memory_space<hbm>> -> memref<200x128xf32, #tpu.memory_space<hbm>>
    %dma_wait3A_841 = arith.constant 0 : i32
    %dma_wait3A_842 = arith.constant 0 : i32
    %dma_wait3A_843 = tpu.memref_slice %arg5[%dma_wait3A_834, %dma_wait3A_841, %dma_wait3A_842] : memref<4x200x128xf32, #tpu.memory_space<vmem>> -> memref<1x200x128xf32, #tpu.memory_space<vmem>>
    %dma_wait3A_844 = tpu.memref_squeeze %dma_wait3A_843 : memref<1x200x128xf32, #tpu.memory_space<vmem>> -> memref<200x128xf32, #tpu.memory_space<vmem>>
    %dma_wait3A_845 = arith.constant 0 : i32
    %dma_wait3A_846 = tpu.memref_slice %arg2[%mul3A_687, %dma_wait3A_845] : memref<100000x128xf32, #tpu.memory_space<hbm>> -> memref<200x128xf32, #tpu.memory_space<hbm>>
    tpu.wait_dma2 semaphore(%arg12 : memref<!tpu.dma_semaphore, #tpu.memory_space<semaphore_mem>>) src(%dma_wait3A_846 : memref<200x128xf32, #tpu.memory_space<hbm>>) dst(%dma_wait3A_844 : memref<200x128xf32, #tpu.memory_space<vmem>>)
    %dma_wait3A_847 = arith.constant 3 : i32
    %dma_wait3A_848 = arith.constant 0 : i32
    %dma_wait3A_849 = arith.constant 0 : i32
    %dma_wait3A_850 = tpu.memref_slice %arg7[%dma_wait3A_847, %dma_wait3A_848, %dma_wait3A_849] : memref<4x2x100xi32, #tpu.memory_space<vmem>> -> memref<1x2x100xi32, #tpu.memory_space<vmem>>
    %dma_wait3A_851 = tpu.memref_squeeze %dma_wait3A_850 : memref<1x2x100xi32, #tpu.memory_space<vmem>> -> memref<2x100xi32, #tpu.memory_space<vmem>>
    %dma_wait3A_852 = arith.constant 0 : i32
    %dma_wait3A_853 = arith.constant 0 : i32
    %dma_wait3A_854 = tpu.memref_slice %arg3[%add3A_685, %dma_wait3A_852, %dma_wait3A_853] : memref<500x2x100xi32, #tpu.memory_space<hbm>> -> memref<1x2x100xi32, #tpu.memory_space<hbm>>
    %dma_wait3A_855 = tpu.memref_squeeze %dma_wait3A_854 : memref<1x2x100xi32, #tpu.memory_space<hbm>> -> memref<2x100xi32, #tpu.memory_space<hbm>>
    %dma_wait3A_856 = arith.constant 0 : i32
    %dma_wait3A_857 = arith.constant 0 : i32
    %dma_wait3A_858 = tpu.memref_slice %arg7[%dma_wait3A_847, %dma_wait3A_856, %dma_wait3A_857] : memref<4x2x100xi32, #tpu.memory_space<vmem>> -> memref<1x2x100xi32, #tpu.memory_space<vmem>>
    %dma_wait3A_859 = tpu.memref_squeeze %dma_wait3A_858 : memref<1x2x100xi32, #tpu.memory_space<vmem>> -> memref<2x100xi32, #tpu.memory_space<vmem>>
    %dma_wait3A_860 = arith.constant 0 : i32
    %dma_wait3A_861 = arith.constant 0 : i32
    %dma_wait3A_862 = tpu.memref_slice %arg3[%add3A_685, %dma_wait3A_860, %dma_wait3A_861] : memref<500x2x100xi32, #tpu.memory_space<hbm>> -> memref<1x2x100xi32, #tpu.memory_space<hbm>>
    %dma_wait3A_863 = tpu.memref_squeeze %dma_wait3A_862 : memref<1x2x100xi32, #tpu.memory_space<hbm>> -> memref<2x100xi32, #tpu.memory_space<hbm>>
    tpu.wait_dma2 semaphore(%arg16 : memref<!tpu.dma_semaphore, #tpu.memory_space<semaphore_mem>>) src(%dma_wait3A_863 : memref<2x100xi32, #tpu.memory_space<hbm>>) dst(%dma_wait3A_859 : memref<2x100xi32, #tpu.memory_space<vmem>>)
    %dma_start3A_864 = arith.constant 3 : i32
    %dma_start3A_865 = arith.constant 3 : i32
    %dma_start3A_866 = arith.constant 0 : i32
    %dma_start3A_867 = arith.constant 0 : i32
    %dma_start3A_868 = arith.constant 0 : i32
    %dma_start3A_869 = tpu.memref_slice %arg5[%dma_start3A_864, %dma_start3A_867, %dma_start3A_868] : memref<4x200x128xf32, #tpu.memory_space<vmem>> -> memref<1x100x128xf32, #tpu.memory_space<vmem>>
    %dma_start3A_870 = tpu.memref_squeeze %dma_start3A_869 : memref<1x100x128xf32, #tpu.memory_space<vmem>> -> memref<100x128xf32, #tpu.memory_space<vmem>>
    %dma_start3A_871 = arith.constant 0 : i32
    %dma_start3A_872 = tpu.memref_slice %arg7[%dma_start3A_865, %dma_start3A_866, %dma_start3A_871] : memref<4x2x100xi32, #tpu.memory_space<vmem>> -> memref<1x1x100xi32, #tpu.memory_space<vmem>>
    %dma_start3A_873 = tpu.memref_squeeze %dma_start3A_872 : memref<1x1x100xi32, #tpu.memory_space<vmem>> -> memref<100xi32, #tpu.memory_space<vmem>>
    %dma_start3A_874 = arith.constant 0 : i32
    %dma_start3A_875 = arith.constant 0 : i32
    %dma_start3A_876 = tpu.memref_slice %arg8[%dma_start3A_874, %dma_start3A_875] : memref<512x128xf32, #tpu.memory_space<vmem_shared>> -> memref<512x128xf32, #tpu.memory_space<vmem_shared>>
    tpu.enqueue_indirect_dma source(%dma_start3A_870 : memref<100x128xf32, #tpu.memory_space<vmem>>) target(%dma_start3A_876 : memref<512x128xf32, #tpu.memory_space<vmem_shared>>) offsets(%dma_start3A_873 : memref<100xi32, #tpu.memory_space<vmem>>) semaphore(%arg20 : memref<!tpu.dma_semaphore, #tpu.memory_space<semaphore_mem>>) {add = true}
    %dma_start3A_877 = arith.constant 3 : i32
    %dma_start3A_878 = arith.constant 3 : i32
    %dma_start3A_879 = arith.constant 1 : i32
    %dma_start3A_880 = arith.constant 100 : i32
    %dma_start3A_881 = arith.constant 0 : i32
    %dma_start3A_882 = tpu.memref_slice %arg5[%dma_start3A_877, %dma_start3A_880, %dma_start3A_881] : memref<4x200x128xf32, #tpu.memory_space<vmem>> -> memref<1x100x128xf32, #tpu.memory_space<vmem>>
    %dma_start3A_883 = tpu.memref_squeeze %dma_start3A_882 : memref<1x100x128xf32, #tpu.memory_space<vmem>> -> memref<100x128xf32, #tpu.memory_space<vmem>>
    %dma_start3A_884 = arith.constant 0 : i32
    %dma_start3A_885 = tpu.memref_slice %arg7[%dma_start3A_878, %dma_start3A_879, %dma_start3A_884] : memref<4x2x100xi32, #tpu.memory_space<vmem>> -> memref<1x1x100xi32, #tpu.memory_space<vmem>>
    %dma_start3A_886 = tpu.memref_squeeze %dma_start3A_885 : memref<1x1x100xi32, #tpu.memory_space<vmem>> -> memref<100xi32, #tpu.memory_space<vmem>>
    %dma_start3A_887 = arith.constant 0 : i32
    %dma_start3A_888 = arith.constant 0 : i32
    %dma_start3A_889 = tpu.memref_slice %arg8[%dma_start3A_887, %dma_start3A_888] : memref<512x128xf32, #tpu.memory_space<vmem_shared>> -> memref<512x128xf32, #tpu.memory_space<vmem_shared>>
    tpu.enqueue_indirect_dma source(%dma_start3A_883 : memref<100x128xf32, #tpu.memory_space<vmem>>) target(%dma_start3A_889 : memref<512x128xf32, #tpu.memory_space<vmem_shared>>) offsets(%dma_start3A_886 : memref<100xi32, #tpu.memory_space<vmem>>) semaphore(%arg20 : memref<!tpu.dma_semaphore, #tpu.memory_space<semaphore_mem>>) {add = true}
    %dma_wait3A_890 = arith.constant 1 : i32
    %dma_wait3A_891 = arith.constant 1 : i32
    %dma_wait3A_892 = arith.constant 0 : i32
    %dma_wait3A_893 = arith.constant 0 : i32
    %dma_wait3A_894 = arith.constant 0 : i32
    %dma_wait3A_895 = tpu.memref_slice %arg5[%dma_wait3A_890, %dma_wait3A_893, %dma_wait3A_894] : memref<4x200x128xf32, #tpu.memory_space<vmem>> -> memref<1x100x128xf32, #tpu.memory_space<vmem>>
    %dma_wait3A_896 = tpu.memref_squeeze %dma_wait3A_895 : memref<1x100x128xf32, #tpu.memory_space<vmem>> -> memref<100x128xf32, #tpu.memory_space<vmem>>
    %dma_wait3A_897 = arith.constant 0 : i32
    %dma_wait3A_898 = tpu.memref_slice %arg7[%dma_wait3A_891, %dma_wait3A_892, %dma_wait3A_897] : memref<4x2x100xi32, #tpu.memory_space<vmem>> -> memref<1x1x100xi32, #tpu.memory_space<vmem>>
    %dma_wait3A_899 = tpu.memref_squeeze %dma_wait3A_898 : memref<1x1x100xi32, #tpu.memory_space<vmem>> -> memref<100xi32, #tpu.memory_space<vmem>>
    %dma_wait3A_900 = arith.constant 0 : i32
    %dma_wait3A_901 = arith.constant 0 : i32
    %dma_wait3A_902 = tpu.memref_slice %arg8[%dma_wait3A_900, %dma_wait3A_901] : memref<512x128xf32, #tpu.memory_space<vmem_shared>> -> memref<512x128xf32, #tpu.memory_space<vmem_shared>>
    tpu.wait_indirect_dma semaphore(%arg18 : memref<!tpu.dma_semaphore, #tpu.memory_space<semaphore_mem>>) src(%dma_wait3A_896 : memref<100x128xf32, #tpu.memory_space<vmem>>) dst(%dma_wait3A_902 : memref<512x128xf32, #tpu.memory_space<vmem_shared>>)
    %dma_wait3A_903 = arith.constant 1 : i32
    %dma_wait3A_904 = arith.constant 1 : i32
    %dma_wait3A_905 = arith.constant 1 : i32
    %dma_wait3A_906 = arith.constant 100 : i32
    %dma_wait3A_907 = arith.constant 0 : i32
    %dma_wait3A_908 = tpu.memref_slice %arg5[%dma_wait3A_903, %dma_wait3A_906, %dma_wait3A_907] : memref<4x200x128xf32, #tpu.memory_space<vmem>> -> memref<1x100x128xf32, #tpu.memory_space<vmem>>
    %dma_wait3A_909 = tpu.memref_squeeze %dma_wait3A_908 : memref<1x100x128xf32, #tpu.memory_space<vmem>> -> memref<100x128xf32, #tpu.memory_space<vmem>>
    %dma_wait3A_910 = arith.constant 0 : i32
    %dma_wait3A_911 = tpu.memref_slice %arg7[%dma_wait3A_904, %dma_wait3A_905, %dma_wait3A_910] : memref<4x2x100xi32, #tpu.memory_space<vmem>> -> memref<1x1x100xi32, #tpu.memory_space<vmem>>
    %dma_wait3A_912 = tpu.memref_squeeze %dma_wait3A_911 : memref<1x1x100xi32, #tpu.memory_space<vmem>> -> memref<100xi32, #tpu.memory_space<vmem>>
    %dma_wait3A_913 = arith.constant 0 : i32
    %dma_wait3A_914 = arith.constant 0 : i32
    %dma_wait3A_915 = tpu.memref_slice %arg8[%dma_wait3A_913, %dma_wait3A_914] : memref<512x128xf32, #tpu.memory_space<vmem_shared>> -> memref<512x128xf32, #tpu.memory_space<vmem_shared>>
    tpu.wait_indirect_dma semaphore(%arg18 : memref<!tpu.dma_semaphore, #tpu.memory_space<semaphore_mem>>) src(%dma_wait3A_909 : memref<100x128xf32, #tpu.memory_space<vmem>>) dst(%dma_wait3A_915 : memref<512x128xf32, #tpu.memory_space<vmem_shared>>)
    %add3A_916 = arith.constant 288 : i32
    %add3A_917 = arith.addi %add3A, %add3A_916 : i32
    %mul3A_918 = arith.constant 200 : i32
    %mul3A_919 = arith.muli %add3A_917, %mul3A_918 : i32
    %dma_start3A_920 = arith.constant 1 : i32
    %dma_start3A_921 = arith.constant 0 : i32
    %dma_start3A_922 = arith.constant 0 : i32
    %dma_start3A_923 = tpu.memref_slice %arg5[%dma_start3A_920, %dma_start3A_921, %dma_start3A_922] : memref<4x200x128xf32, #tpu.memory_space<vmem>> -> memref<1x200x128xf32, #tpu.memory_space<vmem>>
    %dma_start3A_924 = tpu.memref_squeeze %dma_start3A_923 : memref<1x200x128xf32, #tpu.memory_space<vmem>> -> memref<200x128xf32, #tpu.memory_space<vmem>>
    %dma_start3A_925 = arith.constant 0 : i32
    %dma_start3A_926 = tpu.memref_slice %arg2[%mul3A_919, %dma_start3A_925] : memref<100000x128xf32, #tpu.memory_space<hbm>> -> memref<200x128xf32, #tpu.memory_space<hbm>>
    %dma_start3A_927 = arith.constant 0 : i32
    %dma_start3A_928 = arith.constant 0 : i32
    %dma_start3A_929 = tpu.memref_slice %arg5[%dma_start3A_920, %dma_start3A_927, %dma_start3A_928] : memref<4x200x128xf32, #tpu.memory_space<vmem>> -> memref<1x200x128xf32, #tpu.memory_space<vmem>>
    %dma_start3A_930 = tpu.memref_squeeze %dma_start3A_929 : memref<1x200x128xf32, #tpu.memory_space<vmem>> -> memref<200x128xf32, #tpu.memory_space<vmem>>
    %dma_start3A_931 = arith.constant 0 : i32
    %dma_start3A_932 = tpu.memref_slice %arg2[%mul3A_919, %dma_start3A_931] : memref<100000x128xf32, #tpu.memory_space<hbm>> -> memref<200x128xf32, #tpu.memory_space<hbm>>
    tpu.enqueue_dma source(%dma_start3A_932 : memref<200x128xf32, #tpu.memory_space<hbm>>) target(%dma_start3A_930 : memref<200x128xf32, #tpu.memory_space<vmem>>) target_semaphore(%arg10 : memref<!tpu.dma_semaphore, #tpu.memory_space<semaphore_mem>>)
    %dma_start3A_933 = arith.constant 1 : i32
    %dma_start3A_934 = arith.constant 0 : i32
    %dma_start3A_935 = arith.constant 0 : i32
    %dma_start3A_936 = tpu.memref_slice %arg7[%dma_start3A_933, %dma_start3A_934, %dma_start3A_935] : memref<4x2x100xi32, #tpu.memory_space<vmem>> -> memref<1x2x100xi32, #tpu.memory_space<vmem>>
    %dma_start3A_937 = tpu.memref_squeeze %dma_start3A_936 : memref<1x2x100xi32, #tpu.memory_space<vmem>> -> memref<2x100xi32, #tpu.memory_space<vmem>>
    %dma_start3A_938 = arith.constant 0 : i32
    %dma_start3A_939 = arith.constant 0 : i32
    %dma_start3A_940 = tpu.memref_slice %arg3[%add3A_917, %dma_start3A_938, %dma_start3A_939] : memref<500x2x100xi32, #tpu.memory_space<hbm>> -> memref<1x2x100xi32, #tpu.memory_space<hbm>>
    %dma_start3A_941 = tpu.memref_squeeze %dma_start3A_940 : memref<1x2x100xi32, #tpu.memory_space<hbm>> -> memref<2x100xi32, #tpu.memory_space<hbm>>
    %dma_start3A_942 = arith.constant 0 : i32
    %dma_start3A_943 = arith.constant 0 : i32
    %dma_start3A_944 = tpu.memref_slice %arg7[%dma_start3A_933, %dma_start3A_942, %dma_start3A_943] : memref<4x2x100xi32, #tpu.memory_space<vmem>> -> memref<1x2x100xi32, #tpu.memory_space<vmem>>
    %dma_start3A_945 = tpu.memref_squeeze %dma_start3A_944 : memref<1x2x100xi32, #tpu.memory_space<vmem>> -> memref<2x100xi32, #tpu.memory_space<vmem>>
    %dma_start3A_946 = arith.constant 0 : i32
    %dma_start3A_947 = arith.constant 0 : i32
    %dma_start3A_948 = tpu.memref_slice %arg3[%add3A_917, %dma_start3A_946, %dma_start3A_947] : memref<500x2x100xi32, #tpu.memory_space<hbm>> -> memref<1x2x100xi32, #tpu.memory_space<hbm>>
    %dma_start3A_949 = tpu.memref_squeeze %dma_start3A_948 : memref<1x2x100xi32, #tpu.memory_space<hbm>> -> memref<2x100xi32, #tpu.memory_space<hbm>>
    tpu.enqueue_dma source(%dma_start3A_949 : memref<2x100xi32, #tpu.memory_space<hbm>>) target(%dma_start3A_945 : memref<2x100xi32, #tpu.memory_space<vmem>>) target_semaphore(%arg14 : memref<!tpu.dma_semaphore, #tpu.memory_space<semaphore_mem>>)
    %dma_wait3A_950 = arith.constant 0 : i32
    %dma_wait3A_951 = arith.constant 0 : i32
    %dma_wait3A_952 = arith.constant 0 : i32
    %dma_wait3A_953 = tpu.memref_slice %arg5[%dma_wait3A_950, %dma_wait3A_951, %dma_wait3A_952] : memref<4x200x128xf32, #tpu.memory_space<vmem>> -> memref<1x200x128xf32, #tpu.memory_space<vmem>>
    %dma_wait3A_954 = tpu.memref_squeeze %dma_wait3A_953 : memref<1x200x128xf32, #tpu.memory_space<vmem>> -> memref<200x128xf32, #tpu.memory_space<vmem>>
    %dma_wait3A_955 = arith.constant 0 : i32
    %dma_wait3A_956 = tpu.memref_slice %arg2[%mul3A_803, %dma_wait3A_955] : memref<100000x128xf32, #tpu.memory_space<hbm>> -> memref<200x128xf32, #tpu.memory_space<hbm>>
    %dma_wait3A_957 = arith.constant 0 : i32
    %dma_wait3A_958 = arith.constant 0 : i32
    %dma_wait3A_959 = tpu.memref_slice %arg5[%dma_wait3A_950, %dma_wait3A_957, %dma_wait3A_958] : memref<4x200x128xf32, #tpu.memory_space<vmem>> -> memref<1x200x128xf32, #tpu.memory_space<vmem>>
    %dma_wait3A_960 = tpu.memref_squeeze %dma_wait3A_959 : memref<1x200x128xf32, #tpu.memory_space<vmem>> -> memref<200x128xf32, #tpu.memory_space<vmem>>
    %dma_wait3A_961 = arith.constant 0 : i32
    %dma_wait3A_962 = tpu.memref_slice %arg2[%mul3A_803, %dma_wait3A_961] : memref<100000x128xf32, #tpu.memory_space<hbm>> -> memref<200x128xf32, #tpu.memory_space<hbm>>
    tpu.wait_dma2 semaphore(%arg9 : memref<!tpu.dma_semaphore, #tpu.memory_space<semaphore_mem>>) src(%dma_wait3A_962 : memref<200x128xf32, #tpu.memory_space<hbm>>) dst(%dma_wait3A_960 : memref<200x128xf32, #tpu.memory_space<vmem>>)
    %dma_wait3A_963 = arith.constant 0 : i32
    %dma_wait3A_964 = arith.constant 0 : i32
    %dma_wait3A_965 = arith.constant 0 : i32
    %dma_wait3A_966 = tpu.memref_slice %arg7[%dma_wait3A_963, %dma_wait3A_964, %dma_wait3A_965] : memref<4x2x100xi32, #tpu.memory_space<vmem>> -> memref<1x2x100xi32, #tpu.memory_space<vmem>>
    %dma_wait3A_967 = tpu.memref_squeeze %dma_wait3A_966 : memref<1x2x100xi32, #tpu.memory_space<vmem>> -> memref<2x100xi32, #tpu.memory_space<vmem>>
    %dma_wait3A_968 = arith.constant 0 : i32
    %dma_wait3A_969 = arith.constant 0 : i32
    %dma_wait3A_970 = tpu.memref_slice %arg3[%add3A_801, %dma_wait3A_968, %dma_wait3A_969] : memref<500x2x100xi32, #tpu.memory_space<hbm>> -> memref<1x2x100xi32, #tpu.memory_space<hbm>>
    %dma_wait3A_971 = tpu.memref_squeeze %dma_wait3A_970 : memref<1x2x100xi32, #tpu.memory_space<hbm>> -> memref<2x100xi32, #tpu.memory_space<hbm>>
    %dma_wait3A_972 = arith.constant 0 : i32
    %dma_wait3A_973 = arith.constant 0 : i32
    %dma_wait3A_974 = tpu.memref_slice %arg7[%dma_wait3A_963, %dma_wait3A_972, %dma_wait3A_973] : memref<4x2x100xi32, #tpu.memory_space<vmem>> -> memref<1x2x100xi32, #tpu.memory_space<vmem>>
    %dma_wait3A_975 = tpu.memref_squeeze %dma_wait3A_974 : memref<1x2x100xi32, #tpu.memory_space<vmem>> -> memref<2x100xi32, #tpu.memory_space<vmem>>
    %dma_wait3A_976 = arith.constant 0 : i32
    %dma_wait3A_977 = arith.constant 0 : i32
    %dma_wait3A_978 = tpu.memref_slice %arg3[%add3A_801, %dma_wait3A_976, %dma_wait3A_977] : memref<500x2x100xi32, #tpu.memory_space<hbm>> -> memref<1x2x100xi32, #tpu.memory_space<hbm>>
    %dma_wait3A_979 = tpu.memref_squeeze %dma_wait3A_978 : memref<1x2x100xi32, #tpu.memory_space<hbm>> -> memref<2x100xi32, #tpu.memory_space<hbm>>
    tpu.wait_dma2 semaphore(%arg13 : memref<!tpu.dma_semaphore, #tpu.memory_space<semaphore_mem>>) src(%dma_wait3A_979 : memref<2x100xi32, #tpu.memory_space<hbm>>) dst(%dma_wait3A_975 : memref<2x100xi32, #tpu.memory_space<vmem>>)
    %dma_start3A_980 = arith.constant 0 : i32
    %dma_start3A_981 = arith.constant 0 : i32
    %dma_start3A_982 = arith.constant 0 : i32
    %dma_start3A_983 = arith.constant 0 : i32
    %dma_start3A_984 = arith.constant 0 : i32
    %dma_start3A_985 = tpu.memref_slice %arg5[%dma_start3A_980, %dma_start3A_983, %dma_start3A_984] : memref<4x200x128xf32, #tpu.memory_space<vmem>> -> memref<1x100x128xf32, #tpu.memory_space<vmem>>
    %dma_start3A_986 = tpu.memref_squeeze %dma_start3A_985 : memref<1x100x128xf32, #tpu.memory_space<vmem>> -> memref<100x128xf32, #tpu.memory_space<vmem>>
    %dma_start3A_987 = arith.constant 0 : i32
    %dma_start3A_988 = tpu.memref_slice %arg7[%dma_start3A_981, %dma_start3A_982, %dma_start3A_987] : memref<4x2x100xi32, #tpu.memory_space<vmem>> -> memref<1x1x100xi32, #tpu.memory_space<vmem>>
    %dma_start3A_989 = tpu.memref_squeeze %dma_start3A_988 : memref<1x1x100xi32, #tpu.memory_space<vmem>> -> memref<100xi32, #tpu.memory_space<vmem>>
    %dma_start3A_990 = arith.constant 0 : i32
    %dma_start3A_991 = arith.constant 0 : i32
    %dma_start3A_992 = tpu.memref_slice %arg8[%dma_start3A_990, %dma_start3A_991] : memref<512x128xf32, #tpu.memory_space<vmem_shared>> -> memref<512x128xf32, #tpu.memory_space<vmem_shared>>
    tpu.enqueue_indirect_dma source(%dma_start3A_986 : memref<100x128xf32, #tpu.memory_space<vmem>>) target(%dma_start3A_992 : memref<512x128xf32, #tpu.memory_space<vmem_shared>>) offsets(%dma_start3A_989 : memref<100xi32, #tpu.memory_space<vmem>>) semaphore(%arg17 : memref<!tpu.dma_semaphore, #tpu.memory_space<semaphore_mem>>) {add = true}
    %dma_start3A_993 = arith.constant 0 : i32
    %dma_start3A_994 = arith.constant 0 : i32
    %dma_start3A_995 = arith.constant 1 : i32
    %dma_start3A_996 = arith.constant 100 : i32
    %dma_start3A_997 = arith.constant 0 : i32
    %dma_start3A_998 = tpu.memref_slice %arg5[%dma_start3A_993, %dma_start3A_996, %dma_start3A_997] : memref<4x200x128xf32, #tpu.memory_space<vmem>> -> memref<1x100x128xf32, #tpu.memory_space<vmem>>
    %dma_start3A_999 = tpu.memref_squeeze %dma_start3A_998 : memref<1x100x128xf32, #tpu.memory_space<vmem>> -> memref<100x128xf32, #tpu.memory_space<vmem>>
    %dma_start3A_1000 = arith.constant 0 : i32
    %dma_start3A_1001 = tpu.memref_slice %arg7[%dma_start3A_994, %dma_start3A_995, %dma_start3A_1000] : memref<4x2x100xi32, #tpu.memory_space<vmem>> -> memref<1x1x100xi32, #tpu.memory_space<vmem>>
    %dma_start3A_1002 = tpu.memref_squeeze %dma_start3A_1001 : memref<1x1x100xi32, #tpu.memory_space<vmem>> -> memref<100xi32, #tpu.memory_space<vmem>>
    %dma_start3A_1003 = arith.constant 0 : i32
    %dma_start3A_1004 = arith.constant 0 : i32
    %dma_start3A_1005 = tpu.memref_slice %arg8[%dma_start3A_1003, %dma_start3A_1004] : memref<512x128xf32, #tpu.memory_space<vmem_shared>> -> memref<512x128xf32, #tpu.memory_space<vmem_shared>>
    tpu.enqueue_indirect_dma source(%dma_start3A_999 : memref<100x128xf32, #tpu.memory_space<vmem>>) target(%dma_start3A_1005 : memref<512x128xf32, #tpu.memory_space<vmem_shared>>) offsets(%dma_start3A_1002 : memref<100xi32, #tpu.memory_space<vmem>>) semaphore(%arg17 : memref<!tpu.dma_semaphore, #tpu.memory_space<semaphore_mem>>) {add = true}
    %dma_wait3A_1006 = arith.constant 2 : i32
    %dma_wait3A_1007 = arith.constant 2 : i32
    %dma_wait3A_1008 = arith.constant 0 : i32
    %dma_wait3A_1009 = arith.constant 0 : i32
    %dma_wait3A_1010 = arith.constant 0 : i32
    %dma_wait3A_1011 = tpu.memref_slice %arg5[%dma_wait3A_1006, %dma_wait3A_1009, %dma_wait3A_1010] : memref<4x200x128xf32, #tpu.memory_space<vmem>> -> memref<1x100x128xf32, #tpu.memory_space<vmem>>
    %dma_wait3A_1012 = tpu.memref_squeeze %dma_wait3A_1011 : memref<1x100x128xf32, #tpu.memory_space<vmem>> -> memref<100x128xf32, #tpu.memory_space<vmem>>
    %dma_wait3A_1013 = arith.constant 0 : i32
    %dma_wait3A_1014 = tpu.memref_slice %arg7[%dma_wait3A_1007, %dma_wait3A_1008, %dma_wait3A_1013] : memref<4x2x100xi32, #tpu.memory_space<vmem>> -> memref<1x1x100xi32, #tpu.memory_space<vmem>>
    %dma_wait3A_1015 = tpu.memref_squeeze %dma_wait3A_1014 : memref<1x1x100xi32, #tpu.memory_space<vmem>> -> memref<100xi32, #tpu.memory_space<vmem>>
    %dma_wait3A_1016 = arith.constant 0 : i32
    %dma_wait3A_1017 = arith.constant 0 : i32
    %dma_wait3A_1018 = tpu.memref_slice %arg8[%dma_wait3A_1016, %dma_wait3A_1017] : memref<512x128xf32, #tpu.memory_space<vmem_shared>> -> memref<512x128xf32, #tpu.memory_space<vmem_shared>>
    tpu.wait_indirect_dma semaphore(%arg19 : memref<!tpu.dma_semaphore, #tpu.memory_space<semaphore_mem>>) src(%dma_wait3A_1012 : memref<100x128xf32, #tpu.memory_space<vmem>>) dst(%dma_wait3A_1018 : memref<512x128xf32, #tpu.memory_space<vmem_shared>>)
    %dma_wait3A_1019 = arith.constant 2 : i32
    %dma_wait3A_1020 = arith.constant 2 : i32
    %dma_wait3A_1021 = arith.constant 1 : i32
    %dma_wait3A_1022 = arith.constant 100 : i32
    %dma_wait3A_1023 = arith.constant 0 : i32
    %dma_wait3A_1024 = tpu.memref_slice %arg5[%dma_wait3A_1019, %dma_wait3A_1022, %dma_wait3A_1023] : memref<4x200x128xf32, #tpu.memory_space<vmem>> -> memref<1x100x128xf32, #tpu.memory_space<vmem>>
    %dma_wait3A_1025 = tpu.memref_squeeze %dma_wait3A_1024 : memref<1x100x128xf32, #tpu.memory_space<vmem>> -> memref<100x128xf32, #tpu.memory_space<vmem>>
    %dma_wait3A_1026 = arith.constant 0 : i32
    %dma_wait3A_1027 = tpu.memref_slice %arg7[%dma_wait3A_1020, %dma_wait3A_1021, %dma_wait3A_1026] : memref<4x2x100xi32, #tpu.memory_space<vmem>> -> memref<1x1x100xi32, #tpu.memory_space<vmem>>
    %dma_wait3A_1028 = tpu.memref_squeeze %dma_wait3A_1027 : memref<1x1x100xi32, #tpu.memory_space<vmem>> -> memref<100xi32, #tpu.memory_space<vmem>>
    %dma_wait3A_1029 = arith.constant 0 : i32
    %dma_wait3A_1030 = arith.constant 0 : i32
    %dma_wait3A_1031 = tpu.memref_slice %arg8[%dma_wait3A_1029, %dma_wait3A_1030] : memref<512x128xf32, #tpu.memory_space<vmem_shared>> -> memref<512x128xf32, #tpu.memory_space<vmem_shared>>
    tpu.wait_indirect_dma semaphore(%arg19 : memref<!tpu.dma_semaphore, #tpu.memory_space<semaphore_mem>>) src(%dma_wait3A_1025 : memref<100x128xf32, #tpu.memory_space<vmem>>) dst(%dma_wait3A_1031 : memref<512x128xf32, #tpu.memory_space<vmem_shared>>)
    %add3A_1032 = arith.constant 320 : i32
    %add3A_1033 = arith.addi %add3A, %add3A_1032 : i32
    %mul3A_1034 = arith.constant 200 : i32
    %mul3A_1035 = arith.muli %add3A_1033, %mul3A_1034 : i32
    %dma_start3A_1036 = arith.constant 2 : i32
    %dma_start3A_1037 = arith.constant 0 : i32
    %dma_start3A_1038 = arith.constant 0 : i32
    %dma_start3A_1039 = tpu.memref_slice %arg5[%dma_start3A_1036, %dma_start3A_1037, %dma_start3A_1038] : memref<4x200x128xf32, #tpu.memory_space<vmem>> -> memref<1x200x128xf32, #tpu.memory_space<vmem>>
    %dma_start3A_1040 = tpu.memref_squeeze %dma_start3A_1039 : memref<1x200x128xf32, #tpu.memory_space<vmem>> -> memref<200x128xf32, #tpu.memory_space<vmem>>
    %dma_start3A_1041 = arith.constant 0 : i32
    %dma_start3A_1042 = tpu.memref_slice %arg2[%mul3A_1035, %dma_start3A_1041] : memref<100000x128xf32, #tpu.memory_space<hbm>> -> memref<200x128xf32, #tpu.memory_space<hbm>>
    %dma_start3A_1043 = arith.constant 0 : i32
    %dma_start3A_1044 = arith.constant 0 : i32
    %dma_start3A_1045 = tpu.memref_slice %arg5[%dma_start3A_1036, %dma_start3A_1043, %dma_start3A_1044] : memref<4x200x128xf32, #tpu.memory_space<vmem>> -> memref<1x200x128xf32, #tpu.memory_space<vmem>>
    %dma_start3A_1046 = tpu.memref_squeeze %dma_start3A_1045 : memref<1x200x128xf32, #tpu.memory_space<vmem>> -> memref<200x128xf32, #tpu.memory_space<vmem>>
    %dma_start3A_1047 = arith.constant 0 : i32
    %dma_start3A_1048 = tpu.memref_slice %arg2[%mul3A_1035, %dma_start3A_1047] : memref<100000x128xf32, #tpu.memory_space<hbm>> -> memref<200x128xf32, #tpu.memory_space<hbm>>
    tpu.enqueue_dma source(%dma_start3A_1048 : memref<200x128xf32, #tpu.memory_space<hbm>>) target(%dma_start3A_1046 : memref<200x128xf32, #tpu.memory_space<vmem>>) target_semaphore(%arg11 : memref<!tpu.dma_semaphore, #tpu.memory_space<semaphore_mem>>)
    %dma_start3A_1049 = arith.constant 2 : i32
    %dma_start3A_1050 = arith.constant 0 : i32
    %dma_start3A_1051 = arith.constant 0 : i32
    %dma_start3A_1052 = tpu.memref_slice %arg7[%dma_start3A_1049, %dma_start3A_1050, %dma_start3A_1051] : memref<4x2x100xi32, #tpu.memory_space<vmem>> -> memref<1x2x100xi32, #tpu.memory_space<vmem>>
    %dma_start3A_1053 = tpu.memref_squeeze %dma_start3A_1052 : memref<1x2x100xi32, #tpu.memory_space<vmem>> -> memref<2x100xi32, #tpu.memory_space<vmem>>
    %dma_start3A_1054 = arith.constant 0 : i32
    %dma_start3A_1055 = arith.constant 0 : i32
    %dma_start3A_1056 = tpu.memref_slice %arg3[%add3A_1033, %dma_start3A_1054, %dma_start3A_1055] : memref<500x2x100xi32, #tpu.memory_space<hbm>> -> memref<1x2x100xi32, #tpu.memory_space<hbm>>
    %dma_start3A_1057 = tpu.memref_squeeze %dma_start3A_1056 : memref<1x2x100xi32, #tpu.memory_space<hbm>> -> memref<2x100xi32, #tpu.memory_space<hbm>>
    %dma_start3A_1058 = arith.constant 0 : i32
    %dma_start3A_1059 = arith.constant 0 : i32
    %dma_start3A_1060 = tpu.memref_slice %arg7[%dma_start3A_1049, %dma_start3A_1058, %dma_start3A_1059] : memref<4x2x100xi32, #tpu.memory_space<vmem>> -> memref<1x2x100xi32, #tpu.memory_space<vmem>>
    %dma_start3A_1061 = tpu.memref_squeeze %dma_start3A_1060 : memref<1x2x100xi32, #tpu.memory_space<vmem>> -> memref<2x100xi32, #tpu.memory_space<vmem>>
    %dma_start3A_1062 = arith.constant 0 : i32
    %dma_start3A_1063 = arith.constant 0 : i32
    %dma_start3A_1064 = tpu.memref_slice %arg3[%add3A_1033, %dma_start3A_1062, %dma_start3A_1063] : memref<500x2x100xi32, #tpu.memory_space<hbm>> -> memref<1x2x100xi32, #tpu.memory_space<hbm>>
    %dma_start3A_1065 = tpu.memref_squeeze %dma_start3A_1064 : memref<1x2x100xi32, #tpu.memory_space<hbm>> -> memref<2x100xi32, #tpu.memory_space<hbm>>
    tpu.enqueue_dma source(%dma_start3A_1065 : memref<2x100xi32, #tpu.memory_space<hbm>>) target(%dma_start3A_1061 : memref<2x100xi32, #tpu.memory_space<vmem>>) target_semaphore(%arg15 : memref<!tpu.dma_semaphore, #tpu.memory_space<semaphore_mem>>)
    %dma_wait3A_1066 = arith.constant 1 : i32
    %dma_wait3A_1067 = arith.constant 0 : i32
    %dma_wait3A_1068 = arith.constant 0 : i32
    %dma_wait3A_1069 = tpu.memref_slice %arg5[%dma_wait3A_1066, %dma_wait3A_1067, %dma_wait3A_1068] : memref<4x200x128xf32, #tpu.memory_space<vmem>> -> memref<1x200x128xf32, #tpu.memory_space<vmem>>
    %dma_wait3A_1070 = tpu.memref_squeeze %dma_wait3A_1069 : memref<1x200x128xf32, #tpu.memory_space<vmem>> -> memref<200x128xf32, #tpu.memory_space<vmem>>
    %dma_wait3A_1071 = arith.constant 0 : i32
    %dma_wait3A_1072 = tpu.memref_slice %arg2[%mul3A_919, %dma_wait3A_1071] : memref<100000x128xf32, #tpu.memory_space<hbm>> -> memref<200x128xf32, #tpu.memory_space<hbm>>
    %dma_wait3A_1073 = arith.constant 0 : i32
    %dma_wait3A_1074 = arith.constant 0 : i32
    %dma_wait3A_1075 = tpu.memref_slice %arg5[%dma_wait3A_1066, %dma_wait3A_1073, %dma_wait3A_1074] : memref<4x200x128xf32, #tpu.memory_space<vmem>> -> memref<1x200x128xf32, #tpu.memory_space<vmem>>
    %dma_wait3A_1076 = tpu.memref_squeeze %dma_wait3A_1075 : memref<1x200x128xf32, #tpu.memory_space<vmem>> -> memref<200x128xf32, #tpu.memory_space<vmem>>
    %dma_wait3A_1077 = arith.constant 0 : i32
    %dma_wait3A_1078 = tpu.memref_slice %arg2[%mul3A_919, %dma_wait3A_1077] : memref<100000x128xf32, #tpu.memory_space<hbm>> -> memref<200x128xf32, #tpu.memory_space<hbm>>
    tpu.wait_dma2 semaphore(%arg10 : memref<!tpu.dma_semaphore, #tpu.memory_space<semaphore_mem>>) src(%dma_wait3A_1078 : memref<200x128xf32, #tpu.memory_space<hbm>>) dst(%dma_wait3A_1076 : memref<200x128xf32, #tpu.memory_space<vmem>>)
    %dma_wait3A_1079 = arith.constant 1 : i32
    %dma_wait3A_1080 = arith.constant 0 : i32
    %dma_wait3A_1081 = arith.constant 0 : i32
    %dma_wait3A_1082 = tpu.memref_slice %arg7[%dma_wait3A_1079, %dma_wait3A_1080, %dma_wait3A_1081] : memref<4x2x100xi32, #tpu.memory_space<vmem>> -> memref<1x2x100xi32, #tpu.memory_space<vmem>>
    %dma_wait3A_1083 = tpu.memref_squeeze %dma_wait3A_1082 : memref<1x2x100xi32, #tpu.memory_space<vmem>> -> memref<2x100xi32, #tpu.memory_space<vmem>>
    %dma_wait3A_1084 = arith.constant 0 : i32
    %dma_wait3A_1085 = arith.constant 0 : i32
    %dma_wait3A_1086 = tpu.memref_slice %arg3[%add3A_917, %dma_wait3A_1084, %dma_wait3A_1085] : memref<500x2x100xi32, #tpu.memory_space<hbm>> -> memref<1x2x100xi32, #tpu.memory_space<hbm>>
    %dma_wait3A_1087 = tpu.memref_squeeze %dma_wait3A_1086 : memref<1x2x100xi32, #tpu.memory_space<hbm>> -> memref<2x100xi32, #tpu.memory_space<hbm>>
    %dma_wait3A_1088 = arith.constant 0 : i32
    %dma_wait3A_1089 = arith.constant 0 : i32
    %dma_wait3A_1090 = tpu.memref_slice %arg7[%dma_wait3A_1079, %dma_wait3A_1088, %dma_wait3A_1089] : memref<4x2x100xi32, #tpu.memory_space<vmem>> -> memref<1x2x100xi32, #tpu.memory_space<vmem>>
    %dma_wait3A_1091 = tpu.memref_squeeze %dma_wait3A_1090 : memref<1x2x100xi32, #tpu.memory_space<vmem>> -> memref<2x100xi32, #tpu.memory_space<vmem>>
    %dma_wait3A_1092 = arith.constant 0 : i32
    %dma_wait3A_1093 = arith.constant 0 : i32
    %dma_wait3A_1094 = tpu.memref_slice %arg3[%add3A_917, %dma_wait3A_1092, %dma_wait3A_1093] : memref<500x2x100xi32, #tpu.memory_space<hbm>> -> memref<1x2x100xi32, #tpu.memory_space<hbm>>
    %dma_wait3A_1095 = tpu.memref_squeeze %dma_wait3A_1094 : memref<1x2x100xi32, #tpu.memory_space<hbm>> -> memref<2x100xi32, #tpu.memory_space<hbm>>
    tpu.wait_dma2 semaphore(%arg14 : memref<!tpu.dma_semaphore, #tpu.memory_space<semaphore_mem>>) src(%dma_wait3A_1095 : memref<2x100xi32, #tpu.memory_space<hbm>>) dst(%dma_wait3A_1091 : memref<2x100xi32, #tpu.memory_space<vmem>>)
    %dma_start3A_1096 = arith.constant 1 : i32
    %dma_start3A_1097 = arith.constant 1 : i32
    %dma_start3A_1098 = arith.constant 0 : i32
    %dma_start3A_1099 = arith.constant 0 : i32
    %dma_start3A_1100 = arith.constant 0 : i32
    %dma_start3A_1101 = tpu.memref_slice %arg5[%dma_start3A_1096, %dma_start3A_1099, %dma_start3A_1100] : memref<4x200x128xf32, #tpu.memory_space<vmem>> -> memref<1x100x128xf32, #tpu.memory_space<vmem>>
    %dma_start3A_1102 = tpu.memref_squeeze %dma_start3A_1101 : memref<1x100x128xf32, #tpu.memory_space<vmem>> -> memref<100x128xf32, #tpu.memory_space<vmem>>
    %dma_start3A_1103 = arith.constant 0 : i32
    %dma_start3A_1104 = tpu.memref_slice %arg7[%dma_start3A_1097, %dma_start3A_1098, %dma_start3A_1103] : memref<4x2x100xi32, #tpu.memory_space<vmem>> -> memref<1x1x100xi32, #tpu.memory_space<vmem>>
    %dma_start3A_1105 = tpu.memref_squeeze %dma_start3A_1104 : memref<1x1x100xi32, #tpu.memory_space<vmem>> -> memref<100xi32, #tpu.memory_space<vmem>>
    %dma_start3A_1106 = arith.constant 0 : i32
    %dma_start3A_1107 = arith.constant 0 : i32
    %dma_start3A_1108 = tpu.memref_slice %arg8[%dma_start3A_1106, %dma_start3A_1107] : memref<512x128xf32, #tpu.memory_space<vmem_shared>> -> memref<512x128xf32, #tpu.memory_space<vmem_shared>>
    tpu.enqueue_indirect_dma source(%dma_start3A_1102 : memref<100x128xf32, #tpu.memory_space<vmem>>) target(%dma_start3A_1108 : memref<512x128xf32, #tpu.memory_space<vmem_shared>>) offsets(%dma_start3A_1105 : memref<100xi32, #tpu.memory_space<vmem>>) semaphore(%arg18 : memref<!tpu.dma_semaphore, #tpu.memory_space<semaphore_mem>>) {add = true}
    %dma_start3A_1109 = arith.constant 1 : i32
    %dma_start3A_1110 = arith.constant 1 : i32
    %dma_start3A_1111 = arith.constant 1 : i32
    %dma_start3A_1112 = arith.constant 100 : i32
    %dma_start3A_1113 = arith.constant 0 : i32
    %dma_start3A_1114 = tpu.memref_slice %arg5[%dma_start3A_1109, %dma_start3A_1112, %dma_start3A_1113] : memref<4x200x128xf32, #tpu.memory_space<vmem>> -> memref<1x100x128xf32, #tpu.memory_space<vmem>>
    %dma_start3A_1115 = tpu.memref_squeeze %dma_start3A_1114 : memref<1x100x128xf32, #tpu.memory_space<vmem>> -> memref<100x128xf32, #tpu.memory_space<vmem>>
    %dma_start3A_1116 = arith.constant 0 : i32
    %dma_start3A_1117 = tpu.memref_slice %arg7[%dma_start3A_1110, %dma_start3A_1111, %dma_start3A_1116] : memref<4x2x100xi32, #tpu.memory_space<vmem>> -> memref<1x1x100xi32, #tpu.memory_space<vmem>>
    %dma_start3A_1118 = tpu.memref_squeeze %dma_start3A_1117 : memref<1x1x100xi32, #tpu.memory_space<vmem>> -> memref<100xi32, #tpu.memory_space<vmem>>
    %dma_start3A_1119 = arith.constant 0 : i32
    %dma_start3A_1120 = arith.constant 0 : i32
    %dma_start3A_1121 = tpu.memref_slice %arg8[%dma_start3A_1119, %dma_start3A_1120] : memref<512x128xf32, #tpu.memory_space<vmem_shared>> -> memref<512x128xf32, #tpu.memory_space<vmem_shared>>
    tpu.enqueue_indirect_dma source(%dma_start3A_1115 : memref<100x128xf32, #tpu.memory_space<vmem>>) target(%dma_start3A_1121 : memref<512x128xf32, #tpu.memory_space<vmem_shared>>) offsets(%dma_start3A_1118 : memref<100xi32, #tpu.memory_space<vmem>>) semaphore(%arg18 : memref<!tpu.dma_semaphore, #tpu.memory_space<semaphore_mem>>) {add = true}
    %dma_wait3A_1122 = arith.constant 3 : i32
    %dma_wait3A_1123 = arith.constant 3 : i32
    %dma_wait3A_1124 = arith.constant 0 : i32
    %dma_wait3A_1125 = arith.constant 0 : i32
    %dma_wait3A_1126 = arith.constant 0 : i32
    %dma_wait3A_1127 = tpu.memref_slice %arg5[%dma_wait3A_1122, %dma_wait3A_1125, %dma_wait3A_1126] : memref<4x200x128xf32, #tpu.memory_space<vmem>> -> memref<1x100x128xf32, #tpu.memory_space<vmem>>
    %dma_wait3A_1128 = tpu.memref_squeeze %dma_wait3A_1127 : memref<1x100x128xf32, #tpu.memory_space<vmem>> -> memref<100x128xf32, #tpu.memory_space<vmem>>
    %dma_wait3A_1129 = arith.constant 0 : i32
    %dma_wait3A_1130 = tpu.memref_slice %arg7[%dma_wait3A_1123, %dma_wait3A_1124, %dma_wait3A_1129] : memref<4x2x100xi32, #tpu.memory_space<vmem>> -> memref<1x1x100xi32, #tpu.memory_space<vmem>>
    %dma_wait3A_1131 = tpu.memref_squeeze %dma_wait3A_1130 : memref<1x1x100xi32, #tpu.memory_space<vmem>> -> memref<100xi32, #tpu.memory_space<vmem>>
    %dma_wait3A_1132 = arith.constant 0 : i32
    %dma_wait3A_1133 = arith.constant 0 : i32
    %dma_wait3A_1134 = tpu.memref_slice %arg8[%dma_wait3A_1132, %dma_wait3A_1133] : memref<512x128xf32, #tpu.memory_space<vmem_shared>> -> memref<512x128xf32, #tpu.memory_space<vmem_shared>>
    tpu.wait_indirect_dma semaphore(%arg20 : memref<!tpu.dma_semaphore, #tpu.memory_space<semaphore_mem>>) src(%dma_wait3A_1128 : memref<100x128xf32, #tpu.memory_space<vmem>>) dst(%dma_wait3A_1134 : memref<512x128xf32, #tpu.memory_space<vmem_shared>>)
    %dma_wait3A_1135 = arith.constant 3 : i32
    %dma_wait3A_1136 = arith.constant 3 : i32
    %dma_wait3A_1137 = arith.constant 1 : i32
    %dma_wait3A_1138 = arith.constant 100 : i32
    %dma_wait3A_1139 = arith.constant 0 : i32
    %dma_wait3A_1140 = tpu.memref_slice %arg5[%dma_wait3A_1135, %dma_wait3A_1138, %dma_wait3A_1139] : memref<4x200x128xf32, #tpu.memory_space<vmem>> -> memref<1x100x128xf32, #tpu.memory_space<vmem>>
    %dma_wait3A_1141 = tpu.memref_squeeze %dma_wait3A_1140 : memref<1x100x128xf32, #tpu.memory_space<vmem>> -> memref<100x128xf32, #tpu.memory_space<vmem>>
    %dma_wait3A_1142 = arith.constant 0 : i32
    %dma_wait3A_1143 = tpu.memref_slice %arg7[%dma_wait3A_1136, %dma_wait3A_1137, %dma_wait3A_1142] : memref<4x2x100xi32, #tpu.memory_space<vmem>> -> memref<1x1x100xi32, #tpu.memory_space<vmem>>
    %dma_wait3A_1144 = tpu.memref_squeeze %dma_wait3A_1143 : memref<1x1x100xi32, #tpu.memory_space<vmem>> -> memref<100xi32, #tpu.memory_space<vmem>>
    %dma_wait3A_1145 = arith.constant 0 : i32
    %dma_wait3A_1146 = arith.constant 0 : i32
    %dma_wait3A_1147 = tpu.memref_slice %arg8[%dma_wait3A_1145, %dma_wait3A_1146] : memref<512x128xf32, #tpu.memory_space<vmem_shared>> -> memref<512x128xf32, #tpu.memory_space<vmem_shared>>
    tpu.wait_indirect_dma semaphore(%arg20 : memref<!tpu.dma_semaphore, #tpu.memory_space<semaphore_mem>>) src(%dma_wait3A_1141 : memref<100x128xf32, #tpu.memory_space<vmem>>) dst(%dma_wait3A_1147 : memref<512x128xf32, #tpu.memory_space<vmem_shared>>)
    %add3A_1148 = arith.constant 352 : i32
    %add3A_1149 = arith.addi %add3A, %add3A_1148 : i32
    %mul3A_1150 = arith.constant 200 : i32
    %mul3A_1151 = arith.muli %add3A_1149, %mul3A_1150 : i32
    %dma_start3A_1152 = arith.constant 3 : i32
    %dma_start3A_1153 = arith.constant 0 : i32
    %dma_start3A_1154 = arith.constant 0 : i32
    %dma_start3A_1155 = tpu.memref_slice %arg5[%dma_start3A_1152, %dma_start3A_1153, %dma_start3A_1154] : memref<4x200x128xf32, #tpu.memory_space<vmem>> -> memref<1x200x128xf32, #tpu.memory_space<vmem>>
    %dma_start3A_1156 = tpu.memref_squeeze %dma_start3A_1155 : memref<1x200x128xf32, #tpu.memory_space<vmem>> -> memref<200x128xf32, #tpu.memory_space<vmem>>
    %dma_start3A_1157 = arith.constant 0 : i32
    %dma_start3A_1158 = tpu.memref_slice %arg2[%mul3A_1151, %dma_start3A_1157] : memref<100000x128xf32, #tpu.memory_space<hbm>> -> memref<200x128xf32, #tpu.memory_space<hbm>>
    %dma_start3A_1159 = arith.constant 0 : i32
    %dma_start3A_1160 = arith.constant 0 : i32
    %dma_start3A_1161 = tpu.memref_slice %arg5[%dma_start3A_1152, %dma_start3A_1159, %dma_start3A_1160] : memref<4x200x128xf32, #tpu.memory_space<vmem>> -> memref<1x200x128xf32, #tpu.memory_space<vmem>>
    %dma_start3A_1162 = tpu.memref_squeeze %dma_start3A_1161 : memref<1x200x128xf32, #tpu.memory_space<vmem>> -> memref<200x128xf32, #tpu.memory_space<vmem>>
    %dma_start3A_1163 = arith.constant 0 : i32
    %dma_start3A_1164 = tpu.memref_slice %arg2[%mul3A_1151, %dma_start3A_1163] : memref<100000x128xf32, #tpu.memory_space<hbm>> -> memref<200x128xf32, #tpu.memory_space<hbm>>
    tpu.enqueue_dma source(%dma_start3A_1164 : memref<200x128xf32, #tpu.memory_space<hbm>>) target(%dma_start3A_1162 : memref<200x128xf32, #tpu.memory_space<vmem>>) target_semaphore(%arg12 : memref<!tpu.dma_semaphore, #tpu.memory_space<semaphore_mem>>)
    %dma_start3A_1165 = arith.constant 3 : i32
    %dma_start3A_1166 = arith.constant 0 : i32
    %dma_start3A_1167 = arith.constant 0 : i32
    %dma_start3A_1168 = tpu.memref_slice %arg7[%dma_start3A_1165, %dma_start3A_1166, %dma_start3A_1167] : memref<4x2x100xi32, #tpu.memory_space<vmem>> -> memref<1x2x100xi32, #tpu.memory_space<vmem>>
    %dma_start3A_1169 = tpu.memref_squeeze %dma_start3A_1168 : memref<1x2x100xi32, #tpu.memory_space<vmem>> -> memref<2x100xi32, #tpu.memory_space<vmem>>
    %dma_start3A_1170 = arith.constant 0 : i32
    %dma_start3A_1171 = arith.constant 0 : i32
    %dma_start3A_1172 = tpu.memref_slice %arg3[%add3A_1149, %dma_start3A_1170, %dma_start3A_1171] : memref<500x2x100xi32, #tpu.memory_space<hbm>> -> memref<1x2x100xi32, #tpu.memory_space<hbm>>
    %dma_start3A_1173 = tpu.memref_squeeze %dma_start3A_1172 : memref<1x2x100xi32, #tpu.memory_space<hbm>> -> memref<2x100xi32, #tpu.memory_space<hbm>>
    %dma_start3A_1174 = arith.constant 0 : i32
    %dma_start3A_1175 = arith.constant 0 : i32
    %dma_start3A_1176 = tpu.memref_slice %arg7[%dma_start3A_1165, %dma_start3A_1174, %dma_start3A_1175] : memref<4x2x100xi32, #tpu.memory_space<vmem>> -> memref<1x2x100xi32, #tpu.memory_space<vmem>>
    %dma_start3A_1177 = tpu.memref_squeeze %dma_start3A_1176 : memref<1x2x100xi32, #tpu.memory_space<vmem>> -> memref<2x100xi32, #tpu.memory_space<vmem>>
    %dma_start3A_1178 = arith.constant 0 : i32
    %dma_start3A_1179 = arith.constant 0 : i32
    %dma_start3A_1180 = tpu.memref_slice %arg3[%add3A_1149, %dma_start3A_1178, %dma_start3A_1179] : memref<500x2x100xi32, #tpu.memory_space<hbm>> -> memref<1x2x100xi32, #tpu.memory_space<hbm>>
    %dma_start3A_1181 = tpu.memref_squeeze %dma_start3A_1180 : memref<1x2x100xi32, #tpu.memory_space<hbm>> -> memref<2x100xi32, #tpu.memory_space<hbm>>
    tpu.enqueue_dma source(%dma_start3A_1181 : memref<2x100xi32, #tpu.memory_space<hbm>>) target(%dma_start3A_1177 : memref<2x100xi32, #tpu.memory_space<vmem>>) target_semaphore(%arg16 : memref<!tpu.dma_semaphore, #tpu.memory_space<semaphore_mem>>)
    %dma_wait3A_1182 = arith.constant 2 : i32
    %dma_wait3A_1183 = arith.constant 0 : i32
    %dma_wait3A_1184 = arith.constant 0 : i32
    %dma_wait3A_1185 = tpu.memref_slice %arg5[%dma_wait3A_1182, %dma_wait3A_1183, %dma_wait3A_1184] : memref<4x200x128xf32, #tpu.memory_space<vmem>> -> memref<1x200x128xf32, #tpu.memory_space<vmem>>
    %dma_wait3A_1186 = tpu.memref_squeeze %dma_wait3A_1185 : memref<1x200x128xf32, #tpu.memory_space<vmem>> -> memref<200x128xf32, #tpu.memory_space<vmem>>
    %dma_wait3A_1187 = arith.constant 0 : i32
    %dma_wait3A_1188 = tpu.memref_slice %arg2[%mul3A_1035, %dma_wait3A_1187] : memref<100000x128xf32, #tpu.memory_space<hbm>> -> memref<200x128xf32, #tpu.memory_space<hbm>>
    %dma_wait3A_1189 = arith.constant 0 : i32
    %dma_wait3A_1190 = arith.constant 0 : i32
    %dma_wait3A_1191 = tpu.memref_slice %arg5[%dma_wait3A_1182, %dma_wait3A_1189, %dma_wait3A_1190] : memref<4x200x128xf32, #tpu.memory_space<vmem>> -> memref<1x200x128xf32, #tpu.memory_space<vmem>>
    %dma_wait3A_1192 = tpu.memref_squeeze %dma_wait3A_1191 : memref<1x200x128xf32, #tpu.memory_space<vmem>> -> memref<200x128xf32, #tpu.memory_space<vmem>>
    %dma_wait3A_1193 = arith.constant 0 : i32
    %dma_wait3A_1194 = tpu.memref_slice %arg2[%mul3A_1035, %dma_wait3A_1193] : memref<100000x128xf32, #tpu.memory_space<hbm>> -> memref<200x128xf32, #tpu.memory_space<hbm>>
    tpu.wait_dma2 semaphore(%arg11 : memref<!tpu.dma_semaphore, #tpu.memory_space<semaphore_mem>>) src(%dma_wait3A_1194 : memref<200x128xf32, #tpu.memory_space<hbm>>) dst(%dma_wait3A_1192 : memref<200x128xf32, #tpu.memory_space<vmem>>)
    %dma_wait3A_1195 = arith.constant 2 : i32
    %dma_wait3A_1196 = arith.constant 0 : i32
    %dma_wait3A_1197 = arith.constant 0 : i32
    %dma_wait3A_1198 = tpu.memref_slice %arg7[%dma_wait3A_1195, %dma_wait3A_1196, %dma_wait3A_1197] : memref<4x2x100xi32, #tpu.memory_space<vmem>> -> memref<1x2x100xi32, #tpu.memory_space<vmem>>
    %dma_wait3A_1199 = tpu.memref_squeeze %dma_wait3A_1198 : memref<1x2x100xi32, #tpu.memory_space<vmem>> -> memref<2x100xi32, #tpu.memory_space<vmem>>
    %dma_wait3A_1200 = arith.constant 0 : i32
    %dma_wait3A_1201 = arith.constant 0 : i32
    %dma_wait3A_1202 = tpu.memref_slice %arg3[%add3A_1033, %dma_wait3A_1200, %dma_wait3A_1201] : memref<500x2x100xi32, #tpu.memory_space<hbm>> -> memref<1x2x100xi32, #tpu.memory_space<hbm>>
    %dma_wait3A_1203 = tpu.memref_squeeze %dma_wait3A_1202 : memref<1x2x100xi32, #tpu.memory_space<hbm>> -> memref<2x100xi32, #tpu.memory_space<hbm>>
    %dma_wait3A_1204 = arith.constant 0 : i32
    %dma_wait3A_1205 = arith.constant 0 : i32
    %dma_wait3A_1206 = tpu.memref_slice %arg7[%dma_wait3A_1195, %dma_wait3A_1204, %dma_wait3A_1205] : memref<4x2x100xi32, #tpu.memory_space<vmem>> -> memref<1x2x100xi32, #tpu.memory_space<vmem>>
    %dma_wait3A_1207 = tpu.memref_squeeze %dma_wait3A_1206 : memref<1x2x100xi32, #tpu.memory_space<vmem>> -> memref<2x100xi32, #tpu.memory_space<vmem>>
    %dma_wait3A_1208 = arith.constant 0 : i32
    %dma_wait3A_1209 = arith.constant 0 : i32
    %dma_wait3A_1210 = tpu.memref_slice %arg3[%add3A_1033, %dma_wait3A_1208, %dma_wait3A_1209] : memref<500x2x100xi32, #tpu.memory_space<hbm>> -> memref<1x2x100xi32, #tpu.memory_space<hbm>>
    %dma_wait3A_1211 = tpu.memref_squeeze %dma_wait3A_1210 : memref<1x2x100xi32, #tpu.memory_space<hbm>> -> memref<2x100xi32, #tpu.memory_space<hbm>>
    tpu.wait_dma2 semaphore(%arg15 : memref<!tpu.dma_semaphore, #tpu.memory_space<semaphore_mem>>) src(%dma_wait3A_1211 : memref<2x100xi32, #tpu.memory_space<hbm>>) dst(%dma_wait3A_1207 : memref<2x100xi32, #tpu.memory_space<vmem>>)
    %dma_start3A_1212 = arith.constant 2 : i32
    %dma_start3A_1213 = arith.constant 2 : i32
    %dma_start3A_1214 = arith.constant 0 : i32
    %dma_start3A_1215 = arith.constant 0 : i32
    %dma_start3A_1216 = arith.constant 0 : i32
    %dma_start3A_1217 = tpu.memref_slice %arg5[%dma_start3A_1212, %dma_start3A_1215, %dma_start3A_1216] : memref<4x200x128xf32, #tpu.memory_space<vmem>> -> memref<1x100x128xf32, #tpu.memory_space<vmem>>
    %dma_start3A_1218 = tpu.memref_squeeze %dma_start3A_1217 : memref<1x100x128xf32, #tpu.memory_space<vmem>> -> memref<100x128xf32, #tpu.memory_space<vmem>>
    %dma_start3A_1219 = arith.constant 0 : i32
    %dma_start3A_1220 = tpu.memref_slice %arg7[%dma_start3A_1213, %dma_start3A_1214, %dma_start3A_1219] : memref<4x2x100xi32, #tpu.memory_space<vmem>> -> memref<1x1x100xi32, #tpu.memory_space<vmem>>
    %dma_start3A_1221 = tpu.memref_squeeze %dma_start3A_1220 : memref<1x1x100xi32, #tpu.memory_space<vmem>> -> memref<100xi32, #tpu.memory_space<vmem>>
    %dma_start3A_1222 = arith.constant 0 : i32
    %dma_start3A_1223 = arith.constant 0 : i32
    %dma_start3A_1224 = tpu.memref_slice %arg8[%dma_start3A_1222, %dma_start3A_1223] : memref<512x128xf32, #tpu.memory_space<vmem_shared>> -> memref<512x128xf32, #tpu.memory_space<vmem_shared>>
    tpu.enqueue_indirect_dma source(%dma_start3A_1218 : memref<100x128xf32, #tpu.memory_space<vmem>>) target(%dma_start3A_1224 : memref<512x128xf32, #tpu.memory_space<vmem_shared>>) offsets(%dma_start3A_1221 : memref<100xi32, #tpu.memory_space<vmem>>) semaphore(%arg19 : memref<!tpu.dma_semaphore, #tpu.memory_space<semaphore_mem>>) {add = true}
    %dma_start3A_1225 = arith.constant 2 : i32
    %dma_start3A_1226 = arith.constant 2 : i32
    %dma_start3A_1227 = arith.constant 1 : i32
    %dma_start3A_1228 = arith.constant 100 : i32
    %dma_start3A_1229 = arith.constant 0 : i32
    %dma_start3A_1230 = tpu.memref_slice %arg5[%dma_start3A_1225, %dma_start3A_1228, %dma_start3A_1229] : memref<4x200x128xf32, #tpu.memory_space<vmem>> -> memref<1x100x128xf32, #tpu.memory_space<vmem>>
    %dma_start3A_1231 = tpu.memref_squeeze %dma_start3A_1230 : memref<1x100x128xf32, #tpu.memory_space<vmem>> -> memref<100x128xf32, #tpu.memory_space<vmem>>
    %dma_start3A_1232 = arith.constant 0 : i32
    %dma_start3A_1233 = tpu.memref_slice %arg7[%dma_start3A_1226, %dma_start3A_1227, %dma_start3A_1232] : memref<4x2x100xi32, #tpu.memory_space<vmem>> -> memref<1x1x100xi32, #tpu.memory_space<vmem>>
    %dma_start3A_1234 = tpu.memref_squeeze %dma_start3A_1233 : memref<1x1x100xi32, #tpu.memory_space<vmem>> -> memref<100xi32, #tpu.memory_space<vmem>>
    %dma_start3A_1235 = arith.constant 0 : i32
    %dma_start3A_1236 = arith.constant 0 : i32
    %dma_start3A_1237 = tpu.memref_slice %arg8[%dma_start3A_1235, %dma_start3A_1236] : memref<512x128xf32, #tpu.memory_space<vmem_shared>> -> memref<512x128xf32, #tpu.memory_space<vmem_shared>>
    tpu.enqueue_indirect_dma source(%dma_start3A_1231 : memref<100x128xf32, #tpu.memory_space<vmem>>) target(%dma_start3A_1237 : memref<512x128xf32, #tpu.memory_space<vmem_shared>>) offsets(%dma_start3A_1234 : memref<100xi32, #tpu.memory_space<vmem>>) semaphore(%arg19 : memref<!tpu.dma_semaphore, #tpu.memory_space<semaphore_mem>>) {add = true}
    %dma_wait3A_1238 = arith.constant 0 : i32
    %dma_wait3A_1239 = arith.constant 0 : i32
    %dma_wait3A_1240 = arith.constant 0 : i32
    %dma_wait3A_1241 = arith.constant 0 : i32
    %dma_wait3A_1242 = arith.constant 0 : i32
    %dma_wait3A_1243 = tpu.memref_slice %arg5[%dma_wait3A_1238, %dma_wait3A_1241, %dma_wait3A_1242] : memref<4x200x128xf32, #tpu.memory_space<vmem>> -> memref<1x100x128xf32, #tpu.memory_space<vmem>>
    %dma_wait3A_1244 = tpu.memref_squeeze %dma_wait3A_1243 : memref<1x100x128xf32, #tpu.memory_space<vmem>> -> memref<100x128xf32, #tpu.memory_space<vmem>>
    %dma_wait3A_1245 = arith.constant 0 : i32
    %dma_wait3A_1246 = tpu.memref_slice %arg7[%dma_wait3A_1239, %dma_wait3A_1240, %dma_wait3A_1245] : memref<4x2x100xi32, #tpu.memory_space<vmem>> -> memref<1x1x100xi32, #tpu.memory_space<vmem>>
    %dma_wait3A_1247 = tpu.memref_squeeze %dma_wait3A_1246 : memref<1x1x100xi32, #tpu.memory_space<vmem>> -> memref<100xi32, #tpu.memory_space<vmem>>
    %dma_wait3A_1248 = arith.constant 0 : i32
    %dma_wait3A_1249 = arith.constant 0 : i32
    %dma_wait3A_1250 = tpu.memref_slice %arg8[%dma_wait3A_1248, %dma_wait3A_1249] : memref<512x128xf32, #tpu.memory_space<vmem_shared>> -> memref<512x128xf32, #tpu.memory_space<vmem_shared>>
    tpu.wait_indirect_dma semaphore(%arg17 : memref<!tpu.dma_semaphore, #tpu.memory_space<semaphore_mem>>) src(%dma_wait3A_1244 : memref<100x128xf32, #tpu.memory_space<vmem>>) dst(%dma_wait3A_1250 : memref<512x128xf32, #tpu.memory_space<vmem_shared>>)
    %dma_wait3A_1251 = arith.constant 0 : i32
    %dma_wait3A_1252 = arith.constant 0 : i32
    %dma_wait3A_1253 = arith.constant 1 : i32
    %dma_wait3A_1254 = arith.constant 100 : i32
    %dma_wait3A_1255 = arith.constant 0 : i32
    %dma_wait3A_1256 = tpu.memref_slice %arg5[%dma_wait3A_1251, %dma_wait3A_1254, %dma_wait3A_1255] : memref<4x200x128xf32, #tpu.memory_space<vmem>> -> memref<1x100x128xf32, #tpu.memory_space<vmem>>
    %dma_wait3A_1257 = tpu.memref_squeeze %dma_wait3A_1256 : memref<1x100x128xf32, #tpu.memory_space<vmem>> -> memref<100x128xf32, #tpu.memory_space<vmem>>
    %dma_wait3A_1258 = arith.constant 0 : i32
    %dma_wait3A_1259 = tpu.memref_slice %arg7[%dma_wait3A_1252, %dma_wait3A_1253, %dma_wait3A_1258] : memref<4x2x100xi32, #tpu.memory_space<vmem>> -> memref<1x1x100xi32, #tpu.memory_space<vmem>>
    %dma_wait3A_1260 = tpu.memref_squeeze %dma_wait3A_1259 : memref<1x1x100xi32, #tpu.memory_space<vmem>> -> memref<100xi32, #tpu.memory_space<vmem>>
    %dma_wait3A_1261 = arith.constant 0 : i32
    %dma_wait3A_1262 = arith.constant 0 : i32
    %dma_wait3A_1263 = tpu.memref_slice %arg8[%dma_wait3A_1261, %dma_wait3A_1262] : memref<512x128xf32, #tpu.memory_space<vmem_shared>> -> memref<512x128xf32, #tpu.memory_space<vmem_shared>>
    tpu.wait_indirect_dma semaphore(%arg17 : memref<!tpu.dma_semaphore, #tpu.memory_space<semaphore_mem>>) src(%dma_wait3A_1257 : memref<100x128xf32, #tpu.memory_space<vmem>>) dst(%dma_wait3A_1263 : memref<512x128xf32, #tpu.memory_space<vmem_shared>>)
    %add3A_1264 = arith.constant 384 : i32
    %add3A_1265 = arith.addi %add3A, %add3A_1264 : i32
    %mul3A_1266 = arith.constant 200 : i32
    %mul3A_1267 = arith.muli %add3A_1265, %mul3A_1266 : i32
    %dma_start3A_1268 = arith.constant 0 : i32
    %dma_start3A_1269 = arith.constant 0 : i32
    %dma_start3A_1270 = arith.constant 0 : i32
    %dma_start3A_1271 = tpu.memref_slice %arg5[%dma_start3A_1268, %dma_start3A_1269, %dma_start3A_1270] : memref<4x200x128xf32, #tpu.memory_space<vmem>> -> memref<1x200x128xf32, #tpu.memory_space<vmem>>
    %dma_start3A_1272 = tpu.memref_squeeze %dma_start3A_1271 : memref<1x200x128xf32, #tpu.memory_space<vmem>> -> memref<200x128xf32, #tpu.memory_space<vmem>>
    %dma_start3A_1273 = arith.constant 0 : i32
    %dma_start3A_1274 = tpu.memref_slice %arg2[%mul3A_1267, %dma_start3A_1273] : memref<100000x128xf32, #tpu.memory_space<hbm>> -> memref<200x128xf32, #tpu.memory_space<hbm>>
    %dma_start3A_1275 = arith.constant 0 : i32
    %dma_start3A_1276 = arith.constant 0 : i32
    %dma_start3A_1277 = tpu.memref_slice %arg5[%dma_start3A_1268, %dma_start3A_1275, %dma_start3A_1276] : memref<4x200x128xf32, #tpu.memory_space<vmem>> -> memref<1x200x128xf32, #tpu.memory_space<vmem>>
    %dma_start3A_1278 = tpu.memref_squeeze %dma_start3A_1277 : memref<1x200x128xf32, #tpu.memory_space<vmem>> -> memref<200x128xf32, #tpu.memory_space<vmem>>
    %dma_start3A_1279 = arith.constant 0 : i32
    %dma_start3A_1280 = tpu.memref_slice %arg2[%mul3A_1267, %dma_start3A_1279] : memref<100000x128xf32, #tpu.memory_space<hbm>> -> memref<200x128xf32, #tpu.memory_space<hbm>>
    tpu.enqueue_dma source(%dma_start3A_1280 : memref<200x128xf32, #tpu.memory_space<hbm>>) target(%dma_start3A_1278 : memref<200x128xf32, #tpu.memory_space<vmem>>) target_semaphore(%arg9 : memref<!tpu.dma_semaphore, #tpu.memory_space<semaphore_mem>>)
    %dma_start3A_1281 = arith.constant 0 : i32
    %dma_start3A_1282 = arith.constant 0 : i32
    %dma_start3A_1283 = arith.constant 0 : i32
    %dma_start3A_1284 = tpu.memref_slice %arg7[%dma_start3A_1281, %dma_start3A_1282, %dma_start3A_1283] : memref<4x2x100xi32, #tpu.memory_space<vmem>> -> memref<1x2x100xi32, #tpu.memory_space<vmem>>
    %dma_start3A_1285 = tpu.memref_squeeze %dma_start3A_1284 : memref<1x2x100xi32, #tpu.memory_space<vmem>> -> memref<2x100xi32, #tpu.memory_space<vmem>>
    %dma_start3A_1286 = arith.constant 0 : i32
    %dma_start3A_1287 = arith.constant 0 : i32
    %dma_start3A_1288 = tpu.memref_slice %arg3[%add3A_1265, %dma_start3A_1286, %dma_start3A_1287] : memref<500x2x100xi32, #tpu.memory_space<hbm>> -> memref<1x2x100xi32, #tpu.memory_space<hbm>>
    %dma_start3A_1289 = tpu.memref_squeeze %dma_start3A_1288 : memref<1x2x100xi32, #tpu.memory_space<hbm>> -> memref<2x100xi32, #tpu.memory_space<hbm>>
    %dma_start3A_1290 = arith.constant 0 : i32
    %dma_start3A_1291 = arith.constant 0 : i32
    %dma_start3A_1292 = tpu.memref_slice %arg7[%dma_start3A_1281, %dma_start3A_1290, %dma_start3A_1291] : memref<4x2x100xi32, #tpu.memory_space<vmem>> -> memref<1x2x100xi32, #tpu.memory_space<vmem>>
    %dma_start3A_1293 = tpu.memref_squeeze %dma_start3A_1292 : memref<1x2x100xi32, #tpu.memory_space<vmem>> -> memref<2x100xi32, #tpu.memory_space<vmem>>
    %dma_start3A_1294 = arith.constant 0 : i32
    %dma_start3A_1295 = arith.constant 0 : i32
    %dma_start3A_1296 = tpu.memref_slice %arg3[%add3A_1265, %dma_start3A_1294, %dma_start3A_1295] : memref<500x2x100xi32, #tpu.memory_space<hbm>> -> memref<1x2x100xi32, #tpu.memory_space<hbm>>
    %dma_start3A_1297 = tpu.memref_squeeze %dma_start3A_1296 : memref<1x2x100xi32, #tpu.memory_space<hbm>> -> memref<2x100xi32, #tpu.memory_space<hbm>>
    tpu.enqueue_dma source(%dma_start3A_1297 : memref<2x100xi32, #tpu.memory_space<hbm>>) target(%dma_start3A_1293 : memref<2x100xi32, #tpu.memory_space<vmem>>) target_semaphore(%arg13 : memref<!tpu.dma_semaphore, #tpu.memory_space<semaphore_mem>>)
    %dma_wait3A_1298 = arith.constant 3 : i32
    %dma_wait3A_1299 = arith.constant 0 : i32
    %dma_wait3A_1300 = arith.constant 0 : i32
    %dma_wait3A_1301 = tpu.memref_slice %arg5[%dma_wait3A_1298, %dma_wait3A_1299, %dma_wait3A_1300] : memref<4x200x128xf32, #tpu.memory_space<vmem>> -> memref<1x200x128xf32, #tpu.memory_space<vmem>>
    %dma_wait3A_1302 = tpu.memref_squeeze %dma_wait3A_1301 : memref<1x200x128xf32, #tpu.memory_space<vmem>> -> memref<200x128xf32, #tpu.memory_space<vmem>>
    %dma_wait3A_1303 = arith.constant 0 : i32
    %dma_wait3A_1304 = tpu.memref_slice %arg2[%mul3A_1151, %dma_wait3A_1303] : memref<100000x128xf32, #tpu.memory_space<hbm>> -> memref<200x128xf32, #tpu.memory_space<hbm>>
    %dma_wait3A_1305 = arith.constant 0 : i32
    %dma_wait3A_1306 = arith.constant 0 : i32
    %dma_wait3A_1307 = tpu.memref_slice %arg5[%dma_wait3A_1298, %dma_wait3A_1305, %dma_wait3A_1306] : memref<4x200x128xf32, #tpu.memory_space<vmem>> -> memref<1x200x128xf32, #tpu.memory_space<vmem>>
    %dma_wait3A_1308 = tpu.memref_squeeze %dma_wait3A_1307 : memref<1x200x128xf32, #tpu.memory_space<vmem>> -> memref<200x128xf32, #tpu.memory_space<vmem>>
    %dma_wait3A_1309 = arith.constant 0 : i32
    %dma_wait3A_1310 = tpu.memref_slice %arg2[%mul3A_1151, %dma_wait3A_1309] : memref<100000x128xf32, #tpu.memory_space<hbm>> -> memref<200x128xf32, #tpu.memory_space<hbm>>
    tpu.wait_dma2 semaphore(%arg12 : memref<!tpu.dma_semaphore, #tpu.memory_space<semaphore_mem>>) src(%dma_wait3A_1310 : memref<200x128xf32, #tpu.memory_space<hbm>>) dst(%dma_wait3A_1308 : memref<200x128xf32, #tpu.memory_space<vmem>>)
    %dma_wait3A_1311 = arith.constant 3 : i32
    %dma_wait3A_1312 = arith.constant 0 : i32
    %dma_wait3A_1313 = arith.constant 0 : i32
    %dma_wait3A_1314 = tpu.memref_slice %arg7[%dma_wait3A_1311, %dma_wait3A_1312, %dma_wait3A_1313] : memref<4x2x100xi32, #tpu.memory_space<vmem>> -> memref<1x2x100xi32, #tpu.memory_space<vmem>>
    %dma_wait3A_1315 = tpu.memref_squeeze %dma_wait3A_1314 : memref<1x2x100xi32, #tpu.memory_space<vmem>> -> memref<2x100xi32, #tpu.memory_space<vmem>>
    %dma_wait3A_1316 = arith.constant 0 : i32
    %dma_wait3A_1317 = arith.constant 0 : i32
    %dma_wait3A_1318 = tpu.memref_slice %arg3[%add3A_1149, %dma_wait3A_1316, %dma_wait3A_1317] : memref<500x2x100xi32, #tpu.memory_space<hbm>> -> memref<1x2x100xi32, #tpu.memory_space<hbm>>
    %dma_wait3A_1319 = tpu.memref_squeeze %dma_wait3A_1318 : memref<1x2x100xi32, #tpu.memory_space<hbm>> -> memref<2x100xi32, #tpu.memory_space<hbm>>
    %dma_wait3A_1320 = arith.constant 0 : i32
    %dma_wait3A_1321 = arith.constant 0 : i32
    %dma_wait3A_1322 = tpu.memref_slice %arg7[%dma_wait3A_1311, %dma_wait3A_1320, %dma_wait3A_1321] : memref<4x2x100xi32, #tpu.memory_space<vmem>> -> memref<1x2x100xi32, #tpu.memory_space<vmem>>
    %dma_wait3A_1323 = tpu.memref_squeeze %dma_wait3A_1322 : memref<1x2x100xi32, #tpu.memory_space<vmem>> -> memref<2x100xi32, #tpu.memory_space<vmem>>
    %dma_wait3A_1324 = arith.constant 0 : i32
    %dma_wait3A_1325 = arith.constant 0 : i32
    %dma_wait3A_1326 = tpu.memref_slice %arg3[%add3A_1149, %dma_wait3A_1324, %dma_wait3A_1325] : memref<500x2x100xi32, #tpu.memory_space<hbm>> -> memref<1x2x100xi32, #tpu.memory_space<hbm>>
    %dma_wait3A_1327 = tpu.memref_squeeze %dma_wait3A_1326 : memref<1x2x100xi32, #tpu.memory_space<hbm>> -> memref<2x100xi32, #tpu.memory_space<hbm>>
    tpu.wait_dma2 semaphore(%arg16 : memref<!tpu.dma_semaphore, #tpu.memory_space<semaphore_mem>>) src(%dma_wait3A_1327 : memref<2x100xi32, #tpu.memory_space<hbm>>) dst(%dma_wait3A_1323 : memref<2x100xi32, #tpu.memory_space<vmem>>)
    %dma_start3A_1328 = arith.constant 3 : i32
    %dma_start3A_1329 = arith.constant 3 : i32
    %dma_start3A_1330 = arith.constant 0 : i32
    %dma_start3A_1331 = arith.constant 0 : i32
    %dma_start3A_1332 = arith.constant 0 : i32
    %dma_start3A_1333 = tpu.memref_slice %arg5[%dma_start3A_1328, %dma_start3A_1331, %dma_start3A_1332] : memref<4x200x128xf32, #tpu.memory_space<vmem>> -> memref<1x100x128xf32, #tpu.memory_space<vmem>>
    %dma_start3A_1334 = tpu.memref_squeeze %dma_start3A_1333 : memref<1x100x128xf32, #tpu.memory_space<vmem>> -> memref<100x128xf32, #tpu.memory_space<vmem>>
    %dma_start3A_1335 = arith.constant 0 : i32
    %dma_start3A_1336 = tpu.memref_slice %arg7[%dma_start3A_1329, %dma_start3A_1330, %dma_start3A_1335] : memref<4x2x100xi32, #tpu.memory_space<vmem>> -> memref<1x1x100xi32, #tpu.memory_space<vmem>>
    %dma_start3A_1337 = tpu.memref_squeeze %dma_start3A_1336 : memref<1x1x100xi32, #tpu.memory_space<vmem>> -> memref<100xi32, #tpu.memory_space<vmem>>
    %dma_start3A_1338 = arith.constant 0 : i32
    %dma_start3A_1339 = arith.constant 0 : i32
    %dma_start3A_1340 = tpu.memref_slice %arg8[%dma_start3A_1338, %dma_start3A_1339] : memref<512x128xf32, #tpu.memory_space<vmem_shared>> -> memref<512x128xf32, #tpu.memory_space<vmem_shared>>
    tpu.enqueue_indirect_dma source(%dma_start3A_1334 : memref<100x128xf32, #tpu.memory_space<vmem>>) target(%dma_start3A_1340 : memref<512x128xf32, #tpu.memory_space<vmem_shared>>) offsets(%dma_start3A_1337 : memref<100xi32, #tpu.memory_space<vmem>>) semaphore(%arg20 : memref<!tpu.dma_semaphore, #tpu.memory_space<semaphore_mem>>) {add = true}
    %dma_start3A_1341 = arith.constant 3 : i32
    %dma_start3A_1342 = arith.constant 3 : i32
    %dma_start3A_1343 = arith.constant 1 : i32
    %dma_start3A_1344 = arith.constant 100 : i32
    %dma_start3A_1345 = arith.constant 0 : i32
    %dma_start3A_1346 = tpu.memref_slice %arg5[%dma_start3A_1341, %dma_start3A_1344, %dma_start3A_1345] : memref<4x200x128xf32, #tpu.memory_space<vmem>> -> memref<1x100x128xf32, #tpu.memory_space<vmem>>
    %dma_start3A_1347 = tpu.memref_squeeze %dma_start3A_1346 : memref<1x100x128xf32, #tpu.memory_space<vmem>> -> memref<100x128xf32, #tpu.memory_space<vmem>>
    %dma_start3A_1348 = arith.constant 0 : i32
    %dma_start3A_1349 = tpu.memref_slice %arg7[%dma_start3A_1342, %dma_start3A_1343, %dma_start3A_1348] : memref<4x2x100xi32, #tpu.memory_space<vmem>> -> memref<1x1x100xi32, #tpu.memory_space<vmem>>
    %dma_start3A_1350 = tpu.memref_squeeze %dma_start3A_1349 : memref<1x1x100xi32, #tpu.memory_space<vmem>> -> memref<100xi32, #tpu.memory_space<vmem>>
    %dma_start3A_1351 = arith.constant 0 : i32
    %dma_start3A_1352 = arith.constant 0 : i32
    %dma_start3A_1353 = tpu.memref_slice %arg8[%dma_start3A_1351, %dma_start3A_1352] : memref<512x128xf32, #tpu.memory_space<vmem_shared>> -> memref<512x128xf32, #tpu.memory_space<vmem_shared>>
    tpu.enqueue_indirect_dma source(%dma_start3A_1347 : memref<100x128xf32, #tpu.memory_space<vmem>>) target(%dma_start3A_1353 : memref<512x128xf32, #tpu.memory_space<vmem_shared>>) offsets(%dma_start3A_1350 : memref<100xi32, #tpu.memory_space<vmem>>) semaphore(%arg20 : memref<!tpu.dma_semaphore, #tpu.memory_space<semaphore_mem>>) {add = true}
    %dma_wait3A_1354 = arith.constant 1 : i32
    %dma_wait3A_1355 = arith.constant 1 : i32
    %dma_wait3A_1356 = arith.constant 0 : i32
    %dma_wait3A_1357 = arith.constant 0 : i32
    %dma_wait3A_1358 = arith.constant 0 : i32
    %dma_wait3A_1359 = tpu.memref_slice %arg5[%dma_wait3A_1354, %dma_wait3A_1357, %dma_wait3A_1358] : memref<4x200x128xf32, #tpu.memory_space<vmem>> -> memref<1x100x128xf32, #tpu.memory_space<vmem>>
    %dma_wait3A_1360 = tpu.memref_squeeze %dma_wait3A_1359 : memref<1x100x128xf32, #tpu.memory_space<vmem>> -> memref<100x128xf32, #tpu.memory_space<vmem>>
    %dma_wait3A_1361 = arith.constant 0 : i32
    %dma_wait3A_1362 = tpu.memref_slice %arg7[%dma_wait3A_1355, %dma_wait3A_1356, %dma_wait3A_1361] : memref<4x2x100xi32, #tpu.memory_space<vmem>> -> memref<1x1x100xi32, #tpu.memory_space<vmem>>
    %dma_wait3A_1363 = tpu.memref_squeeze %dma_wait3A_1362 : memref<1x1x100xi32, #tpu.memory_space<vmem>> -> memref<100xi32, #tpu.memory_space<vmem>>
    %dma_wait3A_1364 = arith.constant 0 : i32
    %dma_wait3A_1365 = arith.constant 0 : i32
    %dma_wait3A_1366 = tpu.memref_slice %arg8[%dma_wait3A_1364, %dma_wait3A_1365] : memref<512x128xf32, #tpu.memory_space<vmem_shared>> -> memref<512x128xf32, #tpu.memory_space<vmem_shared>>
    tpu.wait_indirect_dma semaphore(%arg18 : memref<!tpu.dma_semaphore, #tpu.memory_space<semaphore_mem>>) src(%dma_wait3A_1360 : memref<100x128xf32, #tpu.memory_space<vmem>>) dst(%dma_wait3A_1366 : memref<512x128xf32, #tpu.memory_space<vmem_shared>>)
    %dma_wait3A_1367 = arith.constant 1 : i32
    %dma_wait3A_1368 = arith.constant 1 : i32
    %dma_wait3A_1369 = arith.constant 1 : i32
    %dma_wait3A_1370 = arith.constant 100 : i32
    %dma_wait3A_1371 = arith.constant 0 : i32
    %dma_wait3A_1372 = tpu.memref_slice %arg5[%dma_wait3A_1367, %dma_wait3A_1370, %dma_wait3A_1371] : memref<4x200x128xf32, #tpu.memory_space<vmem>> -> memref<1x100x128xf32, #tpu.memory_space<vmem>>
    %dma_wait3A_1373 = tpu.memref_squeeze %dma_wait3A_1372 : memref<1x100x128xf32, #tpu.memory_space<vmem>> -> memref<100x128xf32, #tpu.memory_space<vmem>>
    %dma_wait3A_1374 = arith.constant 0 : i32
    %dma_wait3A_1375 = tpu.memref_slice %arg7[%dma_wait3A_1368, %dma_wait3A_1369, %dma_wait3A_1374] : memref<4x2x100xi32, #tpu.memory_space<vmem>> -> memref<1x1x100xi32, #tpu.memory_space<vmem>>
    %dma_wait3A_1376 = tpu.memref_squeeze %dma_wait3A_1375 : memref<1x1x100xi32, #tpu.memory_space<vmem>> -> memref<100xi32, #tpu.memory_space<vmem>>
    %dma_wait3A_1377 = arith.constant 0 : i32
    %dma_wait3A_1378 = arith.constant 0 : i32
    %dma_wait3A_1379 = tpu.memref_slice %arg8[%dma_wait3A_1377, %dma_wait3A_1378] : memref<512x128xf32, #tpu.memory_space<vmem_shared>> -> memref<512x128xf32, #tpu.memory_space<vmem_shared>>
    tpu.wait_indirect_dma semaphore(%arg18 : memref<!tpu.dma_semaphore, #tpu.memory_space<semaphore_mem>>) src(%dma_wait3A_1373 : memref<100x128xf32, #tpu.memory_space<vmem>>) dst(%dma_wait3A_1379 : memref<512x128xf32, #tpu.memory_space<vmem_shared>>)
    %add3A_1380 = arith.constant 416 : i32
    %add3A_1381 = arith.addi %add3A, %add3A_1380 : i32
    %mul3A_1382 = arith.constant 200 : i32
    %mul3A_1383 = arith.muli %add3A_1381, %mul3A_1382 : i32
    %dma_start3A_1384 = arith.constant 1 : i32
    %dma_start3A_1385 = arith.constant 0 : i32
    %dma_start3A_1386 = arith.constant 0 : i32
    %dma_start3A_1387 = tpu.memref_slice %arg5[%dma_start3A_1384, %dma_start3A_1385, %dma_start3A_1386] : memref<4x200x128xf32, #tpu.memory_space<vmem>> -> memref<1x200x128xf32, #tpu.memory_space<vmem>>
    %dma_start3A_1388 = tpu.memref_squeeze %dma_start3A_1387 : memref<1x200x128xf32, #tpu.memory_space<vmem>> -> memref<200x128xf32, #tpu.memory_space<vmem>>
    %dma_start3A_1389 = arith.constant 0 : i32
    %dma_start3A_1390 = tpu.memref_slice %arg2[%mul3A_1383, %dma_start3A_1389] : memref<100000x128xf32, #tpu.memory_space<hbm>> -> memref<200x128xf32, #tpu.memory_space<hbm>>
    %dma_start3A_1391 = arith.constant 0 : i32
    %dma_start3A_1392 = arith.constant 0 : i32
    %dma_start3A_1393 = tpu.memref_slice %arg5[%dma_start3A_1384, %dma_start3A_1391, %dma_start3A_1392] : memref<4x200x128xf32, #tpu.memory_space<vmem>> -> memref<1x200x128xf32, #tpu.memory_space<vmem>>
    %dma_start3A_1394 = tpu.memref_squeeze %dma_start3A_1393 : memref<1x200x128xf32, #tpu.memory_space<vmem>> -> memref<200x128xf32, #tpu.memory_space<vmem>>
    %dma_start3A_1395 = arith.constant 0 : i32
    %dma_start3A_1396 = tpu.memref_slice %arg2[%mul3A_1383, %dma_start3A_1395] : memref<100000x128xf32, #tpu.memory_space<hbm>> -> memref<200x128xf32, #tpu.memory_space<hbm>>
    tpu.enqueue_dma source(%dma_start3A_1396 : memref<200x128xf32, #tpu.memory_space<hbm>>) target(%dma_start3A_1394 : memref<200x128xf32, #tpu.memory_space<vmem>>) target_semaphore(%arg10 : memref<!tpu.dma_semaphore, #tpu.memory_space<semaphore_mem>>)
    %dma_start3A_1397 = arith.constant 1 : i32
    %dma_start3A_1398 = arith.constant 0 : i32
    %dma_start3A_1399 = arith.constant 0 : i32
    %dma_start3A_1400 = tpu.memref_slice %arg7[%dma_start3A_1397, %dma_start3A_1398, %dma_start3A_1399] : memref<4x2x100xi32, #tpu.memory_space<vmem>> -> memref<1x2x100xi32, #tpu.memory_space<vmem>>
    %dma_start3A_1401 = tpu.memref_squeeze %dma_start3A_1400 : memref<1x2x100xi32, #tpu.memory_space<vmem>> -> memref<2x100xi32, #tpu.memory_space<vmem>>
    %dma_start3A_1402 = arith.constant 0 : i32
    %dma_start3A_1403 = arith.constant 0 : i32
    %dma_start3A_1404 = tpu.memref_slice %arg3[%add3A_1381, %dma_start3A_1402, %dma_start3A_1403] : memref<500x2x100xi32, #tpu.memory_space<hbm>> -> memref<1x2x100xi32, #tpu.memory_space<hbm>>
    %dma_start3A_1405 = tpu.memref_squeeze %dma_start3A_1404 : memref<1x2x100xi32, #tpu.memory_space<hbm>> -> memref<2x100xi32, #tpu.memory_space<hbm>>
    %dma_start3A_1406 = arith.constant 0 : i32
    %dma_start3A_1407 = arith.constant 0 : i32
    %dma_start3A_1408 = tpu.memref_slice %arg7[%dma_start3A_1397, %dma_start3A_1406, %dma_start3A_1407] : memref<4x2x100xi32, #tpu.memory_space<vmem>> -> memref<1x2x100xi32, #tpu.memory_space<vmem>>
    %dma_start3A_1409 = tpu.memref_squeeze %dma_start3A_1408 : memref<1x2x100xi32, #tpu.memory_space<vmem>> -> memref<2x100xi32, #tpu.memory_space<vmem>>
    %dma_start3A_1410 = arith.constant 0 : i32
    %dma_start3A_1411 = arith.constant 0 : i32
    %dma_start3A_1412 = tpu.memref_slice %arg3[%add3A_1381, %dma_start3A_1410, %dma_start3A_1411] : memref<500x2x100xi32, #tpu.memory_space<hbm>> -> memref<1x2x100xi32, #tpu.memory_space<hbm>>
    %dma_start3A_1413 = tpu.memref_squeeze %dma_start3A_1412 : memref<1x2x100xi32, #tpu.memory_space<hbm>> -> memref<2x100xi32, #tpu.memory_space<hbm>>
    tpu.enqueue_dma source(%dma_start3A_1413 : memref<2x100xi32, #tpu.memory_space<hbm>>) target(%dma_start3A_1409 : memref<2x100xi32, #tpu.memory_space<vmem>>) target_semaphore(%arg14 : memref<!tpu.dma_semaphore, #tpu.memory_space<semaphore_mem>>)
    %dma_wait3A_1414 = arith.constant 0 : i32
    %dma_wait3A_1415 = arith.constant 0 : i32
    %dma_wait3A_1416 = arith.constant 0 : i32
    %dma_wait3A_1417 = tpu.memref_slice %arg5[%dma_wait3A_1414, %dma_wait3A_1415, %dma_wait3A_1416] : memref<4x200x128xf32, #tpu.memory_space<vmem>> -> memref<1x200x128xf32, #tpu.memory_space<vmem>>
    %dma_wait3A_1418 = tpu.memref_squeeze %dma_wait3A_1417 : memref<1x200x128xf32, #tpu.memory_space<vmem>> -> memref<200x128xf32, #tpu.memory_space<vmem>>
    %dma_wait3A_1419 = arith.constant 0 : i32
    %dma_wait3A_1420 = tpu.memref_slice %arg2[%mul3A_1267, %dma_wait3A_1419] : memref<100000x128xf32, #tpu.memory_space<hbm>> -> memref<200x128xf32, #tpu.memory_space<hbm>>
    %dma_wait3A_1421 = arith.constant 0 : i32
    %dma_wait3A_1422 = arith.constant 0 : i32
    %dma_wait3A_1423 = tpu.memref_slice %arg5[%dma_wait3A_1414, %dma_wait3A_1421, %dma_wait3A_1422] : memref<4x200x128xf32, #tpu.memory_space<vmem>> -> memref<1x200x128xf32, #tpu.memory_space<vmem>>
    %dma_wait3A_1424 = tpu.memref_squeeze %dma_wait3A_1423 : memref<1x200x128xf32, #tpu.memory_space<vmem>> -> memref<200x128xf32, #tpu.memory_space<vmem>>
    %dma_wait3A_1425 = arith.constant 0 : i32
    %dma_wait3A_1426 = tpu.memref_slice %arg2[%mul3A_1267, %dma_wait3A_1425] : memref<100000x128xf32, #tpu.memory_space<hbm>> -> memref<200x128xf32, #tpu.memory_space<hbm>>
    tpu.wait_dma2 semaphore(%arg9 : memref<!tpu.dma_semaphore, #tpu.memory_space<semaphore_mem>>) src(%dma_wait3A_1426 : memref<200x128xf32, #tpu.memory_space<hbm>>) dst(%dma_wait3A_1424 : memref<200x128xf32, #tpu.memory_space<vmem>>)
    %dma_wait3A_1427 = arith.constant 0 : i32
    %dma_wait3A_1428 = arith.constant 0 : i32
    %dma_wait3A_1429 = arith.constant 0 : i32
    %dma_wait3A_1430 = tpu.memref_slice %arg7[%dma_wait3A_1427, %dma_wait3A_1428, %dma_wait3A_1429] : memref<4x2x100xi32, #tpu.memory_space<vmem>> -> memref<1x2x100xi32, #tpu.memory_space<vmem>>
    %dma_wait3A_1431 = tpu.memref_squeeze %dma_wait3A_1430 : memref<1x2x100xi32, #tpu.memory_space<vmem>> -> memref<2x100xi32, #tpu.memory_space<vmem>>
    %dma_wait3A_1432 = arith.constant 0 : i32
    %dma_wait3A_1433 = arith.constant 0 : i32
    %dma_wait3A_1434 = tpu.memref_slice %arg3[%add3A_1265, %dma_wait3A_1432, %dma_wait3A_1433] : memref<500x2x100xi32, #tpu.memory_space<hbm>> -> memref<1x2x100xi32, #tpu.memory_space<hbm>>
    %dma_wait3A_1435 = tpu.memref_squeeze %dma_wait3A_1434 : memref<1x2x100xi32, #tpu.memory_space<hbm>> -> memref<2x100xi32, #tpu.memory_space<hbm>>
    %dma_wait3A_1436 = arith.constant 0 : i32
    %dma_wait3A_1437 = arith.constant 0 : i32
    %dma_wait3A_1438 = tpu.memref_slice %arg7[%dma_wait3A_1427, %dma_wait3A_1436, %dma_wait3A_1437] : memref<4x2x100xi32, #tpu.memory_space<vmem>> -> memref<1x2x100xi32, #tpu.memory_space<vmem>>
    %dma_wait3A_1439 = tpu.memref_squeeze %dma_wait3A_1438 : memref<1x2x100xi32, #tpu.memory_space<vmem>> -> memref<2x100xi32, #tpu.memory_space<vmem>>
    %dma_wait3A_1440 = arith.constant 0 : i32
    %dma_wait3A_1441 = arith.constant 0 : i32
    %dma_wait3A_1442 = tpu.memref_slice %arg3[%add3A_1265, %dma_wait3A_1440, %dma_wait3A_1441] : memref<500x2x100xi32, #tpu.memory_space<hbm>> -> memref<1x2x100xi32, #tpu.memory_space<hbm>>
    %dma_wait3A_1443 = tpu.memref_squeeze %dma_wait3A_1442 : memref<1x2x100xi32, #tpu.memory_space<hbm>> -> memref<2x100xi32, #tpu.memory_space<hbm>>
    tpu.wait_dma2 semaphore(%arg13 : memref<!tpu.dma_semaphore, #tpu.memory_space<semaphore_mem>>) src(%dma_wait3A_1443 : memref<2x100xi32, #tpu.memory_space<hbm>>) dst(%dma_wait3A_1439 : memref<2x100xi32, #tpu.memory_space<vmem>>)
    %dma_start3A_1444 = arith.constant 0 : i32
    %dma_start3A_1445 = arith.constant 0 : i32
    %dma_start3A_1446 = arith.constant 0 : i32
    %dma_start3A_1447 = arith.constant 0 : i32
    %dma_start3A_1448 = arith.constant 0 : i32
    %dma_start3A_1449 = tpu.memref_slice %arg5[%dma_start3A_1444, %dma_start3A_1447, %dma_start3A_1448] : memref<4x200x128xf32, #tpu.memory_space<vmem>> -> memref<1x100x128xf32, #tpu.memory_space<vmem>>
    %dma_start3A_1450 = tpu.memref_squeeze %dma_start3A_1449 : memref<1x100x128xf32, #tpu.memory_space<vmem>> -> memref<100x128xf32, #tpu.memory_space<vmem>>
    %dma_start3A_1451 = arith.constant 0 : i32
    %dma_start3A_1452 = tpu.memref_slice %arg7[%dma_start3A_1445, %dma_start3A_1446, %dma_start3A_1451] : memref<4x2x100xi32, #tpu.memory_space<vmem>> -> memref<1x1x100xi32, #tpu.memory_space<vmem>>
    %dma_start3A_1453 = tpu.memref_squeeze %dma_start3A_1452 : memref<1x1x100xi32, #tpu.memory_space<vmem>> -> memref<100xi32, #tpu.memory_space<vmem>>
    %dma_start3A_1454 = arith.constant 0 : i32
    %dma_start3A_1455 = arith.constant 0 : i32
    %dma_start3A_1456 = tpu.memref_slice %arg8[%dma_start3A_1454, %dma_start3A_1455] : memref<512x128xf32, #tpu.memory_space<vmem_shared>> -> memref<512x128xf32, #tpu.memory_space<vmem_shared>>
    tpu.enqueue_indirect_dma source(%dma_start3A_1450 : memref<100x128xf32, #tpu.memory_space<vmem>>) target(%dma_start3A_1456 : memref<512x128xf32, #tpu.memory_space<vmem_shared>>) offsets(%dma_start3A_1453 : memref<100xi32, #tpu.memory_space<vmem>>) semaphore(%arg17 : memref<!tpu.dma_semaphore, #tpu.memory_space<semaphore_mem>>) {add = true}
    %dma_start3A_1457 = arith.constant 0 : i32
    %dma_start3A_1458 = arith.constant 0 : i32
    %dma_start3A_1459 = arith.constant 1 : i32
    %dma_start3A_1460 = arith.constant 100 : i32
    %dma_start3A_1461 = arith.constant 0 : i32
    %dma_start3A_1462 = tpu.memref_slice %arg5[%dma_start3A_1457, %dma_start3A_1460, %dma_start3A_1461] : memref<4x200x128xf32, #tpu.memory_space<vmem>> -> memref<1x100x128xf32, #tpu.memory_space<vmem>>
    %dma_start3A_1463 = tpu.memref_squeeze %dma_start3A_1462 : memref<1x100x128xf32, #tpu.memory_space<vmem>> -> memref<100x128xf32, #tpu.memory_space<vmem>>
    %dma_start3A_1464 = arith.constant 0 : i32
    %dma_start3A_1465 = tpu.memref_slice %arg7[%dma_start3A_1458, %dma_start3A_1459, %dma_start3A_1464] : memref<4x2x100xi32, #tpu.memory_space<vmem>> -> memref<1x1x100xi32, #tpu.memory_space<vmem>>
    %dma_start3A_1466 = tpu.memref_squeeze %dma_start3A_1465 : memref<1x1x100xi32, #tpu.memory_space<vmem>> -> memref<100xi32, #tpu.memory_space<vmem>>
    %dma_start3A_1467 = arith.constant 0 : i32
    %dma_start3A_1468 = arith.constant 0 : i32
    %dma_start3A_1469 = tpu.memref_slice %arg8[%dma_start3A_1467, %dma_start3A_1468] : memref<512x128xf32, #tpu.memory_space<vmem_shared>> -> memref<512x128xf32, #tpu.memory_space<vmem_shared>>
    tpu.enqueue_indirect_dma source(%dma_start3A_1463 : memref<100x128xf32, #tpu.memory_space<vmem>>) target(%dma_start3A_1469 : memref<512x128xf32, #tpu.memory_space<vmem_shared>>) offsets(%dma_start3A_1466 : memref<100xi32, #tpu.memory_space<vmem>>) semaphore(%arg17 : memref<!tpu.dma_semaphore, #tpu.memory_space<semaphore_mem>>) {add = true}
    %dma_wait3A_1470 = arith.constant 2 : i32
    %dma_wait3A_1471 = arith.constant 2 : i32
    %dma_wait3A_1472 = arith.constant 0 : i32
    %dma_wait3A_1473 = arith.constant 0 : i32
    %dma_wait3A_1474 = arith.constant 0 : i32
    %dma_wait3A_1475 = tpu.memref_slice %arg5[%dma_wait3A_1470, %dma_wait3A_1473, %dma_wait3A_1474] : memref<4x200x128xf32, #tpu.memory_space<vmem>> -> memref<1x100x128xf32, #tpu.memory_space<vmem>>
    %dma_wait3A_1476 = tpu.memref_squeeze %dma_wait3A_1475 : memref<1x100x128xf32, #tpu.memory_space<vmem>> -> memref<100x128xf32, #tpu.memory_space<vmem>>
    %dma_wait3A_1477 = arith.constant 0 : i32
    %dma_wait3A_1478 = tpu.memref_slice %arg7[%dma_wait3A_1471, %dma_wait3A_1472, %dma_wait3A_1477] : memref<4x2x100xi32, #tpu.memory_space<vmem>> -> memref<1x1x100xi32, #tpu.memory_space<vmem>>
    %dma_wait3A_1479 = tpu.memref_squeeze %dma_wait3A_1478 : memref<1x1x100xi32, #tpu.memory_space<vmem>> -> memref<100xi32, #tpu.memory_space<vmem>>
    %dma_wait3A_1480 = arith.constant 0 : i32
    %dma_wait3A_1481 = arith.constant 0 : i32
    %dma_wait3A_1482 = tpu.memref_slice %arg8[%dma_wait3A_1480, %dma_wait3A_1481] : memref<512x128xf32, #tpu.memory_space<vmem_shared>> -> memref<512x128xf32, #tpu.memory_space<vmem_shared>>
    tpu.wait_indirect_dma semaphore(%arg19 : memref<!tpu.dma_semaphore, #tpu.memory_space<semaphore_mem>>) src(%dma_wait3A_1476 : memref<100x128xf32, #tpu.memory_space<vmem>>) dst(%dma_wait3A_1482 : memref<512x128xf32, #tpu.memory_space<vmem_shared>>)
    %dma_wait3A_1483 = arith.constant 2 : i32
    %dma_wait3A_1484 = arith.constant 2 : i32
    %dma_wait3A_1485 = arith.constant 1 : i32
    %dma_wait3A_1486 = arith.constant 100 : i32
    %dma_wait3A_1487 = arith.constant 0 : i32
    %dma_wait3A_1488 = tpu.memref_slice %arg5[%dma_wait3A_1483, %dma_wait3A_1486, %dma_wait3A_1487] : memref<4x200x128xf32, #tpu.memory_space<vmem>> -> memref<1x100x128xf32, #tpu.memory_space<vmem>>
    %dma_wait3A_1489 = tpu.memref_squeeze %dma_wait3A_1488 : memref<1x100x128xf32, #tpu.memory_space<vmem>> -> memref<100x128xf32, #tpu.memory_space<vmem>>
    %dma_wait3A_1490 = arith.constant 0 : i32
    %dma_wait3A_1491 = tpu.memref_slice %arg7[%dma_wait3A_1484, %dma_wait3A_1485, %dma_wait3A_1490] : memref<4x2x100xi32, #tpu.memory_space<vmem>> -> memref<1x1x100xi32, #tpu.memory_space<vmem>>
    %dma_wait3A_1492 = tpu.memref_squeeze %dma_wait3A_1491 : memref<1x1x100xi32, #tpu.memory_space<vmem>> -> memref<100xi32, #tpu.memory_space<vmem>>
    %dma_wait3A_1493 = arith.constant 0 : i32
    %dma_wait3A_1494 = arith.constant 0 : i32
    %dma_wait3A_1495 = tpu.memref_slice %arg8[%dma_wait3A_1493, %dma_wait3A_1494] : memref<512x128xf32, #tpu.memory_space<vmem_shared>> -> memref<512x128xf32, #tpu.memory_space<vmem_shared>>
    tpu.wait_indirect_dma semaphore(%arg19 : memref<!tpu.dma_semaphore, #tpu.memory_space<semaphore_mem>>) src(%dma_wait3A_1489 : memref<100x128xf32, #tpu.memory_space<vmem>>) dst(%dma_wait3A_1495 : memref<512x128xf32, #tpu.memory_space<vmem_shared>>)
    %add3A_1496 = arith.constant 448 : i32
    %add3A_1497 = arith.addi %add3A, %add3A_1496 : i32
    %mul3A_1498 = arith.constant 200 : i32
    %mul3A_1499 = arith.muli %add3A_1497, %mul3A_1498 : i32
    %dma_start3A_1500 = arith.constant 2 : i32
    %dma_start3A_1501 = arith.constant 0 : i32
    %dma_start3A_1502 = arith.constant 0 : i32
    %dma_start3A_1503 = tpu.memref_slice %arg5[%dma_start3A_1500, %dma_start3A_1501, %dma_start3A_1502] : memref<4x200x128xf32, #tpu.memory_space<vmem>> -> memref<1x200x128xf32, #tpu.memory_space<vmem>>
    %dma_start3A_1504 = tpu.memref_squeeze %dma_start3A_1503 : memref<1x200x128xf32, #tpu.memory_space<vmem>> -> memref<200x128xf32, #tpu.memory_space<vmem>>
    %dma_start3A_1505 = arith.constant 0 : i32
    %dma_start3A_1506 = tpu.memref_slice %arg2[%mul3A_1499, %dma_start3A_1505] : memref<100000x128xf32, #tpu.memory_space<hbm>> -> memref<200x128xf32, #tpu.memory_space<hbm>>
    %dma_start3A_1507 = arith.constant 0 : i32
    %dma_start3A_1508 = arith.constant 0 : i32
    %dma_start3A_1509 = tpu.memref_slice %arg5[%dma_start3A_1500, %dma_start3A_1507, %dma_start3A_1508] : memref<4x200x128xf32, #tpu.memory_space<vmem>> -> memref<1x200x128xf32, #tpu.memory_space<vmem>>
    %dma_start3A_1510 = tpu.memref_squeeze %dma_start3A_1509 : memref<1x200x128xf32, #tpu.memory_space<vmem>> -> memref<200x128xf32, #tpu.memory_space<vmem>>
    %dma_start3A_1511 = arith.constant 0 : i32
    %dma_start3A_1512 = tpu.memref_slice %arg2[%mul3A_1499, %dma_start3A_1511] : memref<100000x128xf32, #tpu.memory_space<hbm>> -> memref<200x128xf32, #tpu.memory_space<hbm>>
    tpu.enqueue_dma source(%dma_start3A_1512 : memref<200x128xf32, #tpu.memory_space<hbm>>) target(%dma_start3A_1510 : memref<200x128xf32, #tpu.memory_space<vmem>>) target_semaphore(%arg11 : memref<!tpu.dma_semaphore, #tpu.memory_space<semaphore_mem>>)
    %dma_start3A_1513 = arith.constant 2 : i32
    %dma_start3A_1514 = arith.constant 0 : i32
    %dma_start3A_1515 = arith.constant 0 : i32
    %dma_start3A_1516 = tpu.memref_slice %arg7[%dma_start3A_1513, %dma_start3A_1514, %dma_start3A_1515] : memref<4x2x100xi32, #tpu.memory_space<vmem>> -> memref<1x2x100xi32, #tpu.memory_space<vmem>>
    %dma_start3A_1517 = tpu.memref_squeeze %dma_start3A_1516 : memref<1x2x100xi32, #tpu.memory_space<vmem>> -> memref<2x100xi32, #tpu.memory_space<vmem>>
    %dma_start3A_1518 = arith.constant 0 : i32
    %dma_start3A_1519 = arith.constant 0 : i32
    %dma_start3A_1520 = tpu.memref_slice %arg3[%add3A_1497, %dma_start3A_1518, %dma_start3A_1519] : memref<500x2x100xi32, #tpu.memory_space<hbm>> -> memref<1x2x100xi32, #tpu.memory_space<hbm>>
    %dma_start3A_1521 = tpu.memref_squeeze %dma_start3A_1520 : memref<1x2x100xi32, #tpu.memory_space<hbm>> -> memref<2x100xi32, #tpu.memory_space<hbm>>
    %dma_start3A_1522 = arith.constant 0 : i32
    %dma_start3A_1523 = arith.constant 0 : i32
    %dma_start3A_1524 = tpu.memref_slice %arg7[%dma_start3A_1513, %dma_start3A_1522, %dma_start3A_1523] : memref<4x2x100xi32, #tpu.memory_space<vmem>> -> memref<1x2x100xi32, #tpu.memory_space<vmem>>
    %dma_start3A_1525 = tpu.memref_squeeze %dma_start3A_1524 : memref<1x2x100xi32, #tpu.memory_space<vmem>> -> memref<2x100xi32, #tpu.memory_space<vmem>>
    %dma_start3A_1526 = arith.constant 0 : i32
    %dma_start3A_1527 = arith.constant 0 : i32
    %dma_start3A_1528 = tpu.memref_slice %arg3[%add3A_1497, %dma_start3A_1526, %dma_start3A_1527] : memref<500x2x100xi32, #tpu.memory_space<hbm>> -> memref<1x2x100xi32, #tpu.memory_space<hbm>>
    %dma_start3A_1529 = tpu.memref_squeeze %dma_start3A_1528 : memref<1x2x100xi32, #tpu.memory_space<hbm>> -> memref<2x100xi32, #tpu.memory_space<hbm>>
    tpu.enqueue_dma source(%dma_start3A_1529 : memref<2x100xi32, #tpu.memory_space<hbm>>) target(%dma_start3A_1525 : memref<2x100xi32, #tpu.memory_space<vmem>>) target_semaphore(%arg15 : memref<!tpu.dma_semaphore, #tpu.memory_space<semaphore_mem>>)
    %dma_wait3A_1530 = arith.constant 1 : i32
    %dma_wait3A_1531 = arith.constant 0 : i32
    %dma_wait3A_1532 = arith.constant 0 : i32
    %dma_wait3A_1533 = tpu.memref_slice %arg5[%dma_wait3A_1530, %dma_wait3A_1531, %dma_wait3A_1532] : memref<4x200x128xf32, #tpu.memory_space<vmem>> -> memref<1x200x128xf32, #tpu.memory_space<vmem>>
    %dma_wait3A_1534 = tpu.memref_squeeze %dma_wait3A_1533 : memref<1x200x128xf32, #tpu.memory_space<vmem>> -> memref<200x128xf32, #tpu.memory_space<vmem>>
    %dma_wait3A_1535 = arith.constant 0 : i32
    %dma_wait3A_1536 = tpu.memref_slice %arg2[%mul3A_1383, %dma_wait3A_1535] : memref<100000x128xf32, #tpu.memory_space<hbm>> -> memref<200x128xf32, #tpu.memory_space<hbm>>
    %dma_wait3A_1537 = arith.constant 0 : i32
    %dma_wait3A_1538 = arith.constant 0 : i32
    %dma_wait3A_1539 = tpu.memref_slice %arg5[%dma_wait3A_1530, %dma_wait3A_1537, %dma_wait3A_1538] : memref<4x200x128xf32, #tpu.memory_space<vmem>> -> memref<1x200x128xf32, #tpu.memory_space<vmem>>
    %dma_wait3A_1540 = tpu.memref_squeeze %dma_wait3A_1539 : memref<1x200x128xf32, #tpu.memory_space<vmem>> -> memref<200x128xf32, #tpu.memory_space<vmem>>
    %dma_wait3A_1541 = arith.constant 0 : i32
    %dma_wait3A_1542 = tpu.memref_slice %arg2[%mul3A_1383, %dma_wait3A_1541] : memref<100000x128xf32, #tpu.memory_space<hbm>> -> memref<200x128xf32, #tpu.memory_space<hbm>>
    tpu.wait_dma2 semaphore(%arg10 : memref<!tpu.dma_semaphore, #tpu.memory_space<semaphore_mem>>) src(%dma_wait3A_1542 : memref<200x128xf32, #tpu.memory_space<hbm>>) dst(%dma_wait3A_1540 : memref<200x128xf32, #tpu.memory_space<vmem>>)
    %dma_wait3A_1543 = arith.constant 1 : i32
    %dma_wait3A_1544 = arith.constant 0 : i32
    %dma_wait3A_1545 = arith.constant 0 : i32
    %dma_wait3A_1546 = tpu.memref_slice %arg7[%dma_wait3A_1543, %dma_wait3A_1544, %dma_wait3A_1545] : memref<4x2x100xi32, #tpu.memory_space<vmem>> -> memref<1x2x100xi32, #tpu.memory_space<vmem>>
    %dma_wait3A_1547 = tpu.memref_squeeze %dma_wait3A_1546 : memref<1x2x100xi32, #tpu.memory_space<vmem>> -> memref<2x100xi32, #tpu.memory_space<vmem>>
    %dma_wait3A_1548 = arith.constant 0 : i32
    %dma_wait3A_1549 = arith.constant 0 : i32
    %dma_wait3A_1550 = tpu.memref_slice %arg3[%add3A_1381, %dma_wait3A_1548, %dma_wait3A_1549] : memref<500x2x100xi32, #tpu.memory_space<hbm>> -> memref<1x2x100xi32, #tpu.memory_space<hbm>>
    %dma_wait3A_1551 = tpu.memref_squeeze %dma_wait3A_1550 : memref<1x2x100xi32, #tpu.memory_space<hbm>> -> memref<2x100xi32, #tpu.memory_space<hbm>>
    %dma_wait3A_1552 = arith.constant 0 : i32
    %dma_wait3A_1553 = arith.constant 0 : i32
    %dma_wait3A_1554 = tpu.memref_slice %arg7[%dma_wait3A_1543, %dma_wait3A_1552, %dma_wait3A_1553] : memref<4x2x100xi32, #tpu.memory_space<vmem>> -> memref<1x2x100xi32, #tpu.memory_space<vmem>>
    %dma_wait3A_1555 = tpu.memref_squeeze %dma_wait3A_1554 : memref<1x2x100xi32, #tpu.memory_space<vmem>> -> memref<2x100xi32, #tpu.memory_space<vmem>>
    %dma_wait3A_1556 = arith.constant 0 : i32
    %dma_wait3A_1557 = arith.constant 0 : i32
    %dma_wait3A_1558 = tpu.memref_slice %arg3[%add3A_1381, %dma_wait3A_1556, %dma_wait3A_1557] : memref<500x2x100xi32, #tpu.memory_space<hbm>> -> memref<1x2x100xi32, #tpu.memory_space<hbm>>
    %dma_wait3A_1559 = tpu.memref_squeeze %dma_wait3A_1558 : memref<1x2x100xi32, #tpu.memory_space<hbm>> -> memref<2x100xi32, #tpu.memory_space<hbm>>
    tpu.wait_dma2 semaphore(%arg14 : memref<!tpu.dma_semaphore, #tpu.memory_space<semaphore_mem>>) src(%dma_wait3A_1559 : memref<2x100xi32, #tpu.memory_space<hbm>>) dst(%dma_wait3A_1555 : memref<2x100xi32, #tpu.memory_space<vmem>>)
    %dma_start3A_1560 = arith.constant 1 : i32
    %dma_start3A_1561 = arith.constant 1 : i32
    %dma_start3A_1562 = arith.constant 0 : i32
    %dma_start3A_1563 = arith.constant 0 : i32
    %dma_start3A_1564 = arith.constant 0 : i32
    %dma_start3A_1565 = tpu.memref_slice %arg5[%dma_start3A_1560, %dma_start3A_1563, %dma_start3A_1564] : memref<4x200x128xf32, #tpu.memory_space<vmem>> -> memref<1x100x128xf32, #tpu.memory_space<vmem>>
    %dma_start3A_1566 = tpu.memref_squeeze %dma_start3A_1565 : memref<1x100x128xf32, #tpu.memory_space<vmem>> -> memref<100x128xf32, #tpu.memory_space<vmem>>
    %dma_start3A_1567 = arith.constant 0 : i32
    %dma_start3A_1568 = tpu.memref_slice %arg7[%dma_start3A_1561, %dma_start3A_1562, %dma_start3A_1567] : memref<4x2x100xi32, #tpu.memory_space<vmem>> -> memref<1x1x100xi32, #tpu.memory_space<vmem>>
    %dma_start3A_1569 = tpu.memref_squeeze %dma_start3A_1568 : memref<1x1x100xi32, #tpu.memory_space<vmem>> -> memref<100xi32, #tpu.memory_space<vmem>>
    %dma_start3A_1570 = arith.constant 0 : i32
    %dma_start3A_1571 = arith.constant 0 : i32
    %dma_start3A_1572 = tpu.memref_slice %arg8[%dma_start3A_1570, %dma_start3A_1571] : memref<512x128xf32, #tpu.memory_space<vmem_shared>> -> memref<512x128xf32, #tpu.memory_space<vmem_shared>>
    tpu.enqueue_indirect_dma source(%dma_start3A_1566 : memref<100x128xf32, #tpu.memory_space<vmem>>) target(%dma_start3A_1572 : memref<512x128xf32, #tpu.memory_space<vmem_shared>>) offsets(%dma_start3A_1569 : memref<100xi32, #tpu.memory_space<vmem>>) semaphore(%arg18 : memref<!tpu.dma_semaphore, #tpu.memory_space<semaphore_mem>>) {add = true}
    %dma_start3A_1573 = arith.constant 1 : i32
    %dma_start3A_1574 = arith.constant 1 : i32
    %dma_start3A_1575 = arith.constant 1 : i32
    %dma_start3A_1576 = arith.constant 100 : i32
    %dma_start3A_1577 = arith.constant 0 : i32
    %dma_start3A_1578 = tpu.memref_slice %arg5[%dma_start3A_1573, %dma_start3A_1576, %dma_start3A_1577] : memref<4x200x128xf32, #tpu.memory_space<vmem>> -> memref<1x100x128xf32, #tpu.memory_space<vmem>>
    %dma_start3A_1579 = tpu.memref_squeeze %dma_start3A_1578 : memref<1x100x128xf32, #tpu.memory_space<vmem>> -> memref<100x128xf32, #tpu.memory_space<vmem>>
    %dma_start3A_1580 = arith.constant 0 : i32
    %dma_start3A_1581 = tpu.memref_slice %arg7[%dma_start3A_1574, %dma_start3A_1575, %dma_start3A_1580] : memref<4x2x100xi32, #tpu.memory_space<vmem>> -> memref<1x1x100xi32, #tpu.memory_space<vmem>>
    %dma_start3A_1582 = tpu.memref_squeeze %dma_start3A_1581 : memref<1x1x100xi32, #tpu.memory_space<vmem>> -> memref<100xi32, #tpu.memory_space<vmem>>
    %dma_start3A_1583 = arith.constant 0 : i32
    %dma_start3A_1584 = arith.constant 0 : i32
    %dma_start3A_1585 = tpu.memref_slice %arg8[%dma_start3A_1583, %dma_start3A_1584] : memref<512x128xf32, #tpu.memory_space<vmem_shared>> -> memref<512x128xf32, #tpu.memory_space<vmem_shared>>
    tpu.enqueue_indirect_dma source(%dma_start3A_1579 : memref<100x128xf32, #tpu.memory_space<vmem>>) target(%dma_start3A_1585 : memref<512x128xf32, #tpu.memory_space<vmem_shared>>) offsets(%dma_start3A_1582 : memref<100xi32, #tpu.memory_space<vmem>>) semaphore(%arg18 : memref<!tpu.dma_semaphore, #tpu.memory_space<semaphore_mem>>) {add = true}
    %dma_wait3A_1586 = arith.constant 2 : i32
    %dma_wait3A_1587 = arith.constant 0 : i32
    %dma_wait3A_1588 = arith.constant 0 : i32
    %dma_wait3A_1589 = tpu.memref_slice %arg5[%dma_wait3A_1586, %dma_wait3A_1587, %dma_wait3A_1588] : memref<4x200x128xf32, #tpu.memory_space<vmem>> -> memref<1x200x128xf32, #tpu.memory_space<vmem>>
    %dma_wait3A_1590 = tpu.memref_squeeze %dma_wait3A_1589 : memref<1x200x128xf32, #tpu.memory_space<vmem>> -> memref<200x128xf32, #tpu.memory_space<vmem>>
    %dma_wait3A_1591 = arith.constant 0 : i32
    %dma_wait3A_1592 = tpu.memref_slice %arg2[%mul3A_1499, %dma_wait3A_1591] : memref<100000x128xf32, #tpu.memory_space<hbm>> -> memref<200x128xf32, #tpu.memory_space<hbm>>
    %dma_wait3A_1593 = arith.constant 0 : i32
    %dma_wait3A_1594 = arith.constant 0 : i32
    %dma_wait3A_1595 = tpu.memref_slice %arg5[%dma_wait3A_1586, %dma_wait3A_1593, %dma_wait3A_1594] : memref<4x200x128xf32, #tpu.memory_space<vmem>> -> memref<1x200x128xf32, #tpu.memory_space<vmem>>
    %dma_wait3A_1596 = tpu.memref_squeeze %dma_wait3A_1595 : memref<1x200x128xf32, #tpu.memory_space<vmem>> -> memref<200x128xf32, #tpu.memory_space<vmem>>
    %dma_wait3A_1597 = arith.constant 0 : i32
    %dma_wait3A_1598 = tpu.memref_slice %arg2[%mul3A_1499, %dma_wait3A_1597] : memref<100000x128xf32, #tpu.memory_space<hbm>> -> memref<200x128xf32, #tpu.memory_space<hbm>>
    tpu.wait_dma2 semaphore(%arg11 : memref<!tpu.dma_semaphore, #tpu.memory_space<semaphore_mem>>) src(%dma_wait3A_1598 : memref<200x128xf32, #tpu.memory_space<hbm>>) dst(%dma_wait3A_1596 : memref<200x128xf32, #tpu.memory_space<vmem>>)
    %dma_wait3A_1599 = arith.constant 2 : i32
    %dma_wait3A_1600 = arith.constant 0 : i32
    %dma_wait3A_1601 = arith.constant 0 : i32
    %dma_wait3A_1602 = tpu.memref_slice %arg7[%dma_wait3A_1599, %dma_wait3A_1600, %dma_wait3A_1601] : memref<4x2x100xi32, #tpu.memory_space<vmem>> -> memref<1x2x100xi32, #tpu.memory_space<vmem>>
    %dma_wait3A_1603 = tpu.memref_squeeze %dma_wait3A_1602 : memref<1x2x100xi32, #tpu.memory_space<vmem>> -> memref<2x100xi32, #tpu.memory_space<vmem>>
    %dma_wait3A_1604 = arith.constant 0 : i32
    %dma_wait3A_1605 = arith.constant 0 : i32
    %dma_wait3A_1606 = tpu.memref_slice %arg3[%add3A_1497, %dma_wait3A_1604, %dma_wait3A_1605] : memref<500x2x100xi32, #tpu.memory_space<hbm>> -> memref<1x2x100xi32, #tpu.memory_space<hbm>>
    %dma_wait3A_1607 = tpu.memref_squeeze %dma_wait3A_1606 : memref<1x2x100xi32, #tpu.memory_space<hbm>> -> memref<2x100xi32, #tpu.memory_space<hbm>>
    %dma_wait3A_1608 = arith.constant 0 : i32
    %dma_wait3A_1609 = arith.constant 0 : i32
    %dma_wait3A_1610 = tpu.memref_slice %arg7[%dma_wait3A_1599, %dma_wait3A_1608, %dma_wait3A_1609] : memref<4x2x100xi32, #tpu.memory_space<vmem>> -> memref<1x2x100xi32, #tpu.memory_space<vmem>>
    %dma_wait3A_1611 = tpu.memref_squeeze %dma_wait3A_1610 : memref<1x2x100xi32, #tpu.memory_space<vmem>> -> memref<2x100xi32, #tpu.memory_space<vmem>>
    %dma_wait3A_1612 = arith.constant 0 : i32
    %dma_wait3A_1613 = arith.constant 0 : i32
    %dma_wait3A_1614 = tpu.memref_slice %arg3[%add3A_1497, %dma_wait3A_1612, %dma_wait3A_1613] : memref<500x2x100xi32, #tpu.memory_space<hbm>> -> memref<1x2x100xi32, #tpu.memory_space<hbm>>
    %dma_wait3A_1615 = tpu.memref_squeeze %dma_wait3A_1614 : memref<1x2x100xi32, #tpu.memory_space<hbm>> -> memref<2x100xi32, #tpu.memory_space<hbm>>
    tpu.wait_dma2 semaphore(%arg15 : memref<!tpu.dma_semaphore, #tpu.memory_space<semaphore_mem>>) src(%dma_wait3A_1615 : memref<2x100xi32, #tpu.memory_space<hbm>>) dst(%dma_wait3A_1611 : memref<2x100xi32, #tpu.memory_space<vmem>>)
    %dma_start3A_1616 = arith.constant 2 : i32
    %dma_start3A_1617 = arith.constant 2 : i32
    %dma_start3A_1618 = arith.constant 0 : i32
    %dma_start3A_1619 = arith.constant 0 : i32
    %dma_start3A_1620 = arith.constant 0 : i32
    %dma_start3A_1621 = tpu.memref_slice %arg5[%dma_start3A_1616, %dma_start3A_1619, %dma_start3A_1620] : memref<4x200x128xf32, #tpu.memory_space<vmem>> -> memref<1x100x128xf32, #tpu.memory_space<vmem>>
    %dma_start3A_1622 = tpu.memref_squeeze %dma_start3A_1621 : memref<1x100x128xf32, #tpu.memory_space<vmem>> -> memref<100x128xf32, #tpu.memory_space<vmem>>
    %dma_start3A_1623 = arith.constant 0 : i32
    %dma_start3A_1624 = tpu.memref_slice %arg7[%dma_start3A_1617, %dma_start3A_1618, %dma_start3A_1623] : memref<4x2x100xi32, #tpu.memory_space<vmem>> -> memref<1x1x100xi32, #tpu.memory_space<vmem>>
    %dma_start3A_1625 = tpu.memref_squeeze %dma_start3A_1624 : memref<1x1x100xi32, #tpu.memory_space<vmem>> -> memref<100xi32, #tpu.memory_space<vmem>>
    %dma_start3A_1626 = arith.constant 0 : i32
    %dma_start3A_1627 = arith.constant 0 : i32
    %dma_start3A_1628 = tpu.memref_slice %arg8[%dma_start3A_1626, %dma_start3A_1627] : memref<512x128xf32, #tpu.memory_space<vmem_shared>> -> memref<512x128xf32, #tpu.memory_space<vmem_shared>>
    tpu.enqueue_indirect_dma source(%dma_start3A_1622 : memref<100x128xf32, #tpu.memory_space<vmem>>) target(%dma_start3A_1628 : memref<512x128xf32, #tpu.memory_space<vmem_shared>>) offsets(%dma_start3A_1625 : memref<100xi32, #tpu.memory_space<vmem>>) semaphore(%arg19 : memref<!tpu.dma_semaphore, #tpu.memory_space<semaphore_mem>>) {add = true}
    %dma_start3A_1629 = arith.constant 2 : i32
    %dma_start3A_1630 = arith.constant 2 : i32
    %dma_start3A_1631 = arith.constant 1 : i32
    %dma_start3A_1632 = arith.constant 100 : i32
    %dma_start3A_1633 = arith.constant 0 : i32
    %dma_start3A_1634 = tpu.memref_slice %arg5[%dma_start3A_1629, %dma_start3A_1632, %dma_start3A_1633] : memref<4x200x128xf32, #tpu.memory_space<vmem>> -> memref<1x100x128xf32, #tpu.memory_space<vmem>>
    %dma_start3A_1635 = tpu.memref_squeeze %dma_start3A_1634 : memref<1x100x128xf32, #tpu.memory_space<vmem>> -> memref<100x128xf32, #tpu.memory_space<vmem>>
    %dma_start3A_1636 = arith.constant 0 : i32
    %dma_start3A_1637 = tpu.memref_slice %arg7[%dma_start3A_1630, %dma_start3A_1631, %dma_start3A_1636] : memref<4x2x100xi32, #tpu.memory_space<vmem>> -> memref<1x1x100xi32, #tpu.memory_space<vmem>>
    %dma_start3A_1638 = tpu.memref_squeeze %dma_start3A_1637 : memref<1x1x100xi32, #tpu.memory_space<vmem>> -> memref<100xi32, #tpu.memory_space<vmem>>
    %dma_start3A_1639 = arith.constant 0 : i32
    %dma_start3A_1640 = arith.constant 0 : i32
    %dma_start3A_1641 = tpu.memref_slice %arg8[%dma_start3A_1639, %dma_start3A_1640] : memref<512x128xf32, #tpu.memory_space<vmem_shared>> -> memref<512x128xf32, #tpu.memory_space<vmem_shared>>
    tpu.enqueue_indirect_dma source(%dma_start3A_1635 : memref<100x128xf32, #tpu.memory_space<vmem>>) target(%dma_start3A_1641 : memref<512x128xf32, #tpu.memory_space<vmem_shared>>) offsets(%dma_start3A_1638 : memref<100xi32, #tpu.memory_space<vmem>>) semaphore(%arg19 : memref<!tpu.dma_semaphore, #tpu.memory_space<semaphore_mem>>) {add = true}
    %dma_wait3A_1642 = arith.constant 0 : i32
    %dma_wait3A_1643 = arith.constant 0 : i32
    %dma_wait3A_1644 = arith.constant 0 : i32
    %dma_wait3A_1645 = arith.constant 0 : i32
    %dma_wait3A_1646 = arith.constant 0 : i32
    %dma_wait3A_1647 = tpu.memref_slice %arg5[%dma_wait3A_1642, %dma_wait3A_1645, %dma_wait3A_1646] : memref<4x200x128xf32, #tpu.memory_space<vmem>> -> memref<1x100x128xf32, #tpu.memory_space<vmem>>
    %dma_wait3A_1648 = tpu.memref_squeeze %dma_wait3A_1647 : memref<1x100x128xf32, #tpu.memory_space<vmem>> -> memref<100x128xf32, #tpu.memory_space<vmem>>
    %dma_wait3A_1649 = arith.constant 0 : i32
    %dma_wait3A_1650 = tpu.memref_slice %arg7[%dma_wait3A_1643, %dma_wait3A_1644, %dma_wait3A_1649] : memref<4x2x100xi32, #tpu.memory_space<vmem>> -> memref<1x1x100xi32, #tpu.memory_space<vmem>>
    %dma_wait3A_1651 = tpu.memref_squeeze %dma_wait3A_1650 : memref<1x1x100xi32, #tpu.memory_space<vmem>> -> memref<100xi32, #tpu.memory_space<vmem>>
    %dma_wait3A_1652 = arith.constant 0 : i32
    %dma_wait3A_1653 = arith.constant 0 : i32
    %dma_wait3A_1654 = tpu.memref_slice %arg8[%dma_wait3A_1652, %dma_wait3A_1653] : memref<512x128xf32, #tpu.memory_space<vmem_shared>> -> memref<512x128xf32, #tpu.memory_space<vmem_shared>>
    tpu.wait_indirect_dma semaphore(%arg17 : memref<!tpu.dma_semaphore, #tpu.memory_space<semaphore_mem>>) src(%dma_wait3A_1648 : memref<100x128xf32, #tpu.memory_space<vmem>>) dst(%dma_wait3A_1654 : memref<512x128xf32, #tpu.memory_space<vmem_shared>>)
    %dma_wait3A_1655 = arith.constant 0 : i32
    %dma_wait3A_1656 = arith.constant 0 : i32
    %dma_wait3A_1657 = arith.constant 1 : i32
    %dma_wait3A_1658 = arith.constant 100 : i32
    %dma_wait3A_1659 = arith.constant 0 : i32
    %dma_wait3A_1660 = tpu.memref_slice %arg5[%dma_wait3A_1655, %dma_wait3A_1658, %dma_wait3A_1659] : memref<4x200x128xf32, #tpu.memory_space<vmem>> -> memref<1x100x128xf32, #tpu.memory_space<vmem>>
    %dma_wait3A_1661 = tpu.memref_squeeze %dma_wait3A_1660 : memref<1x100x128xf32, #tpu.memory_space<vmem>> -> memref<100x128xf32, #tpu.memory_space<vmem>>
    %dma_wait3A_1662 = arith.constant 0 : i32
    %dma_wait3A_1663 = tpu.memref_slice %arg7[%dma_wait3A_1656, %dma_wait3A_1657, %dma_wait3A_1662] : memref<4x2x100xi32, #tpu.memory_space<vmem>> -> memref<1x1x100xi32, #tpu.memory_space<vmem>>
    %dma_wait3A_1664 = tpu.memref_squeeze %dma_wait3A_1663 : memref<1x1x100xi32, #tpu.memory_space<vmem>> -> memref<100xi32, #tpu.memory_space<vmem>>
    %dma_wait3A_1665 = arith.constant 0 : i32
    %dma_wait3A_1666 = arith.constant 0 : i32
    %dma_wait3A_1667 = tpu.memref_slice %arg8[%dma_wait3A_1665, %dma_wait3A_1666] : memref<512x128xf32, #tpu.memory_space<vmem_shared>> -> memref<512x128xf32, #tpu.memory_space<vmem_shared>>
    tpu.wait_indirect_dma semaphore(%arg17 : memref<!tpu.dma_semaphore, #tpu.memory_space<semaphore_mem>>) src(%dma_wait3A_1661 : memref<100x128xf32, #tpu.memory_space<vmem>>) dst(%dma_wait3A_1667 : memref<512x128xf32, #tpu.memory_space<vmem_shared>>)
    %dma_wait3A_1668 = arith.constant 1 : i32
    %dma_wait3A_1669 = arith.constant 1 : i32
    %dma_wait3A_1670 = arith.constant 0 : i32
    %dma_wait3A_1671 = arith.constant 0 : i32
    %dma_wait3A_1672 = arith.constant 0 : i32
    %dma_wait3A_1673 = tpu.memref_slice %arg5[%dma_wait3A_1668, %dma_wait3A_1671, %dma_wait3A_1672] : memref<4x200x128xf32, #tpu.memory_space<vmem>> -> memref<1x100x128xf32, #tpu.memory_space<vmem>>
    %dma_wait3A_1674 = tpu.memref_squeeze %dma_wait3A_1673 : memref<1x100x128xf32, #tpu.memory_space<vmem>> -> memref<100x128xf32, #tpu.memory_space<vmem>>
    %dma_wait3A_1675 = arith.constant 0 : i32
    %dma_wait3A_1676 = tpu.memref_slice %arg7[%dma_wait3A_1669, %dma_wait3A_1670, %dma_wait3A_1675] : memref<4x2x100xi32, #tpu.memory_space<vmem>> -> memref<1x1x100xi32, #tpu.memory_space<vmem>>
    %dma_wait3A_1677 = tpu.memref_squeeze %dma_wait3A_1676 : memref<1x1x100xi32, #tpu.memory_space<vmem>> -> memref<100xi32, #tpu.memory_space<vmem>>
    %dma_wait3A_1678 = arith.constant 0 : i32
    %dma_wait3A_1679 = arith.constant 0 : i32
    %dma_wait3A_1680 = tpu.memref_slice %arg8[%dma_wait3A_1678, %dma_wait3A_1679] : memref<512x128xf32, #tpu.memory_space<vmem_shared>> -> memref<512x128xf32, #tpu.memory_space<vmem_shared>>
    tpu.wait_indirect_dma semaphore(%arg18 : memref<!tpu.dma_semaphore, #tpu.memory_space<semaphore_mem>>) src(%dma_wait3A_1674 : memref<100x128xf32, #tpu.memory_space<vmem>>) dst(%dma_wait3A_1680 : memref<512x128xf32, #tpu.memory_space<vmem_shared>>)
    %dma_wait3A_1681 = arith.constant 1 : i32
    %dma_wait3A_1682 = arith.constant 1 : i32
    %dma_wait3A_1683 = arith.constant 1 : i32
    %dma_wait3A_1684 = arith.constant 100 : i32
    %dma_wait3A_1685 = arith.constant 0 : i32
    %dma_wait3A_1686 = tpu.memref_slice %arg5[%dma_wait3A_1681, %dma_wait3A_1684, %dma_wait3A_1685] : memref<4x200x128xf32, #tpu.memory_space<vmem>> -> memref<1x100x128xf32, #tpu.memory_space<vmem>>
    %dma_wait3A_1687 = tpu.memref_squeeze %dma_wait3A_1686 : memref<1x100x128xf32, #tpu.memory_space<vmem>> -> memref<100x128xf32, #tpu.memory_space<vmem>>
    %dma_wait3A_1688 = arith.constant 0 : i32
    %dma_wait3A_1689 = tpu.memref_slice %arg7[%dma_wait3A_1682, %dma_wait3A_1683, %dma_wait3A_1688] : memref<4x2x100xi32, #tpu.memory_space<vmem>> -> memref<1x1x100xi32, #tpu.memory_space<vmem>>
    %dma_wait3A_1690 = tpu.memref_squeeze %dma_wait3A_1689 : memref<1x1x100xi32, #tpu.memory_space<vmem>> -> memref<100xi32, #tpu.memory_space<vmem>>
    %dma_wait3A_1691 = arith.constant 0 : i32
    %dma_wait3A_1692 = arith.constant 0 : i32
    %dma_wait3A_1693 = tpu.memref_slice %arg8[%dma_wait3A_1691, %dma_wait3A_1692] : memref<512x128xf32, #tpu.memory_space<vmem_shared>> -> memref<512x128xf32, #tpu.memory_space<vmem_shared>>
    tpu.wait_indirect_dma semaphore(%arg18 : memref<!tpu.dma_semaphore, #tpu.memory_space<semaphore_mem>>) src(%dma_wait3A_1687 : memref<100x128xf32, #tpu.memory_space<vmem>>) dst(%dma_wait3A_1693 : memref<512x128xf32, #tpu.memory_space<vmem_shared>>)
    %dma_wait3A_1694 = arith.constant 2 : i32
    %dma_wait3A_1695 = arith.constant 2 : i32
    %dma_wait3A_1696 = arith.constant 0 : i32
    %dma_wait3A_1697 = arith.constant 0 : i32
    %dma_wait3A_1698 = arith.constant 0 : i32
    %dma_wait3A_1699 = tpu.memref_slice %arg5[%dma_wait3A_1694, %dma_wait3A_1697, %dma_wait3A_1698] : memref<4x200x128xf32, #tpu.memory_space<vmem>> -> memref<1x100x128xf32, #tpu.memory_space<vmem>>
    %dma_wait3A_1700 = tpu.memref_squeeze %dma_wait3A_1699 : memref<1x100x128xf32, #tpu.memory_space<vmem>> -> memref<100x128xf32, #tpu.memory_space<vmem>>
    %dma_wait3A_1701 = arith.constant 0 : i32
    %dma_wait3A_1702 = tpu.memref_slice %arg7[%dma_wait3A_1695, %dma_wait3A_1696, %dma_wait3A_1701] : memref<4x2x100xi32, #tpu.memory_space<vmem>> -> memref<1x1x100xi32, #tpu.memory_space<vmem>>
    %dma_wait3A_1703 = tpu.memref_squeeze %dma_wait3A_1702 : memref<1x1x100xi32, #tpu.memory_space<vmem>> -> memref<100xi32, #tpu.memory_space<vmem>>
    %dma_wait3A_1704 = arith.constant 0 : i32
    %dma_wait3A_1705 = arith.constant 0 : i32
    %dma_wait3A_1706 = tpu.memref_slice %arg8[%dma_wait3A_1704, %dma_wait3A_1705] : memref<512x128xf32, #tpu.memory_space<vmem_shared>> -> memref<512x128xf32, #tpu.memory_space<vmem_shared>>
    tpu.wait_indirect_dma semaphore(%arg19 : memref<!tpu.dma_semaphore, #tpu.memory_space<semaphore_mem>>) src(%dma_wait3A_1700 : memref<100x128xf32, #tpu.memory_space<vmem>>) dst(%dma_wait3A_1706 : memref<512x128xf32, #tpu.memory_space<vmem_shared>>)
    %dma_wait3A_1707 = arith.constant 2 : i32
    %dma_wait3A_1708 = arith.constant 2 : i32
    %dma_wait3A_1709 = arith.constant 1 : i32
    %dma_wait3A_1710 = arith.constant 100 : i32
    %dma_wait3A_1711 = arith.constant 0 : i32
    %dma_wait3A_1712 = tpu.memref_slice %arg5[%dma_wait3A_1707, %dma_wait3A_1710, %dma_wait3A_1711] : memref<4x200x128xf32, #tpu.memory_space<vmem>> -> memref<1x100x128xf32, #tpu.memory_space<vmem>>
    %dma_wait3A_1713 = tpu.memref_squeeze %dma_wait3A_1712 : memref<1x100x128xf32, #tpu.memory_space<vmem>> -> memref<100x128xf32, #tpu.memory_space<vmem>>
    %dma_wait3A_1714 = arith.constant 0 : i32
    %dma_wait3A_1715 = tpu.memref_slice %arg7[%dma_wait3A_1708, %dma_wait3A_1709, %dma_wait3A_1714] : memref<4x2x100xi32, #tpu.memory_space<vmem>> -> memref<1x1x100xi32, #tpu.memory_space<vmem>>
    %dma_wait3A_1716 = tpu.memref_squeeze %dma_wait3A_1715 : memref<1x1x100xi32, #tpu.memory_space<vmem>> -> memref<100xi32, #tpu.memory_space<vmem>>
    %dma_wait3A_1717 = arith.constant 0 : i32
    %dma_wait3A_1718 = arith.constant 0 : i32
    %dma_wait3A_1719 = tpu.memref_slice %arg8[%dma_wait3A_1717, %dma_wait3A_1718] : memref<512x128xf32, #tpu.memory_space<vmem_shared>> -> memref<512x128xf32, #tpu.memory_space<vmem_shared>>
    tpu.wait_indirect_dma semaphore(%arg19 : memref<!tpu.dma_semaphore, #tpu.memory_space<semaphore_mem>>) src(%dma_wait3A_1713 : memref<100x128xf32, #tpu.memory_space<vmem>>) dst(%dma_wait3A_1719 : memref<512x128xf32, #tpu.memory_space<vmem_shared>>)
    %dma_wait3A_1720 = arith.constant 3 : i32
    %dma_wait3A_1721 = arith.constant 3 : i32
    %dma_wait3A_1722 = arith.constant 0 : i32
    %dma_wait3A_1723 = arith.constant 0 : i32
    %dma_wait3A_1724 = arith.constant 0 : i32
    %dma_wait3A_1725 = tpu.memref_slice %arg5[%dma_wait3A_1720, %dma_wait3A_1723, %dma_wait3A_1724] : memref<4x200x128xf32, #tpu.memory_space<vmem>> -> memref<1x100x128xf32, #tpu.memory_space<vmem>>
    %dma_wait3A_1726 = tpu.memref_squeeze %dma_wait3A_1725 : memref<1x100x128xf32, #tpu.memory_space<vmem>> -> memref<100x128xf32, #tpu.memory_space<vmem>>
    %dma_wait3A_1727 = arith.constant 0 : i32
    %dma_wait3A_1728 = tpu.memref_slice %arg7[%dma_wait3A_1721, %dma_wait3A_1722, %dma_wait3A_1727] : memref<4x2x100xi32, #tpu.memory_space<vmem>> -> memref<1x1x100xi32, #tpu.memory_space<vmem>>
    %dma_wait3A_1729 = tpu.memref_squeeze %dma_wait3A_1728 : memref<1x1x100xi32, #tpu.memory_space<vmem>> -> memref<100xi32, #tpu.memory_space<vmem>>
    %dma_wait3A_1730 = arith.constant 0 : i32
    %dma_wait3A_1731 = arith.constant 0 : i32
    %dma_wait3A_1732 = tpu.memref_slice %arg8[%dma_wait3A_1730, %dma_wait3A_1731] : memref<512x128xf32, #tpu.memory_space<vmem_shared>> -> memref<512x128xf32, #tpu.memory_space<vmem_shared>>
    tpu.wait_indirect_dma semaphore(%arg20 : memref<!tpu.dma_semaphore, #tpu.memory_space<semaphore_mem>>) src(%dma_wait3A_1726 : memref<100x128xf32, #tpu.memory_space<vmem>>) dst(%dma_wait3A_1732 : memref<512x128xf32, #tpu.memory_space<vmem_shared>>)
    %dma_wait3A_1733 = arith.constant 3 : i32
    %dma_wait3A_1734 = arith.constant 3 : i32
    %dma_wait3A_1735 = arith.constant 1 : i32
    %dma_wait3A_1736 = arith.constant 100 : i32
    %dma_wait3A_1737 = arith.constant 0 : i32
    %dma_wait3A_1738 = tpu.memref_slice %arg5[%dma_wait3A_1733, %dma_wait3A_1736, %dma_wait3A_1737] : memref<4x200x128xf32, #tpu.memory_space<vmem>> -> memref<1x100x128xf32, #tpu.memory_space<vmem>>
    %dma_wait3A_1739 = tpu.memref_squeeze %dma_wait3A_1738 : memref<1x100x128xf32, #tpu.memory_space<vmem>> -> memref<100x128xf32, #tpu.memory_space<vmem>>
    %dma_wait3A_1740 = arith.constant 0 : i32
    %dma_wait3A_1741 = tpu.memref_slice %arg7[%dma_wait3A_1734, %dma_wait3A_1735, %dma_wait3A_1740] : memref<4x2x100xi32, #tpu.memory_space<vmem>> -> memref<1x1x100xi32, #tpu.memory_space<vmem>>
    %dma_wait3A_1742 = tpu.memref_squeeze %dma_wait3A_1741 : memref<1x1x100xi32, #tpu.memory_space<vmem>> -> memref<100xi32, #tpu.memory_space<vmem>>
    %dma_wait3A_1743 = arith.constant 0 : i32
    %dma_wait3A_1744 = arith.constant 0 : i32
    %dma_wait3A_1745 = tpu.memref_slice %arg8[%dma_wait3A_1743, %dma_wait3A_1744] : memref<512x128xf32, #tpu.memory_space<vmem_shared>> -> memref<512x128xf32, #tpu.memory_space<vmem_shared>>
    tpu.wait_indirect_dma semaphore(%arg20 : memref<!tpu.dma_semaphore, #tpu.memory_space<semaphore_mem>>) src(%dma_wait3A_1739 : memref<100x128xf32, #tpu.memory_space<vmem>>) dst(%dma_wait3A_1745 : memref<512x128xf32, #tpu.memory_space<vmem_shared>>)
    %lt3A = arith.constant 20 : i32
    %lt3A_1746 = arith.cmpi slt, %add3A, %lt3A : i32
    %convert_element_type3A = arith.extui %lt3A_1746 : i1 to i32
    %cond3A = arith.constant 0 : i32
    %cond3A_1747 = arith.cmpi ne, %convert_element_type3A, %cond3A : i32
    scf.if %cond3A_1747 {
      %add3A_1753 = arith.constant 480 : i32
      %add3A_1754 = arith.addi %add3A, %add3A_1753 : i32
      %mul3A_1755 = arith.constant 200 : i32
      %mul3A_1756 = arith.muli %add3A_1754, %mul3A_1755 : i32
      %run_scoped3A = arith.constant 0 : i32
      "tpu.region"() ({
        %run_scoped3A_1764 = tpu.sem_alloc : memref<!tpu.dma_semaphore, #tpu.memory_space<semaphore_mem>>
        %dma_start3A_1765 = arith.constant 0 : i32
        %dma_start3A_1766 = arith.constant 0 : i32
        %dma_start3A_1767 = tpu.memref_slice %arg5[%run_scoped3A, %dma_start3A_1765, %dma_start3A_1766] : memref<4x200x128xf32, #tpu.memory_space<vmem>> -> memref<1x200x128xf32, #tpu.memory_space<vmem>>
        %dma_start3A_1768 = tpu.memref_squeeze %dma_start3A_1767 : memref<1x200x128xf32, #tpu.memory_space<vmem>> -> memref<200x128xf32, #tpu.memory_space<vmem>>
        %dma_start3A_1769 = arith.constant 0 : i32
        %dma_start3A_1770 = tpu.memref_slice %arg2[%mul3A_1756, %dma_start3A_1769] : memref<100000x128xf32, #tpu.memory_space<hbm>> -> memref<200x128xf32, #tpu.memory_space<hbm>>
        %dma_start3A_1771 = arith.constant 0 : i32
        %dma_start3A_1772 = arith.constant 0 : i32
        %dma_start3A_1773 = tpu.memref_slice %arg5[%run_scoped3A, %dma_start3A_1771, %dma_start3A_1772] : memref<4x200x128xf32, #tpu.memory_space<vmem>> -> memref<1x200x128xf32, #tpu.memory_space<vmem>>
        %dma_start3A_1774 = tpu.memref_squeeze %dma_start3A_1773 : memref<1x200x128xf32, #tpu.memory_space<vmem>> -> memref<200x128xf32, #tpu.memory_space<vmem>>
        %dma_start3A_1775 = arith.constant 0 : i32
        %dma_start3A_1776 = tpu.memref_slice %arg2[%mul3A_1756, %dma_start3A_1775] : memref<100000x128xf32, #tpu.memory_space<hbm>> -> memref<200x128xf32, #tpu.memory_space<hbm>>
        tpu.enqueue_dma source(%dma_start3A_1776 : memref<200x128xf32, #tpu.memory_space<hbm>>) target(%dma_start3A_1774 : memref<200x128xf32, #tpu.memory_space<vmem>>) target_semaphore(%run_scoped3A_1764 : memref<!tpu.dma_semaphore, #tpu.memory_space<semaphore_mem>>)
        %dma_wait3A_1777 = arith.constant 0 : i32
        %dma_wait3A_1778 = arith.constant 0 : i32
        %dma_wait3A_1779 = tpu.memref_slice %arg5[%run_scoped3A, %dma_wait3A_1777, %dma_wait3A_1778] : memref<4x200x128xf32, #tpu.memory_space<vmem>> -> memref<1x200x128xf32, #tpu.memory_space<vmem>>
        %dma_wait3A_1780 = tpu.memref_squeeze %dma_wait3A_1779 : memref<1x200x128xf32, #tpu.memory_space<vmem>> -> memref<200x128xf32, #tpu.memory_space<vmem>>
        %dma_wait3A_1781 = arith.constant 0 : i32
        %dma_wait3A_1782 = tpu.memref_slice %arg2[%mul3A_1756, %dma_wait3A_1781] : memref<100000x128xf32, #tpu.memory_space<hbm>> -> memref<200x128xf32, #tpu.memory_space<hbm>>
        %dma_wait3A_1783 = arith.constant 0 : i32
        %dma_wait3A_1784 = arith.constant 0 : i32
        %dma_wait3A_1785 = tpu.memref_slice %arg5[%run_scoped3A, %dma_wait3A_1783, %dma_wait3A_1784] : memref<4x200x128xf32, #tpu.memory_space<vmem>> -> memref<1x200x128xf32, #tpu.memory_space<vmem>>
        %dma_wait3A_1786 = tpu.memref_squeeze %dma_wait3A_1785 : memref<1x200x128xf32, #tpu.memory_space<vmem>> -> memref<200x128xf32, #tpu.memory_space<vmem>>
        %dma_wait3A_1787 = arith.constant 0 : i32
        %dma_wait3A_1788 = tpu.memref_slice %arg2[%mul3A_1756, %dma_wait3A_1787] : memref<100000x128xf32, #tpu.memory_space<hbm>> -> memref<200x128xf32, #tpu.memory_space<hbm>>
        tpu.wait_dma2 semaphore(%run_scoped3A_1764 : memref<!tpu.dma_semaphore, #tpu.memory_space<semaphore_mem>>) src(%dma_wait3A_1788 : memref<200x128xf32, #tpu.memory_space<hbm>>) dst(%dma_wait3A_1786 : memref<200x128xf32, #tpu.memory_space<vmem>>)
        tpu.yield
      }) : () -> ()
      %run_scoped3A_1757 = arith.constant 0 : i32
      "tpu.region"() ({
        %run_scoped3A_1764 = tpu.sem_alloc : memref<!tpu.dma_semaphore, #tpu.memory_space<semaphore_mem>>
        %dma_start3A_1765 = arith.constant 0 : i32
        %dma_start3A_1766 = arith.constant 0 : i32
        %dma_start3A_1767 = tpu.memref_slice %arg7[%run_scoped3A_1757, %dma_start3A_1765, %dma_start3A_1766] : memref<4x2x100xi32, #tpu.memory_space<vmem>> -> memref<1x2x100xi32, #tpu.memory_space<vmem>>
        %dma_start3A_1768 = tpu.memref_squeeze %dma_start3A_1767 : memref<1x2x100xi32, #tpu.memory_space<vmem>> -> memref<2x100xi32, #tpu.memory_space<vmem>>
        %dma_start3A_1769 = arith.constant 0 : i32
        %dma_start3A_1770 = arith.constant 0 : i32
        %dma_start3A_1771 = tpu.memref_slice %arg3[%add3A_1754, %dma_start3A_1769, %dma_start3A_1770] : memref<500x2x100xi32, #tpu.memory_space<hbm>> -> memref<1x2x100xi32, #tpu.memory_space<hbm>>
        %dma_start3A_1772 = tpu.memref_squeeze %dma_start3A_1771 : memref<1x2x100xi32, #tpu.memory_space<hbm>> -> memref<2x100xi32, #tpu.memory_space<hbm>>
        %dma_start3A_1773 = arith.constant 0 : i32
        %dma_start3A_1774 = arith.constant 0 : i32
        %dma_start3A_1775 = tpu.memref_slice %arg7[%run_scoped3A_1757, %dma_start3A_1773, %dma_start3A_1774] : memref<4x2x100xi32, #tpu.memory_space<vmem>> -> memref<1x2x100xi32, #tpu.memory_space<vmem>>
        %dma_start3A_1776 = tpu.memref_squeeze %dma_start3A_1775 : memref<1x2x100xi32, #tpu.memory_space<vmem>> -> memref<2x100xi32, #tpu.memory_space<vmem>>
        %dma_start3A_1777 = arith.constant 0 : i32
        %dma_start3A_1778 = arith.constant 0 : i32
        %dma_start3A_1779 = tpu.memref_slice %arg3[%add3A_1754, %dma_start3A_1777, %dma_start3A_1778] : memref<500x2x100xi32, #tpu.memory_space<hbm>> -> memref<1x2x100xi32, #tpu.memory_space<hbm>>
        %dma_start3A_1780 = tpu.memref_squeeze %dma_start3A_1779 : memref<1x2x100xi32, #tpu.memory_space<hbm>> -> memref<2x100xi32, #tpu.memory_space<hbm>>
        tpu.enqueue_dma source(%dma_start3A_1780 : memref<2x100xi32, #tpu.memory_space<hbm>>) target(%dma_start3A_1776 : memref<2x100xi32, #tpu.memory_space<vmem>>) target_semaphore(%run_scoped3A_1764 : memref<!tpu.dma_semaphore, #tpu.memory_space<semaphore_mem>>)
        %dma_wait3A_1781 = arith.constant 0 : i32
        %dma_wait3A_1782 = arith.constant 0 : i32
        %dma_wait3A_1783 = tpu.memref_slice %arg7[%run_scoped3A_1757, %dma_wait3A_1781, %dma_wait3A_1782] : memref<4x2x100xi32, #tpu.memory_space<vmem>> -> memref<1x2x100xi32, #tpu.memory_space<vmem>>
        %dma_wait3A_1784 = tpu.memref_squeeze %dma_wait3A_1783 : memref<1x2x100xi32, #tpu.memory_space<vmem>> -> memref<2x100xi32, #tpu.memory_space<vmem>>
        %dma_wait3A_1785 = arith.constant 0 : i32
        %dma_wait3A_1786 = arith.constant 0 : i32
        %dma_wait3A_1787 = tpu.memref_slice %arg3[%add3A_1754, %dma_wait3A_1785, %dma_wait3A_1786] : memref<500x2x100xi32, #tpu.memory_space<hbm>> -> memref<1x2x100xi32, #tpu.memory_space<hbm>>
        %dma_wait3A_1788 = tpu.memref_squeeze %dma_wait3A_1787 : memref<1x2x100xi32, #tpu.memory_space<hbm>> -> memref<2x100xi32, #tpu.memory_space<hbm>>
        %dma_wait3A_1789 = arith.constant 0 : i32
        %dma_wait3A_1790 = arith.constant 0 : i32
        %dma_wait3A_1791 = tpu.memref_slice %arg7[%run_scoped3A_1757, %dma_wait3A_1789, %dma_wait3A_1790] : memref<4x2x100xi32, #tpu.memory_space<vmem>> -> memref<1x2x100xi32, #tpu.memory_space<vmem>>
        %dma_wait3A_1792 = tpu.memref_squeeze %dma_wait3A_1791 : memref<1x2x100xi32, #tpu.memory_space<vmem>> -> memref<2x100xi32, #tpu.memory_space<vmem>>
        %dma_wait3A_1793 = arith.constant 0 : i32
        %dma_wait3A_1794 = arith.constant 0 : i32
        %dma_wait3A_1795 = tpu.memref_slice %arg3[%add3A_1754, %dma_wait3A_1793, %dma_wait3A_1794] : memref<500x2x100xi32, #tpu.memory_space<hbm>> -> memref<1x2x100xi32, #tpu.memory_space<hbm>>
        %dma_wait3A_1796 = tpu.memref_squeeze %dma_wait3A_1795 : memref<1x2x100xi32, #tpu.memory_space<hbm>> -> memref<2x100xi32, #tpu.memory_space<hbm>>
        tpu.wait_dma2 semaphore(%run_scoped3A_1764 : memref<!tpu.dma_semaphore, #tpu.memory_space<semaphore_mem>>) src(%dma_wait3A_1796 : memref<2x100xi32, #tpu.memory_space<hbm>>) dst(%dma_wait3A_1792 : memref<2x100xi32, #tpu.memory_space<vmem>>)
        tpu.yield
      }) : () -> ()
      %run_scoped3A_1758 = arith.constant 0 : i32
      %run_scoped3A_1759 = arith.constant 0 : i32
      %run_scoped3A_1760 = arith.constant 0 : i32
      "tpu.region"() ({
        %run_scoped3A_1764 = tpu.sem_alloc : memref<!tpu.dma_semaphore, #tpu.memory_space<semaphore_mem>>
        %dma_start3A_1765 = arith.constant 0 : i32
        %dma_start3A_1766 = arith.constant 0 : i32
        %dma_start3A_1767 = tpu.memref_slice %arg5[%run_scoped3A_1758, %dma_start3A_1765, %dma_start3A_1766] : memref<4x200x128xf32, #tpu.memory_space<vmem>> -> memref<1x100x128xf32, #tpu.memory_space<vmem>>
        %dma_start3A_1768 = tpu.memref_squeeze %dma_start3A_1767 : memref<1x100x128xf32, #tpu.memory_space<vmem>> -> memref<100x128xf32, #tpu.memory_space<vmem>>
        %dma_start3A_1769 = arith.constant 0 : i32
        %dma_start3A_1770 = tpu.memref_slice %arg7[%run_scoped3A_1759, %run_scoped3A_1760, %dma_start3A_1769] : memref<4x2x100xi32, #tpu.memory_space<vmem>> -> memref<1x1x100xi32, #tpu.memory_space<vmem>>
        %dma_start3A_1771 = tpu.memref_squeeze %dma_start3A_1770 : memref<1x1x100xi32, #tpu.memory_space<vmem>> -> memref<100xi32, #tpu.memory_space<vmem>>
        %dma_start3A_1772 = arith.constant 0 : i32
        %dma_start3A_1773 = arith.constant 0 : i32
        %dma_start3A_1774 = tpu.memref_slice %arg8[%dma_start3A_1772, %dma_start3A_1773] : memref<512x128xf32, #tpu.memory_space<vmem_shared>> -> memref<512x128xf32, #tpu.memory_space<vmem_shared>>
        tpu.enqueue_indirect_dma source(%dma_start3A_1768 : memref<100x128xf32, #tpu.memory_space<vmem>>) target(%dma_start3A_1774 : memref<512x128xf32, #tpu.memory_space<vmem_shared>>) offsets(%dma_start3A_1771 : memref<100xi32, #tpu.memory_space<vmem>>) semaphore(%run_scoped3A_1764 : memref<!tpu.dma_semaphore, #tpu.memory_space<semaphore_mem>>) {add = true}
        %dma_wait3A_1775 = arith.constant 0 : i32
        %dma_wait3A_1776 = arith.constant 0 : i32
        %dma_wait3A_1777 = tpu.memref_slice %arg5[%run_scoped3A_1758, %dma_wait3A_1775, %dma_wait3A_1776] : memref<4x200x128xf32, #tpu.memory_space<vmem>> -> memref<1x100x128xf32, #tpu.memory_space<vmem>>
        %dma_wait3A_1778 = tpu.memref_squeeze %dma_wait3A_1777 : memref<1x100x128xf32, #tpu.memory_space<vmem>> -> memref<100x128xf32, #tpu.memory_space<vmem>>
        %dma_wait3A_1779 = arith.constant 0 : i32
        %dma_wait3A_1780 = tpu.memref_slice %arg7[%run_scoped3A_1759, %run_scoped3A_1760, %dma_wait3A_1779] : memref<4x2x100xi32, #tpu.memory_space<vmem>> -> memref<1x1x100xi32, #tpu.memory_space<vmem>>
        %dma_wait3A_1781 = tpu.memref_squeeze %dma_wait3A_1780 : memref<1x1x100xi32, #tpu.memory_space<vmem>> -> memref<100xi32, #tpu.memory_space<vmem>>
        %dma_wait3A_1782 = arith.constant 0 : i32
        %dma_wait3A_1783 = arith.constant 0 : i32
        %dma_wait3A_1784 = tpu.memref_slice %arg8[%dma_wait3A_1782, %dma_wait3A_1783] : memref<512x128xf32, #tpu.memory_space<vmem_shared>> -> memref<512x128xf32, #tpu.memory_space<vmem_shared>>
        tpu.wait_indirect_dma semaphore(%run_scoped3A_1764 : memref<!tpu.dma_semaphore, #tpu.memory_space<semaphore_mem>>) src(%dma_wait3A_1778 : memref<100x128xf32, #tpu.memory_space<vmem>>) dst(%dma_wait3A_1784 : memref<512x128xf32, #tpu.memory_space<vmem_shared>>)
        tpu.yield
      }) : () -> ()
      %run_scoped3A_1761 = arith.constant 0 : i32
      %run_scoped3A_1762 = arith.constant 0 : i32
      %run_scoped3A_1763 = arith.constant 1 : i32
      "tpu.region"() ({
        %run_scoped3A_1764 = tpu.sem_alloc : memref<!tpu.dma_semaphore, #tpu.memory_space<semaphore_mem>>
        %dma_start3A_1765 = arith.constant 100 : i32
        %dma_start3A_1766 = arith.constant 0 : i32
        %dma_start3A_1767 = tpu.memref_slice %arg5[%run_scoped3A_1761, %dma_start3A_1765, %dma_start3A_1766] : memref<4x200x128xf32, #tpu.memory_space<vmem>> -> memref<1x100x128xf32, #tpu.memory_space<vmem>>
        %dma_start3A_1768 = tpu.memref_squeeze %dma_start3A_1767 : memref<1x100x128xf32, #tpu.memory_space<vmem>> -> memref<100x128xf32, #tpu.memory_space<vmem>>
        %dma_start3A_1769 = arith.constant 0 : i32
        %dma_start3A_1770 = tpu.memref_slice %arg7[%run_scoped3A_1762, %run_scoped3A_1763, %dma_start3A_1769] : memref<4x2x100xi32, #tpu.memory_space<vmem>> -> memref<1x1x100xi32, #tpu.memory_space<vmem>>
        %dma_start3A_1771 = tpu.memref_squeeze %dma_start3A_1770 : memref<1x1x100xi32, #tpu.memory_space<vmem>> -> memref<100xi32, #tpu.memory_space<vmem>>
        %dma_start3A_1772 = arith.constant 0 : i32
        %dma_start3A_1773 = arith.constant 0 : i32
        %dma_start3A_1774 = tpu.memref_slice %arg8[%dma_start3A_1772, %dma_start3A_1773] : memref<512x128xf32, #tpu.memory_space<vmem_shared>> -> memref<512x128xf32, #tpu.memory_space<vmem_shared>>
        tpu.enqueue_indirect_dma source(%dma_start3A_1768 : memref<100x128xf32, #tpu.memory_space<vmem>>) target(%dma_start3A_1774 : memref<512x128xf32, #tpu.memory_space<vmem_shared>>) offsets(%dma_start3A_1771 : memref<100xi32, #tpu.memory_space<vmem>>) semaphore(%run_scoped3A_1764 : memref<!tpu.dma_semaphore, #tpu.memory_space<semaphore_mem>>) {add = true}
        %dma_wait3A_1775 = arith.constant 100 : i32
        %dma_wait3A_1776 = arith.constant 0 : i32
        %dma_wait3A_1777 = tpu.memref_slice %arg5[%run_scoped3A_1761, %dma_wait3A_1775, %dma_wait3A_1776] : memref<4x200x128xf32, #tpu.memory_space<vmem>> -> memref<1x100x128xf32, #tpu.memory_space<vmem>>
        %dma_wait3A_1778 = tpu.memref_squeeze %dma_wait3A_1777 : memref<1x100x128xf32, #tpu.memory_space<vmem>> -> memref<100x128xf32, #tpu.memory_space<vmem>>
        %dma_wait3A_1779 = arith.constant 0 : i32
        %dma_wait3A_1780 = tpu.memref_slice %arg7[%run_scoped3A_1762, %run_scoped3A_1763, %dma_wait3A_1779] : memref<4x2x100xi32, #tpu.memory_space<vmem>> -> memref<1x1x100xi32, #tpu.memory_space<vmem>>
        %dma_wait3A_1781 = tpu.memref_squeeze %dma_wait3A_1780 : memref<1x1x100xi32, #tpu.memory_space<vmem>> -> memref<100xi32, #tpu.memory_space<vmem>>
        %dma_wait3A_1782 = arith.constant 0 : i32
        %dma_wait3A_1783 = arith.constant 0 : i32
        %dma_wait3A_1784 = tpu.memref_slice %arg8[%dma_wait3A_1782, %dma_wait3A_1783] : memref<512x128xf32, #tpu.memory_space<vmem_shared>> -> memref<512x128xf32, #tpu.memory_space<vmem_shared>>
        tpu.wait_indirect_dma semaphore(%run_scoped3A_1764 : memref<!tpu.dma_semaphore, #tpu.memory_space<semaphore_mem>>) src(%dma_wait3A_1778 : memref<100x128xf32, #tpu.memory_space<vmem>>) dst(%dma_wait3A_1784 : memref<512x128xf32, #tpu.memory_space<vmem_shared>>)
        tpu.yield
      }) : () -> ()
    } else {
    }
    %barrier3A_1748 = arith.constant 0 : index
    tpu.barrier barrier_id(%barrier3A_1748)
    %mul3A_1749 = arith.constant 32 : i32
    %mul3A_1750 = arith.muli %arg1, %mul3A_1749 : i32
    %mul3A_1751 = arith.constant 32 : i32
    %mul3A_1752 = arith.muli %arg1, %mul3A_1751 : i32
    "tpu.region"() ({
      %run_scoped3A = tpu.sem_alloc : memref<!tpu.dma_semaphore, #tpu.memory_space<semaphore_mem>>
      %dma_start3A_1753 = arith.constant 0 : i32
      %dma_start3A_1754 = tpu.memref_slice %arg4[%arg0, %mul3A_1752, %dma_start3A_1753] : memref<2x512x128xf32, #tpu.memory_space<hbm>> -> memref<1x32x128xf32, #tpu.memory_space<hbm>>
      %dma_start3A_1755 = tpu.memref_squeeze %dma_start3A_1754 : memref<1x32x128xf32, #tpu.memory_space<hbm>> -> memref<32x128xf32, #tpu.memory_space<hbm>>
      %dma_start3A_1756 = arith.constant 0 : i32
      %dma_start3A_1757 = tpu.memref_slice %arg8[%mul3A_1750, %dma_start3A_1756] : memref<512x128xf32, #tpu.memory_space<vmem_shared>> -> memref<32x128xf32, #tpu.memory_space<vmem_shared>>
      tpu.enqueue_dma source(%dma_start3A_1757 : memref<32x128xf32, #tpu.memory_space<vmem_shared>>) target(%dma_start3A_1755 : memref<32x128xf32, #tpu.memory_space<hbm>>) target_semaphore(%run_scoped3A : memref<!tpu.dma_semaphore, #tpu.memory_space<semaphore_mem>>)
      %dma_wait3A_1758 = arith.constant 0 : i32
      %dma_wait3A_1759 = tpu.memref_slice %arg4[%arg0, %mul3A_1752, %dma_wait3A_1758] : memref<2x512x128xf32, #tpu.memory_space<hbm>> -> memref<1x32x128xf32, #tpu.memory_space<hbm>>
      %dma_wait3A_1760 = tpu.memref_squeeze %dma_wait3A_1759 : memref<1x32x128xf32, #tpu.memory_space<hbm>> -> memref<32x128xf32, #tpu.memory_space<hbm>>
      %dma_wait3A_1761 = arith.constant 0 : i32
      %dma_wait3A_1762 = tpu.memref_slice %arg8[%mul3A_1750, %dma_wait3A_1761] : memref<512x128xf32, #tpu.memory_space<vmem_shared>> -> memref<32x128xf32, #tpu.memory_space<vmem_shared>>
      tpu.wait_dma2 semaphore(%run_scoped3A : memref<!tpu.dma_semaphore, #tpu.memory_space<semaphore_mem>>) src(%dma_wait3A_1762 : memref<32x128xf32, #tpu.memory_space<vmem_shared>>) dst(%dma_wait3A_1760 : memref<32x128xf32, #tpu.memory_space<hbm>>)
      tpu.yield
    }) : () -> ()
    return
  }
}

module attributes {stable_mosaic.version = 14 : i64} {
  func.func @_add_body(%arg0: memref<2x512x128xf32, #tpu.memory_space<vmem>>, %arg1: memref<512x128xf32, #tpu.memory_space<vmem>>) attributes {dimension_semantics = [], scalar_prefetch = 0 : i64, scratch_operands = 0 : i64, tpu.core_type = #tpu.core_type<tc>} {
    %get3A = arith.constant 0 : index
    %get3A_0 = arith.constant 0 : index
    %get3A_1 = arith.constant 0 : index
    %get3A_2 = vector.load %arg0[%get3A, %get3A_0, %get3A_1] : memref<2x512x128xf32, #tpu.memory_space<vmem>>, vector<1x512x128xf32>
    %get3A_3 = vector.shape_cast %get3A_2 : vector<1x512x128xf32> to vector<512x128xf32>
    %get3A_4 = arith.constant 1 : index
    %get3A_5 = arith.constant 0 : index
    %get3A_6 = arith.constant 0 : index
    %get3A_7 = vector.load %arg0[%get3A_4, %get3A_5, %get3A_6] : memref<2x512x128xf32, #tpu.memory_space<vmem>>, vector<1x512x128xf32>
    %get3A_8 = vector.shape_cast %get3A_7 : vector<1x512x128xf32> to vector<512x128xf32>
    %add3A = arith.addf %get3A_3, %get3A_8 : vector<512x128xf32>
    %swap3A = arith.constant 0 : index
    %swap3A_9 = arith.constant 0 : index
    %swap3A_10 = vector.load %arg1[%swap3A, %swap3A_9] : memref<512x128xf32, #tpu.memory_space<vmem>>, vector<512x128xf32>
    tpu.vector_store %arg1[%swap3A, %swap3A_9], %add3A {strides = array<i32>} : memref<512x128xf32, #tpu.memory_space<vmem>>, vector<512x128xf32>,
    return
  }
}

</mosaic_0001>

<sc_bundles>
// kernel: kernel.4.cloned.1.call-start
scs
__scs_entry_jumppad:
0x0: {  	(pc) =	sbr.rel $0x88, $3  }
0x1: {  	(tag) =	ssettag $0x0;
	lr =	simm.s32 $0x1  }
0x2: {  	[smem:$0x3F9F] =	sst lr;
	_ =	strace $0xD0000000  }
0x3: {  	_ = 	snop  }
0x4: {  	_ = 	snop  }
0x5: {  	_ = 	snop  }
0x6: {  	_ = 	snop  }
0x7: {  	_ = 	snop  }
__scs_overlays_trampoline_lowered:
0x8: {  	[smem:$0x3FAE] =	sst s0  }
0x9: {  	[smem:$0x3FAF] =	sst s1  }
0xa: {  	[smem:$0x3FB0] =	sst s2  }
0xb: {  	[smem:$0x3FB1] =	sst s3  }
0xc: {  	[smem:$0x3FB2] =	sst s4  }
0xd: {  	[smem:$0x3FB3] =	sst s5  }
0xe: {  	[smem:$0x3FB4] =	sst s6  }
0xf: {  	[smem:$0x3FB5] =	sst s7  }
0x10: {  	[smem:$0x3FB6] =	sst s8  }
0x11: {  	[smem:$0x3FB7] =	sst s9;
	s0 =	simm.s32 @!p0 $0x0  }
0x12: {  	s1 =	sld [smem:$0x3F9D];
	s0 =	simm.s32 @p0 $0x1  }
0x13: {  	[smem:$0x3FB8] =	sst s0;
	s0 =	simm.s32 @!p1 $0x0  }
0x14: {  	s2 =	sld [smem:$0x3F9C];
	s0 =	simm.s32 @p1 $0x1  }
0x15: {  	[smem:$0x3FB9] =	sst s0;
	s0 =	simm.s32 @!p2 $0x0  }
0x16: {  	s3 =	sld [smem:$0x3FDB];
	s0 =	simm.s32 @p2 $0x1  }
0x17: {  	s4 =	simm.s32 $0x1BF5;
	[smem:$0x3FBB] =	sst s0  }
0x18: {  	s0 =	sld [smem:$0x3F9E];
	_ =	swait.ge [sflag:s4], $0x0  }
0x19: {  	s7 =	sld [smem:$0x3F9F]  }
0x1a: {  	s8 =	sadd.s32 $0xFFFFE003, lr  }
0x1b: {  	s9 =	sadd.s32 $0xFFFFFEF7, lr;
	s5 =	simm.s32 $0xFFFFFFFF;
	p2 =	slt.u32 s8, $0xFFFFF086  }
0x1c: {  	p1 =	slt.u32 s9, $0xF7A;
	s5 =	simm.s32 @!p2 $0x0  }
0x1d: {  	s5 =	simm.s32 @p1 $0x1;
	p0 =	seq.s32 s7, s2  }
0x1e: {  	s7 =	smul.u32 @!p0 $0xF7A, s2;
	p2 =	seq.s32 @!p0 s5, $0x0  }
0x1f: {  	s9 =	smul.u32 $0xF7A, s1;
	s8 =	simm.s32 @!p0 $0x1BF5;
	p2 =	por !p2, p0  }
0x20: {  	[sflag:s8] =	ssyncset.s32 @!p0 $0xFFFFF086;
	s6 =	sadd.s32 @!p0 s3, s7;
	s7 =	simm.s32 @!p0 $0x108  }
0x21: {  	s3 =	sadd.s32 s3, s9;
	s6 =	sadd.s32 @!p0 $0x88, s6;
	s7 =	simm.s32 @p2 $0x1082  }
0x22: {  	[simem:s7], [sflag:s8] =	dma.local @!p0 [hbm:s6], $0xF7A  }
0x23: {  	s9 =	sor.u32 $0xD0000000, s2;
	s6 =	simm.s32 $0x108;
	_ =	swait.ge @!p0 [sflag:s8], $0x0  }
0x24: {  	s3 =	sadd.s32 $0x88, s3;
	s6 =	simm.s32 @!p1 $0x1082;
	[sflag:s4] =	ssyncset.s32 $0xFFFFF086  }
0x25: {  	[simem:s6], [sflag:s4] =	dma.local [hbm:s3], $0xF7A  }
0x26: {  	[smem:$0x3F9F] =	sst s1;
	(tag) =	ssettag s2;
	_ =	strace s9  }
0x27: {  	s1 =	sld [smem:$0x3FAF]  }
0x28: {  	s2 =	sld [smem:$0x3FB0]  }
0x29: {  	s4 =	sld [smem:$0x3FB2]  }
0x2a: {  	p0 =	seq.s32 s5, $0x0;
	s5 =	sld [smem:$0x3FB3]  }
0x2b: {  	s6 =	sld [smem:$0x3FB4]  }
0x2c: {  	s7 =	sld [smem:$0x3FB5]  }
0x2d: {  	s3 =	simm.s32 $0x108;
	s8 =	sld [smem:$0x3FB6]  }
0x2e: {  	s3 =	simm.s32 @!p0 $0x1082;
	s9 =	sld [smem:$0x3FB7]  }
0x2f: {  	lr =	sadd.s32 s0, s3;
	s0 =	sld [smem:$0x3FAE]  }
0x30: {  	s3 =	sld [smem:$0x3FB1]  }
0x31: {  	[smem:$0x3FBA] =	sst s10  }
0x32: {  	s10 =	sld [smem:$0x3FB8];
	_ =	sdelay $0x3  }
0x33: {  	p0 =	seq.s32 s10, $0x1;
	s10 =	sld [smem:$0x3FBA];
	_ =	sdelay $0x3  }
0x34: {  	[smem:$0x3FBA] =	sst s10  }
0x35: {  	s10 =	sld [smem:$0x3FB9];
	_ =	sdelay $0x3  }
0x36: {  	p1 =	seq.s32 s10, $0x1;
	s10 =	sld [smem:$0x3FBA];
	_ =	sdelay $0x3  }
0x37: {  	[smem:$0x3FBA] =	sst s10  }
0x38: {  	s10 =	sld [smem:$0x3FBB]  }
0x39: {  	_ = 	snop;
	(pc) =	sbr.ind lr, $3  }
0x3a: {  	_ = 	snop  }
0x3b: {  	_ = 	snop  }
0x3c: {  	p2 =	seq.s32 s10, $0x1;
	s10 =	sld [smem:$0x3FBA]  }
0x3d: {  	_ =	shalt  }
0x3e: {  	_ =	shalt  }
0x3f: {  	_ =	shalt  }
0x40: {  	_ =	shalt  }
0x41: {  	_ =	shalt  }
0x42: {  	_ =	shalt  }
0x43: {  	_ =	shalt  }
0x44: {  	_ =	shalt  }
0x45: {  	_ =	shalt  }
0x46: {  	_ =	shalt  }
0x47: {  	_ =	shalt  }
0x48: {  	_ =	shalt  }
0x49: {  	_ =	shalt  }
0x4a: {  	_ =	shalt  }
0x4b: {  	_ =	shalt  }
0x4c: {  	_ =	shalt  }
0x4d: {  	_ =	shalt  }
0x4e: {  	_ =	shalt  }
0x4f: {  	_ =	shalt  }
0x50: {  	_ =	shalt  }
0x51: {  	_ =	shalt  }
0x52: {  	_ =	shalt  }
0x53: {  	_ =	shalt  }
0x54: {  	_ =	shalt  }
0x55: {  	_ =	shalt  }
0x56: {  	_ =	shalt  }
0x57: {  	_ =	shalt  }
0x58: {  	_ =	shalt  }
0x59: {  	_ =	shalt  }
0x5a: {  	_ =	shalt  }
0x5b: {  	_ =	shalt  }
0x5c: {  	_ =	shalt  }
0x5d: {  	_ =	shalt  }
0x5e: {  	_ =	shalt  }
0x5f: {  	_ =	shalt  }
0x60: {  	_ =	shalt  }
0x61: {  	_ =	shalt  }
0x62: {  	_ =	shalt  }
0x63: {  	_ =	shalt  }
0x64: {  	_ =	shalt  }
0x65: {  	_ =	shalt  }
0x66: {  	_ =	shalt  }
0x67: {  	_ =	shalt  }
0x68: {  	_ =	shalt  }
0x69: {  	_ =	shalt  }
0x6a: {  	_ =	shalt  }
0x6b: {  	_ =	shalt  }
0x6c: {  	_ =	shalt  }
0x6d: {  	_ =	shalt  }
0x6e: {  	_ =	shalt  }
0x6f: {  	_ =	shalt  }
0x70: {  	_ =	shalt  }
0x71: {  	_ =	shalt  }
0x72: {  	_ =	shalt  }
0x73: {  	_ =	shalt  }
0x74: {  	_ =	shalt  }
0x75: {  	_ =	shalt  }
0x76: {  	_ =	shalt  }
0x77: {  	_ =	shalt  }
0x78: {  	_ =	shalt  }
0x79: {  	_ =	shalt  }
0x7a: {  	_ =	shalt  }
0x7b: {  	_ =	shalt  }
0x7c: {  	_ =	shalt  }
0x7d: {  	_ =	shalt  }
0x7e: {  	_ =	shalt  }
0x7f: {  	_ =	shalt  }
0x80: {  	_ =	shalt  }
0x81: {  	_ =	shalt  }
0x82: {  	_ =	shalt  }
0x83: {  	_ =	shalt  }
0x84: {  	_ =	shalt  }
0x85: {  	_ =	shalt  }
0x86: {  	_ =	shalt  }
0x87: {  	_ =	shalt  }
.Lfunc_end0:
.L_simem_size_0:
called_computation_lowered:
.L_overlay_start_0:
0x88: {  	s2 =	sld [smem:$0x3FD9]  }
0x89: {  	s3 =	sld [smem:$0x3FFE];
	_ =	sdelay $0x1  }
0x8a: {  	s1 =	srdreg.scid  }
0x8b: {  	s0 =	sand.u32 $0x1, s1  }
0x8c: {  	s17 =	sshll.u32 s0, $0xA;
	s2 =	sadd.s32 s3, s2  }
0x8d: {  	s2 =	sadd.s32 s2, s17  }
0x8e: {  	[smem:$0x3FC6] =	sst s2  }
0x8f: {  	_ = 	snop  }
0x90: {  	s2 =	sld [smem:$0x3FC9];
	(tm) =	ssettm $0x1  }
0x91: {  	s18 =	sld [smem:$0x3FFB];
	_ =	sdelay $0x3  }
0x92: {  	_ =	strace s18  }
0x93: {  	s3 =	sld [smem:$0x3FFC];
	_ =	sdelay $0x3  }
0x94: {  	_ =	strace s3  }
0x95: {  	s3 =	sld [smem:$0x3FFD];
	_ =	sdelay $0x3  }
0x96: {  	_ =	strace s3  }
0x97: {  	_ =	strace $0x8FFFFFFF  }
0x98: {  	s19 =	sld [smem:$0x3FDB];
	_ =	sdelay $0x1  }
0x99: {  	s4 =	simm.s32 $_scs_section_size  }
0x9a: {  	s5 =	simm.s32 $_size__tile_overlayer_lowered;
	s6 =	simm.s32 $_tile_overlayer_lowered  }
0x9b: {  	s22 =	simm.s32 $0x1BFF;
	s21 =	sshll.u32 s6, $0x1;
	s3 =	sadd.s32 s4, s19  }
0x9c: {  	s7 =	simm.s32 $0x0;
	s20 =	sshll.u32 s5, $0x1;
	s5 =	sadd.s32 s21, s3  }
0x9d: {  	[timem:s7], [sflag:s22] =	dma.local [hbm:s5], s20  }
0x9e: {  	_ =	swait.ge [sflag:s22], s20  }
0x9f: {  	s4 =	ssub.s32 $0x0, s20;
	[sflag:s22] =	ssyncset.done $0x0  }
0xa0: {  	[sflag:s22] =	ssyncadd.s32 s4;
	_ =	sdelay $0x1  }
0xa1: {  	s23 =	simm.s32 $0x1B8B  }
0xa2: {  	_ =	swait.ge [sflag:s23], $0x1  }
0xa3: {  	[sflag:s23] =	ssyncset.done $0x0  }
0xa4: {  	s25 =	simm.s32 $0x1B8E;
	s24 =	sld [smem:$0x3FFE];
	[sflag:s23] =	ssyncadd.s32 $0xFFFFFFFF  }
0xa5: {  	s26 =	simm.s32 $execute0_lowered;
	[smem:$0x3FD2] =	sst s25  }
0xa6: {  	s5 =	sshll.u32 s26, $0x1;
	_ =	strace $0x80000046;
	[dreg:$0x1] =	wrdreg $0xFFFFFFFF  }
0xa7: {  	s28 =	simm.s32 $_size_execute0_lowered;
	s3 =	sadd.s32 s3, s5;
	[dreg:$0x0] =	wrdreg $0x0  }
0xa8: {  	s5 =	sshll.u32 s28, $0x1;
	[dreg:$0x2] =	wrdreg s3  }
0xa9: {  	[dreg:$0x3] =	wrdreg s5  }
0xaa: {  	[dreg:$0x4] =	wrdreg $0xC0  }
0xab: {  	_ =	task [dreg:s7], $0x5FFFF  }
0xac: {  	[dreg:$0x1] =	wrdreg $0xFFFFFFFF  }
0xad: {  	[dreg:$0x0] =	wrdreg $0x60  }
0xae: {  	[dreg:$0x2] =	wrdreg s2  }
0xaf: {  	[dreg:$0x3] =	wrdreg s24  }
0xb0: {  	[dreg:$0x4] =	wrdreg $0x1A4000  }
0xb1: {  	[dreg:$0x5] =	wrdreg $0x9  }
0xb2: {  	_ =	task.clear_ibuf [dreg:s7], $0x6FFFF;
	_ =	strace $0x90000046  }
0xb3: {  	s29 =	simm.s32 $0x9;
	_ =	strace $0x80000048  }
0xb4: {  	_ =	swait.ge [sflag:s29], $0x1  }
0xb5: {  	[sflag:s29] =	ssyncadd.s32 $0xFFFFFFFF  }
0xb6: {  	_ =	strace $0x90000048  }
0xb7: {  	_ =	sfence  }
0xb8: {  	s30 =	sld [smem:$0x0];
	_ =	sdelay $0x2  }
0xb9: {  	s31 =	sshll.u32 s1, $0xD;
	s1 =	sshrl.u32 s1, $0x2  }
0xba: {  	s3 =	sand.u32 $0x4000, s31;
	s1 =	sadd.s32 s1, s30  }
0xbb: {  	s0 =	sor.u32 s3, s0;
	s1 =	sshll.u32 s1, $0x11  }
0xbc: {  	s0 =	sor.u32 s1, s0  }
0xbd: {  	s0 =	sadd.s32 $0x8F2B, s0  }
0xbe: {  	[sflag:s0] =	ssyncadd.remote.s32 $0x1  }
0xbf: {  	_ =	sfence.sel $0xFFFF  }
0xc0: {  	[dreg:$0x0] =	wrdreg $0xFFFFFFFF;
	(pc) =	sbr.abs _section_cstart, $3  }
0xc1: {  	[dreg:$0x1] =	wrdreg $0xFFFFFFFF  }
0xc2: {  	_ =	task.clear_ibuf [dreg:s7], $0x2FFFF;
	_ =	strace $0x9FFFFFFF  }
0xc3: {  	(tm) =	ssettm $0x7FFFFFFF  }
tec
execute0_lowered:
.L_overlay_start_1:
0x0: {  	(tag) =	ssettag $0x1  }
0x1: {  	s0 =	srdreg.scid  }
0x2: {  	s25 =	stileid.u32;
	s4 =	rddreg [dreg:$0x0];
	s1 =	simm.s32 $0x0  }
0x3: {  	s30 =	simm.s32 $0x9;
	s31 =	simm.s32 $0x1A200;
	s2 =	sand.u32 $0x1, s0  }
0x4: {  	s29 =	simm.s32 $0xFA00;
	[smem:$0x7FF] =	sst s1;
	s0 =	sshll.u32 s2, $0x4  }
0x5: {  	s3 =	ssub.s32 $0x2, s2;
	s2 =	sshll.u32 s2, $0xD;
	s0 =	sor.u32 s25, s0  }
0x6: {  	s11 =	sshrl.u32 s3, $0x1;
	s5 =	smul.u32 $0xC80, s0;
	s6 =	sor.u32 $0x20, s0  }
0x7: {  	s8 =	sor.u32 $0x40, s0;
	s10 =	sor.u32 $0x60, s0;
	s13 =	sor.u32 $0x80, s0  }
0x8: {  	s3 =	ssub.s32 s3, s11;
	s14 =	sor.u32 $0xA0, s0;
	s7 =	smul.u32 $0xC80, s6  }
0x9: {  	s15 =	sor.u32 $0xC0, s0;
	s16 =	sor.u32 $0xE0, s0;
	s9 =	smul.u32 $0xC80, s8  }
0xa: {  	s17 =	sor.u32 $0x100, s0;
	s18 =	sor.u32 $0x120, s0;
	s12 =	smul.u32 $0xC80, s10  }
0xb: {  	p0 =	sgt.u32 s0, $0x13;
	s19 =	smul.u32 $0xC80, s13;
	s5 =	sadd.s32 s4, s5  }
0xc: {  	s20 =	smul.u32 $0xC80, s14;
	[dreg:$0x4] =	wrdreg s5;
	s7 =	sadd.s32 s4, s7  }
0xd: {  	s21 =	smul.u32 $0xC80, s15;
	s9 =	sadd.s32 s4, s9;
	[dreg:$0x5] =	wrdreg s7  }
0xe: {  	s22 =	smul.u32 $0xC80, s16;
	s12 =	sadd.s32 s4, s12;
	[dreg:$0x6] =	wrdreg s9  }
0xf: {  	s23 =	smul.u32 $0xC80, s17;
	s11 =	sadd.s32 s4, s19;
	[dreg:$0x7] =	wrdreg s12  }
0x10: {  	s24 =	smul.u32 $0xC80, s18;
	s5 =	sadd.s32 s4, s20;
	[dreg:$0x8] =	wrdreg s11  }
0x11: {  	s19 =	sor.u32 $0x140, s0;
	s20 =	sor.u32 $0x160, s0;
	[dreg:$0x9] =	wrdreg s5  }
0x12: {  	s5 =	smul.u32 $0xC80, s19;
	s7 =	sadd.s32 s4, s21;
	s21 =	sor.u32 $0x180, s0  }
0x13: {  	s9 =	sadd.s32 s4, s22;
	s22 =	sor.u32 $0x1A0, s0;
	[dreg:$0xa] =	wrdreg s7  }
0x14: {  	s12 =	sadd.s32 s4, s23;
	s23 =	sor.u32 $0x1C0, s0;
	[dreg:$0xb] =	wrdreg s9  }
0x15: {  	s11 =	sadd.s32 s4, s24;
	s7 =	smul.u32 $0xC80, s20;
	[dreg:$0xc] =	wrdreg s12  }
0x16: {  	s9 =	smul.u32 $0xC80, s21;
	[dreg:$0xd] =	wrdreg s11;
	s5 =	sadd.s32 s4, s5  }
0x17: {  	s26 =	smul.u32 $0xC80, s22;
	[dreg:$0xe] =	wrdreg s5;
	s7 =	sadd.s32 s4, s7  }
0x18: {  	s28 =	smul.u32 $0xC80, s23;
	s9 =	sadd.s32 s4, s9;
	[dreg:$0xf] =	wrdreg s7  }
0x19: {  	s6 =	sshll.u32 s6, $0x5;
	s26 =	sadd.s32 s4, s26;
	[dreg:$0x10] =	wrdreg s9  }
0x1a: {  	s24 =	sor.u32 $0x1E0, s0;
	s28 =	sadd.s32 s4, s28;
	[dreg:$0x11] =	wrdreg s26  }
0x1b: {  	s11 =	sshll.u32 s25, $0x9;
	s12 =	sshll.u32 s0, $0x5;
	[dreg:$0x12] =	wrdreg s28  }
0x1c: {  	s0 =	simm.s32 $0x8;
	s5 =	smul.u32 $0xC80, s24;
	s9 =	rddreg [dreg:$0x1]  }
0x1d: {  	s26 =	sshll.u32 s8, $0x5;
	s8 =	sshll.u32 s13, $0x5;
	s13 =	sshll.u32 s17, $0x5  }
0x1e: {  	s17 =	sshll.u32 s20, $0x5;
	s20 =	sshll.u32 s22, $0x5;
	s4 =	sadd.s32 s4, s5  }
0x1f: {  	s5 =	sadd.s32 s11, s9;
	s11 =	sshll.u32 s15, $0x5;
	s15 =	sshll.u32 s18, $0x5  }
0x20: {  	[dreg:$0x13] =	wrdreg s4;
	s4 =	sadd.s32 $0x600, s9;
	s9 =	sshll.u32 s14, $0x5  }
0x21: {  	s2 =	sadd.s32 s2, s5;
	s7 =	sadd.s32 s4, s12;
	s6 =	sadd.s32 s4, s6  }
0x22: {  	s28 =	sadd.s32 s4, s26;
	s12 =	sshll.u32 s16, $0x5;
	s14 =	sadd.s32 s4, s13  }
0x23: {  	s16 =	sshll.u32 s19, $0x5;
	s18 =	sadd.s32 s4, s17;
	[dreg:$0x14] =	wrdreg s7  }
0x24: {  	s19 =	sshll.u32 s21, $0x5;
	s21 =	sshll.u32 s23, $0x5;
	[dreg:$0x15] =	wrdreg s6  }
0x25: {  	s23 =	sshll.u32 s24, $0x5;
	s24 =	sshll.u32 s25, $0xC;
	[dreg:$0x16] =	wrdreg s28  }
0x26: {  	s26 =	sadd.s32 $0x4600, s2;
	s13 =	simm.s32 $0x5;
	[dreg:$0x1c] =	wrdreg s14  }
0x27: {  	s7 =	sshll.u32 s10, $0x5;
	s10 =	sadd.s32 s4, s9;
	[dreg:$0x1f] =	wrdreg s18  }
0x28: {  	s2 =	simm.s32 $0xC;
	s22 =	sadd.s32 s4, s21;
	[dreg:$0x19] =	wrdreg s10  }
0x29: {  	s28 =	smax.u32 s3, $0x1;
	s6 =	sadd.s32 s4, s7;
	[smem:$0x7F9] =	sst s22  }
0x2a: {  	s9 =	simm.s32 $0x6400;
	[dreg:$0x17] =	wrdreg s6;
	s6 =	sadd.s32 s4, s8  }
0x2b: {  	s14 =	simm.s32 $0x64;
	[dreg:$0x18] =	wrdreg s6;
	s6 =	sadd.s32 s4, s11  }
0x2c: {  	s3 =	simm.s32 $0x0;
	[dreg:$0x1a] =	wrdreg s6;
	s6 =	sadd.s32 s4, s12  }
0x2d: {  	s18 =	simm.s32 $0xC800;
	[dreg:$0x1b] =	wrdreg s6;
	s6 =	sadd.s32 s4, s15  }
0x2e: {  	s10 =	simm.s32 $0x1A100;
	[dreg:$0x1d] =	wrdreg s6;
	s6 =	sadd.s32 s4, s16  }
0x2f: {  	s7 =	simm.s32 $0xB;
	[dreg:$0x1e] =	wrdreg s6;
	s6 =	sadd.s32 s4, s19  }
0x30: {  	s22 =	simm.s32 $0x1A380;
	[smem:$0x7F7] =	sst s6;
	s6 =	sadd.s32 s4, s20  }
0x31: {  	s8 =	simm.s32 $0x1A000;
	s4 =	sadd.s32 s4, s23;
	[smem:$0x7F8] =	sst s6  }
0x32: {  	s12 =	simm.s32 $0x1;
	s19 =	simm.s32 $0x2;
	[smem:$0x7FA] =	sst s4  }
0x33: {  	s20 =	simm.s32 $0x6;
	s23 =	simm.s32 $0x4;
	s4 =	rddreg [dreg:$0x2]  }
0x34: {  	s6 =	simm.s32 $0xA;
	_ =	strace $0x80000047;
	[smem:$0x7FC] =	sst s26  }
0x35: {  	s25 =	sadd.s32 s24, s4;
	[smem:$0x7FD] =	sst s28;
	s26 =	simm.s32 $0x7  }
0x36: {  	v0 =	vimm.f32 $0.0e+00;
	s24 =	simm.s32 $0x12C00;
	[smem:$0x7FB] =	sst s25;
	s25 =	simm.s32 $0x3  }
.LBB2_1:
0x37: {  	s5 =	rddreg [dreg:$0x4]  }
0x38: {  	[tilespmem:s1], [sflag:$0x1] =	stream.linear.gather [hbm4b:s5+s1], $0x6400, $0x38;
	[tilespmem:$0x1B400] =	vst v63  }
0x39: {  	s17 =	rddreg [dreg:$0x14]  }
0x3a: {  	[tilespmem:s8], [sflag:$0x5] =	stream.linear.gather [hbm4b:s17+s1], $0x100, $0x38;
	[tilespmem:$0x1B400] =	vst v63  }
0x3b: {  	s21 =	rddreg [dreg:$0x5]  }
0x3c: {  	[tilespmem:s9], [sflag:$0x2] =	stream.linear.gather [hbm4b:s21+s1], $0x6400, $0x38;
	[tilespmem:$0x1B400] =	vst v63  }
0x3d: {  	s28 =	rddreg [dreg:$0x15];
	s15 =	simm.s32 $0x200;
	s5 =	simm.s32 $0x0  }
0x3e: {  	[tilespmem:s10], [sflag:$0x6] =	stream.linear.gather [hbm4b:s28+s1], $0x100, $0x38;
	[tilespmem:$0x1B400] =	vst v63  }
.LBB2_2:
0x3f: {  	p1 =	sne.s32 s15, $0x3E00;
	[tilespmem:s5+$0x19070] =	vst v0  }
0x40: {  	[tilespmem:s5+$0x19000] =	vst v0  }
0x41: {  	[tilespmem:s5+$0x19010] =	vst v0  }
.Ltmp0:
0x42: {  	[tilespmem:s5+$0x19020] =	vst v0;
	(pc) =	sbr.rel @p1 .LBB2_2-.Ltmp0, $4  }
0x43: {  	[tilespmem:s5+$0x19030] =	vst v0  }
0x44: {  	[tilespmem:s5+$0x19040] =	vst v0  }
0x45: {  	[tilespmem:s5+$0x19050] =	vst v0  }
0x46: {  	[tilespmem:s5+$0x19060] =	vst v0;
	s5 =	sshra.s32 s15, $0x2;
	s15 =	sadd.s32 $0x200, s15  }
0x47: {  	[tilespmem:s5+$0x19070] =	vst v0  }
0x48: {  	[tilespmem:s5+$0x19000] =	vst v0  }
0x49: {  	[tilespmem:s5+$0x19010] =	vst v0  }
0x4a: {  	[tilespmem:s5+$0x19020] =	vst v0  }
0x4b: {  	[tilespmem:s5+$0x19030] =	vst v0  }
0x4c: {  	[tilespmem:s5+$0x19040] =	vst v0;
	s11 =	sld [smem:$0x7FB]  }
0x4d: {  	[tilespmem:s5+$0x19050] =	vst v0  }
0x4e: {  	[tilespmem:s5+$0x19060] =	vst v0;
	s16 =	simm.s32 $0x19000;
	s17 =	simm.s32 $0xD  }
0x4f: {  	[spmem:s11] =	stream.linear.scatter [tilespmem:s16], [sflag:$0xD], $0x1000, $0x38;
	[tilespmem:$0x1B400] =	vst v63  }
0x50: {  	_ =	swait.ge [sflag:s17], $0x1000  }
0x51: {  	[sflag:s17] =	ssyncset.done $0x0  }
0x52: {  	[sflag:s17] =	ssyncadd.s32 $0xFFFFF000  }
0x53: {  	[bflag:$0x0] =	sbarrier.arrive $0xFFFF  }
0x54: {  	_ =	swait.ge [sflag:s12], $0x6400  }
0x55: {  	[sflag:s12] =	ssyncset.done $0x0  }
0x56: {  	[sflag:s12] =	ssyncadd.s32 $0xFFFF9C00  }
0x57: {  	_ =	swait.ge [sflag:s13], $0x100  }
0x58: {  	[sflag:s13] =	ssyncset.done $0x0  }
0x59: {  	[sflag:s13] =	ssyncadd.s32 $0xFFFFFF00  }
0x5a: {  	[spmem:s4] =	stream.indirect.scatter.add.f32 [tilespmem:s1], [sflag:$0x9], $0x80, s8, s14, $0xb8;
	[tilespmem:$0x1B400] =	vst v63  }
0x5b: {  	s15 =	simm.s32 $0x1A080;
	s16 =	simm.s32 $0x3200  }
0x5c: {  	[spmem:s4] =	stream.indirect.scatter.add.f32 [tilespmem:s16], [sflag:$0x9], $0x80, s15, s14, $0xb8;
	[tilespmem:$0x1B400] =	vst v63  }
0x5d: {  	s21 =	rddreg [dreg:$0x6]  }
0x5e: {  	[tilespmem:s18], [sflag:$0x3] =	stream.linear.gather [hbm4b:s21+s1], $0x6400, $0x38;
	[tilespmem:$0x1B400] =	vst v63  }
0x5f: {  	s28 =	rddreg [dreg:$0x16]  }
0x60: {  	[tilespmem:s31], [sflag:$0x7] =	stream.linear.gather [hbm4b:s28+s1], $0x100, $0x38;
	[tilespmem:$0x1B400] =	vst v63  }
0x61: {  	_ =	swait.ge [sflag:s19], $0x6400  }
0x62: {  	[sflag:s19] =	ssyncset.done $0x0  }
0x63: {  	[sflag:s19] =	ssyncadd.s32 $0xFFFF9C00  }
0x64: {  	_ =	swait.ge [sflag:s20], $0x100  }
0x65: {  	[sflag:s20] =	ssyncset.done $0x0  }
0x66: {  	[sflag:s20] =	ssyncadd.s32 $0xFFFFFF00  }
0x67: {  	[spmem:s4] =	stream.indirect.scatter.add.f32 [tilespmem:s9], [sflag:$0xA], $0x80, s10, s14, $0xb8;
	[tilespmem:$0x1B400] =	vst v63  }
0x68: {  	s8 =	simm.s32 $0x1A180;
	s9 =	simm.s32 $0x9600  }
0x69: {  	[spmem:s4] =	stream.indirect.scatter.add.f32 [tilespmem:s9], [sflag:$0xA], $0x80, s8, s14, $0xb8;
	[tilespmem:$0x1B400] =	vst v63  }
0x6a: {  	s10 =	rddreg [dreg:$0x7]  }
0x6b: {  	[tilespmem:s24], [sflag:$0x4] =	stream.linear.gather [hbm4b:s10+s1], $0x6400, $0x38;
	[tilespmem:$0x1B400] =	vst v63  }
0x6c: {  	s11 =	rddreg [dreg:$0x17];
	s8 =	simm.s32 $0x1A300  }
0x6d: {  	[tilespmem:s8], [sflag:$0x8] =	stream.linear.gather [hbm4b:s11+s1], $0x100, $0x38;
	[tilespmem:$0x1B400] =	vst v63  }
0x6e: {  	_ =	swait.ge [sflag:s25], $0x6400  }
0x6f: {  	[sflag:s25] =	ssyncset.done $0x0  }
0x70: {  	[sflag:s25] =	ssyncadd.s32 $0xFFFF9C00  }
0x71: {  	_ =	swait.ge [sflag:s26], $0x100  }
0x72: {  	[sflag:s26] =	ssyncset.done $0x0  }
0x73: {  	[sflag:s26] =	ssyncadd.s32 $0xFFFFFF00  }
0x74: {  	[spmem:s4] =	stream.indirect.scatter.add.f32 [tilespmem:s18], [sflag:$0xB], $0x80, s31, s14, $0xb8;
	[tilespmem:$0x1B400] =	vst v63  }
0x75: {  	s11 =	simm.s32 $0x1A280  }
0x76: {  	[spmem:s4] =	stream.indirect.scatter.add.f32 [tilespmem:s29], [sflag:$0xB], $0x80, s11, s14, $0xb8;
	[tilespmem:$0x1B400] =	vst v63  }
0x77: {  	_ =	swait.ge [sflag:s30], $0x3200  }
0x78: {  	[sflag:s30] =	ssyncset.done $0x0  }
0x79: {  	[sflag:s30] =	ssyncadd.s32 $0xFFFFCE00  }
0x7a: {  	_ =	swait.ge [sflag:s30], $0x3200  }
0x7b: {  	[sflag:s30] =	ssyncset.done $0x0  }
0x7c: {  	s11 =	rddreg [dreg:$0x8];
	[sflag:s30] =	ssyncadd.s32 $0xFFFFCE00  }
0x7d: {  	[tilespmem:s1], [sflag:$0x1] =	stream.linear.gather [hbm4b:s11+s1], $0x6400, $0x38;
	[tilespmem:$0x1B400] =	vst v63  }
0x7e: {  	s9 =	simm.s32 $0x1A000;
	s11 =	rddreg [dreg:$0x18]  }
0x7f: {  	[tilespmem:s9], [sflag:$0x5] =	stream.linear.gather [hbm4b:s11+s1], $0x100, $0x38;
	[tilespmem:$0x1B400] =	vst v63  }
0x80: {  	_ =	swait.ge [sflag:s23], $0x6400  }
0x81: {  	[sflag:s23] =	ssyncset.done $0x0  }
0x82: {  	[sflag:s23] =	ssyncadd.s32 $0xFFFF9C00  }
0x83: {  	_ =	swait.ge [sflag:s0], $0x100  }
0x84: {  	[sflag:s0] =	ssyncset.done $0x0  }
0x85: {  	[sflag:s0] =	ssyncadd.s32 $0xFFFFFF00  }
0x86: {  	[spmem:s4] =	stream.indirect.scatter.add.f32 [tilespmem:s24], [sflag:$0xC], $0x80, s8, s14, $0xb8;
	[tilespmem:$0x1B400] =	vst v63  }
0x87: {  	s11 =	simm.s32 $0x15E00  }
0x88: {  	[spmem:s4] =	stream.indirect.scatter.add.f32 [tilespmem:s11], [sflag:$0xC], $0x80, s22, s14, $0xb8;
	[tilespmem:$0x1B400] =	vst v63  }
0x89: {  	_ =	swait.ge [sflag:s6], $0x3200  }
0x8a: {  	[sflag:s6] =	ssyncset.done $0x0  }
0x8b: {  	[sflag:s6] =	ssyncadd.s32 $0xFFFFCE00  }
0x8c: {  	_ =	swait.ge [sflag:s6], $0x3200  }
0x8d: {  	[sflag:s6] =	ssyncset.done $0x0  }
0x8e: {  	s10 =	simm.s32 $0x6400;
	s5 =	rddreg [dreg:$0x9];
	[sflag:s6] =	ssyncadd.s32 $0xFFFFCE00  }
0x8f: {  	[tilespmem:s10], [sflag:$0x2] =	stream.linear.gather [hbm4b:s5+s1], $0x6400, $0x38;
	[tilespmem:$0x1B400] =	vst v63  }
0x90: {  	s17 =	simm.s32 $0x1A100;
	s5 =	rddreg [dreg:$0x19]  }
0x91: {  	[tilespmem:s17], [sflag:$0x6] =	stream.linear.gather [hbm4b:s5+s1], $0x100, $0x38;
	[tilespmem:$0x1B400] =	vst v63  }
0x92: {  	_ =	swait.ge [sflag:s12], $0x6400  }
0x93: {  	[sflag:s12] =	ssyncset.done $0x0  }
0x94: {  	[sflag:s12] =	ssyncadd.s32 $0xFFFF9C00  }
0x95: {  	_ =	swait.ge [sflag:s13], $0x100  }
0x96: {  	[sflag:s13] =	ssyncset.done $0x0  }
0x97: {  	[sflag:s13] =	ssyncadd.s32 $0xFFFFFF00  }
0x98: {  	[spmem:s4] =	stream.indirect.scatter.add.f32 [tilespmem:s1], [sflag:$0x9], $0x80, s9, s14, $0xb8;
	[tilespmem:$0x1B400] =	vst v63  }
0x99: {  	_ = 	snop  }
0x9a: {  	[spmem:s4] =	stream.indirect.scatter.add.f32 [tilespmem:s16], [sflag:$0x9], $0x80, s15, s14, $0xb8;
	[tilespmem:$0x1B400] =	vst v63  }
0x9b: {  	_ =	swait.ge [sflag:s7], $0x3200  }
0x9c: {  	[sflag:s7] =	ssyncset.done $0x0  }
0x9d: {  	[sflag:s7] =	ssyncadd.s32 $0xFFFFCE00  }
0x9e: {  	_ =	swait.ge [sflag:s7], $0x3200  }
0x9f: {  	[sflag:s7] =	ssyncset.done $0x0  }
0xa0: {  	s5 =	rddreg [dreg:$0xa];
	[sflag:s7] =	ssyncadd.s32 $0xFFFFCE00  }
0xa1: {  	[tilespmem:s18], [sflag:$0x3] =	stream.linear.gather [hbm4b:s5+s1], $0x6400, $0x38;
	[tilespmem:$0x1B400] =	vst v63  }
0xa2: {  	s5 =	rddreg [dreg:$0x1a]  }
0xa3: {  	[tilespmem:s31], [sflag:$0x7] =	stream.linear.gather [hbm4b:s5+s1], $0x100, $0x38;
	[tilespmem:$0x1B400] =	vst v63  }
0xa4: {  	_ =	swait.ge [sflag:s19], $0x6400  }
0xa5: {  	[sflag:s19] =	ssyncset.done $0x0  }
0xa6: {  	[sflag:s19] =	ssyncadd.s32 $0xFFFF9C00  }
0xa7: {  	_ =	swait.ge [sflag:s20], $0x100  }
0xa8: {  	[sflag:s20] =	ssyncset.done $0x0  }
0xa9: {  	[sflag:s20] =	ssyncadd.s32 $0xFFFFFF00  }
0xaa: {  	[spmem:s4] =	stream.indirect.scatter.add.f32 [tilespmem:s10], [sflag:$0xA], $0x80, s17, s14, $0xb8;
	[tilespmem:$0x1B400] =	vst v63  }
0xab: {  	s21 =	simm.s32 $0x9600;
	s28 =	simm.s32 $0x1A180  }
0xac: {  	[spmem:s4] =	stream.indirect.scatter.add.f32 [tilespmem:s21], [sflag:$0xA], $0x80, s28, s14, $0xb8;
	[tilespmem:$0x1B400] =	vst v63  }
0xad: {  	_ =	swait.ge [sflag:s2], $0x3200  }
0xae: {  	[sflag:s2] =	ssyncset.done $0x0  }
0xaf: {  	[sflag:s2] =	ssyncadd.s32 $0xFFFFCE00  }
0xb0: {  	_ =	swait.ge [sflag:s2], $0x3200  }
0xb1: {  	[sflag:s2] =	ssyncset.done $0x0  }
0xb2: {  	s28 =	rddreg [dreg:$0xb];
	[sflag:s2] =	ssyncadd.s32 $0xFFFFCE00  }
0xb3: {  	[tilespmem:s24], [sflag:$0x4] =	stream.linear.gather [hbm4b:s28+s1], $0x6400, $0x38;
	[tilespmem:$0x1B400] =	vst v63  }
0xb4: {  	s28 =	rddreg [dreg:$0x1b]  }
0xb5: {  	[tilespmem:s8], [sflag:$0x8] =	stream.linear.gather [hbm4b:s28+s1], $0x100, $0x38;
	[tilespmem:$0x1B400] =	vst v63  }
0xb6: {  	_ =	swait.ge [sflag:s25], $0x6400  }
0xb7: {  	[sflag:s25] =	ssyncset.done $0x0  }
0xb8: {  	[sflag:s25] =	ssyncadd.s32 $0xFFFF9C00  }
0xb9: {  	_ =	swait.ge [sflag:s26], $0x100  }
0xba: {  	[sflag:s26] =	ssyncset.done $0x0  }
0xbb: {  	[sflag:s26] =	ssyncadd.s32 $0xFFFFFF00  }
0xbc: {  	[spmem:s4] =	stream.indirect.scatter.add.f32 [tilespmem:s18], [sflag:$0xB], $0x80, s31, s14, $0xb8;
	[tilespmem:$0x1B400] =	vst v63  }
0xbd: {  	s28 =	simm.s32 $0x1A280  }
0xbe: {  	[spmem:s4] =	stream.indirect.scatter.add.f32 [tilespmem:s29], [sflag:$0xB], $0x80, s28, s14, $0xb8;
	[tilespmem:$0x1B400] =	vst v63  }
0xbf: {  	_ =	swait.ge [sflag:s30], $0x3200  }
0xc0: {  	[sflag:s30] =	ssyncset.done $0x0  }
0xc1: {  	[sflag:s30] =	ssyncadd.s32 $0xFFFFCE00  }
0xc2: {  	_ =	swait.ge [sflag:s30], $0x3200  }
0xc3: {  	[sflag:s30] =	ssyncset.done $0x0  }
0xc4: {  	s5 =	rddreg [dreg:$0xc];
	[sflag:s30] =	ssyncadd.s32 $0xFFFFCE00  }
0xc5: {  	[tilespmem:s1], [sflag:$0x1] =	stream.linear.gather [hbm4b:s5+s1], $0x6400, $0x38;
	[tilespmem:$0x1B400] =	vst v63  }
0xc6: {  	s5 =	rddreg [dreg:$0x1c]  }
0xc7: {  	[tilespmem:s9], [sflag:$0x5] =	stream.linear.gather [hbm4b:s5+s1], $0x100, $0x38;
	[tilespmem:$0x1B400] =	vst v63  }
0xc8: {  	_ =	swait.ge [sflag:s23], $0x6400  }
0xc9: {  	[sflag:s23] =	ssyncset.done $0x0  }
0xca: {  	[sflag:s23] =	ssyncadd.s32 $0xFFFF9C00  }
0xcb: {  	_ =	swait.ge [sflag:s0], $0x100  }
0xcc: {  	[sflag:s0] =	ssyncset.done $0x0  }
0xcd: {  	[sflag:s0] =	ssyncadd.s32 $0xFFFFFF00  }
0xce: {  	[spmem:s4] =	stream.indirect.scatter.add.f32 [tilespmem:s24], [sflag:$0xC], $0x80, s8, s14, $0xb8;
	[tilespmem:$0x1B400] =	vst v63  }
0xcf: {  	_ = 	snop  }
0xd0: {  	[spmem:s4] =	stream.indirect.scatter.add.f32 [tilespmem:s11], [sflag:$0xC], $0x80, s22, s14, $0xb8;
	[tilespmem:$0x1B400] =	vst v63  }
0xd1: {  	_ =	swait.ge [sflag:s6], $0x3200  }
0xd2: {  	[sflag:s6] =	ssyncset.done $0x0  }
0xd3: {  	[sflag:s6] =	ssyncadd.s32 $0xFFFFCE00  }
0xd4: {  	_ =	swait.ge [sflag:s6], $0x3200  }
0xd5: {  	[sflag:s6] =	ssyncset.done $0x0  }
0xd6: {  	s5 =	rddreg [dreg:$0xd];
	[sflag:s6] =	ssyncadd.s32 $0xFFFFCE00  }
0xd7: {  	[tilespmem:s10], [sflag:$0x2] =	stream.linear.gather [hbm4b:s5+s1], $0x6400, $0x38;
	[tilespmem:$0x1B400] =	vst v63  }
0xd8: {  	s5 =	rddreg [dreg:$0x1d]  }
0xd9: {  	[tilespmem:s17], [sflag:$0x6] =	stream.linear.gather [hbm4b:s5+s1], $0x100, $0x38;
	[tilespmem:$0x1B400] =	vst v63  }
0xda: {  	_ =	swait.ge [sflag:s12], $0x6400  }
0xdb: {  	[sflag:s12] =	ssyncset.done $0x0  }
0xdc: {  	[sflag:s12] =	ssyncadd.s32 $0xFFFF9C00  }
0xdd: {  	_ =	swait.ge [sflag:s13], $0x100  }
0xde: {  	[sflag:s13] =	ssyncset.done $0x0  }
0xdf: {  	[sflag:s13] =	ssyncadd.s32 $0xFFFFFF00  }
0xe0: {  	[spmem:s4] =	stream.indirect.scatter.add.f32 [tilespmem:s1], [sflag:$0x9], $0x80, s9, s14, $0xb8;
	[tilespmem:$0x1B400] =	vst v63  }
0xe1: {  	_ = 	snop  }
0xe2: {  	[spmem:s4] =	stream.indirect.scatter.add.f32 [tilespmem:s16], [sflag:$0x9], $0x80, s15, s14, $0xb8;
	[tilespmem:$0x1B400] =	vst v63  }
0xe3: {  	_ =	swait.ge [sflag:s7], $0x3200  }
0xe4: {  	[sflag:s7] =	ssyncset.done $0x0  }
0xe5: {  	[sflag:s7] =	ssyncadd.s32 $0xFFFFCE00  }
0xe6: {  	_ =	swait.ge [sflag:s7], $0x3200  }
0xe7: {  	[sflag:s7] =	ssyncset.done $0x0  }
0xe8: {  	s5 =	rddreg [dreg:$0xe];
	[sflag:s7] =	ssyncadd.s32 $0xFFFFCE00  }
0xe9: {  	[tilespmem:s18], [sflag:$0x3] =	stream.linear.gather [hbm4b:s5+s1], $0x6400, $0x38;
	[tilespmem:$0x1B400] =	vst v63  }
0xea: {  	s5 =	rddreg [dreg:$0x1e]  }
0xeb: {  	[tilespmem:s31], [sflag:$0x7] =	stream.linear.gather [hbm4b:s5+s1], $0x100, $0x38;
	[tilespmem:$0x1B400] =	vst v63  }
0xec: {  	_ =	swait.ge [sflag:s19], $0x6400  }
0xed: {  	[sflag:s19] =	ssyncset.done $0x0  }
0xee: {  	[sflag:s19] =	ssyncadd.s32 $0xFFFF9C00  }
0xef: {  	_ =	swait.ge [sflag:s20], $0x100  }
0xf0: {  	[sflag:s20] =	ssyncset.done $0x0  }
0xf1: {  	[sflag:s20] =	ssyncadd.s32 $0xFFFFFF00  }
0xf2: {  	[spmem:s4] =	stream.indirect.scatter.add.f32 [tilespmem:s10], [sflag:$0xA], $0x80, s17, s14, $0xb8;
	[tilespmem:$0x1B400] =	vst v63  }
0xf3: {  	s21 =	simm.s32 $0x1A180;
	s17 =	simm.s32 $0x9600  }
0xf4: {  	[spmem:s4] =	stream.indirect.scatter.add.f32 [tilespmem:s17], [sflag:$0xA], $0x80, s21, s14, $0xb8;
	[tilespmem:$0x1B400] =	vst v63  }
0xf5: {  	_ =	swait.ge [sflag:s2], $0x3200  }
0xf6: {  	[sflag:s2] =	ssyncset.done $0x0  }
0xf7: {  	[sflag:s2] =	ssyncadd.s32 $0xFFFFCE00  }
0xf8: {  	_ =	swait.ge [sflag:s2], $0x3200  }
0xf9: {  	[sflag:s2] =	ssyncset.done $0x0  }
0xfa: {  	s5 =	rddreg [dreg:$0xf];
	[sflag:s2] =	ssyncadd.s32 $0xFFFFCE00  }
0xfb: {  	[tilespmem:s24], [sflag:$0x4] =	stream.linear.gather [hbm4b:s5+s1], $0x6400, $0x38;
	[tilespmem:$0x1B400] =	vst v63  }
0xfc: {  	s5 =	rddreg [dreg:$0x1f]  }
0xfd: {  	[tilespmem:s8], [sflag:$0x8] =	stream.linear.gather [hbm4b:s5+s1], $0x100, $0x38;
	[tilespmem:$0x1B400] =	vst v63  }
0xfe: {  	_ =	swait.ge [sflag:s25], $0x6400  }
0xff: {  	[sflag:s25] =	ssyncset.done $0x0  }
0x100: {  	[sflag:s25] =	ssyncadd.s32 $0xFFFF9C00  }
0x101: {  	_ =	swait.ge [sflag:s26], $0x100  }
0x102: {  	[sflag:s26] =	ssyncset.done $0x0  }
0x103: {  	[sflag:s26] =	ssyncadd.s32 $0xFFFFFF00  }
0x104: {  	[spmem:s4] =	stream.indirect.scatter.add.f32 [tilespmem:s18], [sflag:$0xB], $0x80, s31, s14, $0xb8;
	[tilespmem:$0x1B400] =	vst v63  }
0x105: {  	s28 =	simm.s32 $0x1A280  }
0x106: {  	[spmem:s4] =	stream.indirect.scatter.add.f32 [tilespmem:s29], [sflag:$0xB], $0x80, s28, s14, $0xb8;
	[tilespmem:$0x1B400] =	vst v63  }
0x107: {  	_ =	swait.ge [sflag:s30], $0x3200  }
0x108: {  	[sflag:s30] =	ssyncset.done $0x0  }
0x109: {  	[sflag:s30] =	ssyncadd.s32 $0xFFFFCE00  }
0x10a: {  	_ =	swait.ge [sflag:s30], $0x3200  }
0x10b: {  	[sflag:s30] =	ssyncset.done $0x0  }
0x10c: {  	s5 =	rddreg [dreg:$0x10];
	[sflag:s30] =	ssyncadd.s32 $0xFFFFCE00  }
0x10d: {  	[tilespmem:s1], [sflag:$0x1] =	stream.linear.gather [hbm4b:s5+s1], $0x6400, $0x38;
	[tilespmem:$0x1B400] =	vst v63  }
0x10e: {  	s5 =	sld [smem:$0x7F7];
	_ =	sdelay $0x2  }
0x10f: {  	[tilespmem:s9], [sflag:$0x5] =	stream.linear.gather [hbm4b:s5+s1], $0x100, $0x38;
	[tilespmem:$0x1B400] =	vst v63  }
0x110: {  	_ =	swait.ge [sflag:s23], $0x6400  }
0x111: {  	[sflag:s23] =	ssyncset.done $0x0  }
0x112: {  	[sflag:s23] =	ssyncadd.s32 $0xFFFF9C00  }
0x113: {  	_ =	swait.ge [sflag:s0], $0x100  }
0x114: {  	[sflag:s0] =	ssyncset.done $0x0  }
0x115: {  	[sflag:s0] =	ssyncadd.s32 $0xFFFFFF00  }
0x116: {  	[spmem:s4] =	stream.indirect.scatter.add.f32 [tilespmem:s24], [sflag:$0xC], $0x80, s8, s14, $0xb8;
	[tilespmem:$0x1B400] =	vst v63  }
0x117: {  	_ = 	snop  }
0x118: {  	[spmem:s4] =	stream.indirect.scatter.add.f32 [tilespmem:s11], [sflag:$0xC], $0x80, s22, s14, $0xb8;
	[tilespmem:$0x1B400] =	vst v63  }
0x119: {  	_ =	swait.ge [sflag:s6], $0x3200  }
0x11a: {  	[sflag:s6] =	ssyncset.done $0x0  }
0x11b: {  	[sflag:s6] =	ssyncadd.s32 $0xFFFFCE00  }
0x11c: {  	_ =	swait.ge [sflag:s6], $0x3200  }
0x11d: {  	[sflag:s6] =	ssyncset.done $0x0  }
0x11e: {  	s9 =	simm.s32 $0x6400;
	s11 =	rddreg [dreg:$0x11];
	[sflag:s6] =	ssyncadd.s32 $0xFFFFCE00  }
0x11f: {  	[tilespmem:s9], [sflag:$0x2] =	stream.linear.gather [hbm4b:s11+s1], $0x6400, $0x38;
	[tilespmem:$0x1B400] =	vst v63  }
0x120: {  	s11 =	sld [smem:$0x7F8];
	_ =	sdelay $0x1  }
0x121: {  	s10 =	simm.s32 $0x1A100  }
0x122: {  	[tilespmem:s10], [sflag:$0x6] =	stream.linear.gather [hbm4b:s11+s1], $0x100, $0x38;
	[tilespmem:$0x1B400] =	vst v63  }
0x123: {  	_ =	swait.ge [sflag:s12], $0x6400  }
0x124: {  	[sflag:s12] =	ssyncset.done $0x0  }
0x125: {  	[sflag:s12] =	ssyncadd.s32 $0xFFFF9C00  }
0x126: {  	_ =	swait.ge [sflag:s13], $0x100  }
0x127: {  	[sflag:s13] =	ssyncset.done $0x0  }
0x128: {  	s8 =	simm.s32 $0x1A000;
	[sflag:s13] =	ssyncadd.s32 $0xFFFFFF00  }
0x129: {  	[spmem:s4] =	stream.indirect.scatter.add.f32 [tilespmem:s1], [sflag:$0x9], $0x80, s8, s14, $0xb8;
	[tilespmem:$0x1B400] =	vst v63  }
0x12a: {  	_ = 	snop  }
0x12b: {  	[spmem:s4] =	stream.indirect.scatter.add.f32 [tilespmem:s16], [sflag:$0x9], $0x80, s15, s14, $0xb8;
	[tilespmem:$0x1B400] =	vst v63  }
0x12c: {  	_ =	swait.ge [sflag:s7], $0x3200  }
0x12d: {  	[sflag:s7] =	ssyncset.done $0x0  }
0x12e: {  	[sflag:s7] =	ssyncadd.s32 $0xFFFFCE00  }
0x12f: {  	_ =	swait.ge [sflag:s7], $0x3200  }
0x130: {  	[sflag:s7] =	ssyncset.done $0x0;
	s15 =	rddreg [dreg:$0x12]  }
0x131: {  	s16 =	sld [smem:$0x7F9];
	[sflag:s7] =	ssyncadd.s32 $0xFFFFCE00  }
0x132: {  	[tilespmem:s18], [sflag:$0x3] =	stream.linear.gather [hbm4b:s15+s1], $0x6400, $0x38;
	[tilespmem:$0x1B400] =	vst v63  }
0x133: {  	_ = 	snop  }
0x134: {  	[tilespmem:s31], [sflag:$0x7] =	stream.linear.gather [hbm4b:s16+s1], $0x100, $0x38;
	[tilespmem:$0x1B400] =	vst v63  }
0x135: {  	_ =	swait.ge [sflag:s19], $0x6400  }
0x136: {  	[sflag:s19] =	ssyncset.done $0x0  }
0x137: {  	[sflag:s19] =	ssyncadd.s32 $0xFFFF9C00  }
0x138: {  	_ =	swait.ge [sflag:s20], $0x100  }
0x139: {  	[sflag:s20] =	ssyncset.done $0x0  }
0x13a: {  	[sflag:s20] =	ssyncadd.s32 $0xFFFFFF00  }
0x13b: {  	[spmem:s4] =	stream.indirect.scatter.add.f32 [tilespmem:s9], [sflag:$0xA], $0x80, s10, s14, $0xb8;
	[tilespmem:$0x1B400] =	vst v63  }
0x13c: {  	s21 =	simm.s32 $0x9600;
	s17 =	simm.s32 $0x1A180  }
0x13d: {  	[spmem:s4] =	stream.indirect.scatter.add.f32 [tilespmem:s21], [sflag:$0xA], $0x80, s17, s14, $0xb8;
	[tilespmem:$0x1B400] =	vst v63  }
0x13e: {  	_ =	swait.ge [sflag:s25], $0x6400  }
0x13f: {  	[sflag:s25] =	ssyncset.done $0x0  }
0x140: {  	[sflag:s25] =	ssyncadd.s32 $0xFFFF9C00  }
0x141: {  	_ =	swait.ge [sflag:s26], $0x100  }
0x142: {  	[sflag:s26] =	ssyncset.done $0x0  }
0x143: {  	[sflag:s26] =	ssyncadd.s32 $0xFFFFFF00  }
0x144: {  	[spmem:s4] =	stream.indirect.scatter.add.f32 [tilespmem:s18], [sflag:$0xB], $0x80, s31, s14, $0xb8;
	[tilespmem:$0x1B400] =	vst v63  }
0x145: {  	s28 =	simm.s32 $0x1A280  }
0x146: {  	[spmem:s4] =	stream.indirect.scatter.add.f32 [tilespmem:s29], [sflag:$0xB], $0x80, s28, s14, $0xb8;
	[tilespmem:$0x1B400] =	vst v63  }
0x147: {  	_ =	swait.ge [sflag:s30], $0x3200  }
0x148: {  	[sflag:s30] =	ssyncset.done $0x0  }
0x149: {  	[sflag:s30] =	ssyncadd.s32 $0xFFFFCE00  }
0x14a: {  	_ =	swait.ge [sflag:s30], $0x3200  }
0x14b: {  	[sflag:s30] =	ssyncset.done $0x0  }
0x14c: {  	[sflag:s30] =	ssyncadd.s32 $0xFFFFCE00  }
0x14d: {  	_ =	swait.ge [sflag:s6], $0x3200  }
0x14e: {  	[sflag:s6] =	ssyncset.done $0x0  }
0x14f: {  	[sflag:s6] =	ssyncadd.s32 $0xFFFFCE00  }
0x150: {  	_ =	swait.ge [sflag:s6], $0x3200  }
0x151: {  	[sflag:s6] =	ssyncset.done $0x0  }
0x152: {  	[sflag:s6] =	ssyncadd.s32 $0xFFFFCE00  }
0x153: {  	_ =	swait.ge [sflag:s7], $0x3200  }
0x154: {  	[sflag:s7] =	ssyncset.done $0x0  }
0x155: {  	[sflag:s7] =	ssyncadd.s32 $0xFFFFCE00  }
0x156: {  	_ =	swait.ge [sflag:s7], $0x3200  }
0x157: {  	[sflag:s7] =	ssyncset.done $0x0  }
0x158: {  	[sflag:s7] =	ssyncadd.s32 $0xFFFFCE00  }
0x159: {  	_ =	swait.ge [sflag:s2], $0x3200  }
0x15a: {  	[sflag:s2] =	ssyncset.done $0x0  }
0x15b: {  	[sflag:s2] =	ssyncadd.s32 $0xFFFFCE00  }
0x15c: {  	_ =	swait.ge [sflag:s2], $0x3200  }
0x15d: {  	[sflag:s2] =	ssyncset.done $0x0  }
0x15e: {  	s5 =	simm.s32 @!p0 $0x0;
	s15 =	rddreg [dreg:$0x13];
	[sflag:s2] =	ssyncadd.s32 $0xFFFFCE00  }
0x15f: {  	[tilespmem:s5], [sflag:$0xD] =	stream.linear.gather @!p0 [hbm4b:s15+s5], $0x6400, $0x38;
	[tilespmem:$0x1B400] =	vst v63  }
0x160: {  	s15 =	simm.s32 @!p0 $0xD  }
0x161: {  	_ =	swait.ge @!p0 [sflag:s15], $0x6400  }
0x162: {  	s21 =	sld [smem:$0x7FA]  }
0x163: {  	[sflag:s15] =	ssyncset.done @!p0 $0x0  }
0x164: {  	s16 =	simm.s32 @!p0 $0x1A000;
	[sflag:s15] =	ssyncadd.s32 @!p0 $0xFFFF9C00  }
0x165: {  	[tilespmem:s16], [sflag:$0xD] =	stream.linear.gather @!p0 [hbm4b:s21+s5], $0x100, $0x38;
	[tilespmem:$0x1B400] =	vst v63  }
0x166: {  	_ =	swait.ge @!p0 [sflag:s15], $0x100  }
0x167: {  	[sflag:s15] =	ssyncset.done @!p0 $0x0  }
0x168: {  	s21 =	simm.s32 @!p0 $0x64;
	[sflag:s15] =	ssyncadd.s32 @!p0 $0xFFFFFF00  }
0x169: {  	[spmem:s4] =	stream.indirect.scatter.add.f32 @!p0 [tilespmem:s5], [sflag:$0xD], $0x80, s16, s21, $0xb8;
	[tilespmem:$0x1B400] =	vst v63  }
0x16a: {  	_ =	swait.ge @!p0 [sflag:s15], $0x3200  }
0x16b: {  	[sflag:s15] =	ssyncset.done @!p0 $0x0  }
0x16c: {  	s5 =	simm.s32 @!p0 $0x1A080;
	s16 =	simm.s32 @!p0 $0x3200;
	[sflag:s15] =	ssyncadd.s32 @!p0 $0xFFFFCE00  }
0x16d: {  	[spmem:s4] =	stream.indirect.scatter.add.f32 @!p0 [tilespmem:s16], [sflag:$0xD], $0x80, s5, s21, $0xb8;
	[tilespmem:$0x1B400] =	vst v63  }
0x16e: {  	_ =	swait.ge @!p0 [sflag:s15], $0x3200  }
0x16f: {  	[sflag:s15] =	ssyncset.done @!p0 $0x0  }
0x170: {  	[sflag:s15] =	ssyncadd.s32 @!p0 $0xFFFFCE00  }
0x171: {  	[bflag:$0x0] =	sbarrier.arrive $0xFFFF  }
0x172: {  	s21 =	sld [smem:$0x7FB]  }
0x173: {  	s17 =	stileid.u32;
	s11 =	sld [smem:$0x7FC]  }
0x174: {  	s5 =	sshll.u32 s17, $0x6  }
0x175: {  	s17 =	simm.s32 $0xD;
	s5 =	sor.u32 $0x1C0D, s5;
	s28 =	sshrl.u32 s21, $0x3  }
0x176: {  	[hbm:s11], [sflag:s5] =	dma.local [spmem:s28], $0x200  }
0x177: {  	_ =	swait.ge [sflag:s17], $0x200  }
0x178: {  	s28 =	sld [smem:$0x7FD];
	_ =	sdelay $0x1  }
0x179: {  	s3 =	sadd.s32 $0x1, s3  }
0x17a: {  	p1 =	sne.s32 s3, s28  }
.Ltmp1:
0x17b: {  	_ = 	snop;
	(pc) =	sbr.rel @p1 .LBB2_1-.Ltmp1, $3  }
0x17c: {  	_ =	sdelay $0x1  }
0x17d: {  	s21 =	simm.s32 $0xD;
	[sflag:s17] =	ssyncset.done $0x0  }
0x17e: {  	[sflag:s21] =	ssyncadd.s32 $0xFFFFFE00  }
0x17f: {  	_ =	sfence.sel $0x180000  }
0x180: {  	[bflag:$0x0] =	sbarrier.arrive $0xFFFF  }
0x181: {  	_ =	strace $0x90000047  }
0x182: {  	s0 =	stileid.u32;
	[bflag:$0x2] =	sbarrier.arrive $0xFFFF  }
0x183: {  	p0 =	sne.s32 s0, $0x0;
	s0 =	rddreg [dreg:$0x3]  }
0x184: {  	s0 =	sadd.s32 @!p0 $0x100000, s0  }
0x185: {  	[sflag:s0] =	ssyncadd.tile.s32 @!p0 $0x1;
	_ =	shalt  }
.Lfunc_end2:
_tile_overlayer_lowered:
.L_overlay_start_2:
0x186: {  	(tag) =	ssettag $0x2  }
0x187: {  	s0 =	rddreg [dreg:$0x0];
	s2 =	stileid.u32  }
0x188: {  	s1 =	rddreg [dreg:$0x1];
	p0 =	sne.s32 s2, $0x0  }
0x189: {  	s3 =	rddreg [dreg:$0x2];
	[bflag:$0x3] =	sbarrier.arrive $0xFFFF;
	s2 =	simm.s32 @!p0 $0x1C0D  }
0x18a: {  	[timem:s3], [sflag:s2] =	dma.local @!p0 [hbm:s0], s1  }
0x18b: {  	s0 =	simm.s32 @!p0 $0xD  }
0x18c: {  	_ =	swait.ge @!p0 [sflag:s0], s1  }
0x18d: {  	s1 =	ssub.s32 @!p0 $0x0, s1;
	[sflag:s0] =	ssyncset.done @!p0 $0x0  }
0x18e: {  	[sflag:s0] =	ssyncadd.s32 @!p0 s1  }
0x18f: {  	[bflag:$0x3] =	sbarrier.arrive $0xFFFF  }
0x190: {  	_ =	shalt  }

</sc_bundles>
